<compile_context>
chip_gen: v7x
topology: tpu7x:2x2x1
jax: 0.10.2.dev20260603
libtpu: 0.0.44.dev20260713+nightly
codegen_flags: <defaults>
</compile_context>

<pallas_src>
import functools

import jax
import jax.numpy as jnp
from jax import lax
from jax.experimental import pallas as pl
from jax.experimental.pallas import tpu as pltpu
from jax.experimental.pallas import tpu_sc as plsc

N = 4096
NC = 2
NS = 16
L = 16
NW = NC * NS
NV = N // L
NUM_CLASSES = 5
BUCKET_ALIGN = 4 * L
PAD = NUM_CLASSES * BUCKET_ALIGN + L
BIG = 1e30

_DNUMS = lax.GatherDimensionNumbers(
    offset_dims=(), collapsed_slice_dims=(0,), start_index_map=(0,)
)


def _bcast(vec, lane):
    idx = jnp.full((L, 1), lane, jnp.int32)
    return lax.gather(
        vec, idx, _DNUMS, slice_sizes=(1,),
        mode=lax.GatherScatterMode.PROMISE_IN_BOUNDS,
    )


def _scalar(vec):
    return lax.squeeze(lax.slice(vec, (0,), (1,)), dimensions=(0,))


def _sc_body(pc_hbm, out_hbm, pc_v, p_s, res_v, sem):
    cid = lax.axis_index("c")
    sid = lax.axis_index("s")
    wid = sid * NC + cid
    pltpu.async_copy(pc_hbm, pc_v, sem).wait()
    lanes = lax.iota(jnp.int32, L)
    posbig = jnp.full((L,), BIG, jnp.float32)

    def hist_body(k, nas):
        cv = pc_v[pl.ds(N + k * L, L)]
        p_s[pl.ds(k * L, L)] = posbig
        return tuple(
            nas[a] + plsc.all_reduce_population_count(cv == a)
            for a in range(NUM_CLASSES)
        )

    nas = lax.fori_loop(
        0, NV, hist_body, tuple(jnp.zeros((L,), jnp.int32) for _ in range(NUM_CLASSES))
    )
    for k in range(NV, (N + PAD) // L):
        p_s[pl.ds(k * L, L)] = posbig

    pns = [((na + (BUCKET_ALIGN - 1)) // BUCKET_ALIGN) * BUCKET_ALIGN for na in nas]
    poff_v = [jnp.zeros((L,), jnp.int32)]
    for a in range(NUM_CLASSES):
        poff_v.append(poff_v[a] + pns[a])
    poff = [_scalar(v) for v in poff_v]

    def compact_body(k, poss):
        pv = plsc.bitcast(pc_v[pl.ds(k * L, L)], jnp.float32)
        cv = pc_v[pl.ds(N + k * L, L)]
        out = []
        for a in range(NUM_CLASSES):
            m = cv == a
            plsc.store_compressed(p_s.at[pl.ds(poss[a], L)], pv, mask=m)
            out.append(poss[a] + _scalar(plsc.all_reduce_population_count(m)))
        return tuple(out)

    lax.fori_loop(0, NV, compact_body, tuple(poff[:NUM_CLASSES]))

    jhi4 = poff[NUM_CLASSES] // BUCKET_ALIGN
    n_mine = (poff[NUM_CLASSES] // L - wid + (NW - 1)) // NW

    def iv_body(t, tot):
        v = wid + t * NW
        base = v * L
        piv = p_s[pl.ds(base, L)]
        piv = jnp.where(piv < BIG * 0.5, piv, -BIG)
        acls = jnp.int32(0)
        for b in range(1, NUM_CLASSES):
            acls = acls + jnp.where(base >= poff[b], 1, 0).astype(jnp.int32)
        jstart = poff[NUM_CLASSES]
        for b in range(NUM_CLASSES - 1, 0, -1):
            jstart = jnp.where(acls == b - 1, poff[b], jstart)
        pis = [_bcast(piv, l) for l in range(L)]

        def j_body(j, accs):
            pjs = [p_s[pl.ds(j * BUCKET_ALIGN + k * L, L)] for k in range(4)]
            out = []
            for k in range(4):
                r = [jnp.maximum(pi - pjs[k], 0.0) for pi in pis]
                while len(r) > 1:
                    r = [r[m] + r[m + 1] for m in range(0, len(r), 2)]
                out.append(accs[k] + r[0])
            return tuple(out)

        accs = lax.fori_loop(
            jstart // BUCKET_ALIGN, jhi4, j_body,
            tuple(jnp.zeros((L,), jnp.float32) for _ in range(4)),
        )
        return tot + ((accs[0] + accs[1]) + (accs[2] + accs[3]))

    total = lax.fori_loop(0, n_mine, iv_body, jnp.zeros((L,), jnp.float32))

    hist = jnp.zeros((L,), jnp.float32)
    for a in range(NUM_CLASSES):
        hist = jnp.where(lanes == a, nas[a].astype(jnp.float32), hist)

    res_v[pl.ds(0, L)] = total
    res_v[pl.ds(L, L)] = hist
    pltpu.sync_copy(res_v, out_hbm.at[wid])


@jax.jit
def kernel(prediction, label):
    fused = jnp.concatenate(
        [lax.bitcast_convert_type(prediction, jnp.int32), label.astype(jnp.int32)]
    )
    mesh = plsc.VectorSubcoreMesh(
        core_axis_name="c", subcore_axis_name="s", num_cores=NC, num_subcores=NS
    )
    parts = pl.kernel(
        _sc_body,
        out_type=jax.ShapeDtypeStruct((NW, 2 * L), jnp.float32),
        mesh=mesh,
        compiler_params=pltpu.CompilerParams(needs_layout_passes=False),
        scratch_types=[
            pltpu.VMEM((2 * N,), jnp.int32),
            pltpu.VMEM((N + PAD,), jnp.float32),
            pltpu.VMEM((2 * L,), jnp.float32),
            pltpu.SemaphoreType.DMA,
        ],
    )(fused)
    s = jnp.sum(parts[:, :L])
    hist = parts[0, L:]
    n_pairs = (jnp.float32(N) * jnp.float32(N) - jnp.sum(hist * hist)) * 0.5
    return jnp.where(n_pairs > 0, s / n_pairs, jnp.float32(0.0))

# --- scband reference (transcript-rebuilt; emitter-appended) ---
"""Pipeline reference for scband-multi-class-margin-ranking-loss-58420145160587 (READ-ONLY COPY).

The authoritative reference and input builder live on the scoring server;
editing this copy changes nothing except your own understanding.
"""

import jax, jax.numpy as jnp
import numpy as np

MARGIN = 0.0


def setup_inputs(seed: int = 0) -> dict:
    key = jax.random.key(seed)
    k1, k2 = jax.random.split(key)
    prediction = jax.random.normal(k1, (4096,), dtype=jnp.float32)
    label = jax.random.randint(k2, (4096,), 0, 5)
    return {"prediction": prediction, "label": label}


def reference(prediction, label):
    # mask[i, j] = label[j] - label[i] > 0 (all pairs of different class, j ranked above i)
    mask = (label[None, :] - label[:, None]) > 0
    n_pairs = jnp.sum(mask)
    # MarginRankingLoss with target = -1: max(0, -target * (x1 - x2) + margin)
    # where x1 = prediction[i], x2 = prediction[j] over all masked pairs (i, j)
    diff = prediction[:, None] - prediction[None, :]
    loss = jnp.maximum(0.0, diff + MARGIN)
    masked_loss = jnp.where(mask, loss, jnp.zeros((), dtype=prediction.dtype))
    mean_loss = jnp.sum(masked_loss) / n_pairs.astype(prediction.dtype)
    return jnp.where(n_pairs > 0, mean_loss, jnp.sum(prediction) * 0.0)

if __name__ == "__main__":
    import jax
    _d = setup_inputs()
    print(jax.jit(kernel)(*tuple(_d.values())))

</pallas_src>

<mosaic_0001>
#map = affine_map<(d0, d1) -> (0)>
#map1 = affine_map<(d0, d1) -> (0, 0)>
module attributes {stable_mosaic.version = 14 : i64} {
  func.func @_sc_body(%arg0: i32, %arg1: i32, %arg2: memref<8192xi32, #tpu.memory_space<hbm>>, %arg3: memref<32x32xf32, #tpu.memory_space<hbm>>, %arg4: memref<8192xi32, #tpu.memory_space<vmem>>, %arg5: memref<4432xf32, #tpu.memory_space<vmem>>, %arg6: memref<32xf32, #tpu.memory_space<vmem>>, %arg7: memref<!tpu.dma_semaphore, #tpu.memory_space<semaphore_mem>>) attributes {dimension_semantics = [#tpu.dimension_semantics<core_parallel>, #tpu.dimension_semantics<subcore_parallel>], iteration_bounds = array<i64: 2, 16>, scalar_prefetch = 0 : i64, scratch_operands = 4 : i64, tpu.core_type = #tpu.core_type<sc_vector_subcore>, window_params = [{transform_indices = #map}, {transform_indices = #map1}]} {
    %mul3A = arith.constant 2 : i32
    %mul3A_0 = arith.muli %arg1, %mul3A : i32
    %add3A = arith.addi %mul3A_0, %arg0 : i32
    tpu.enqueue_dma source(%arg2 : memref<8192xi32, #tpu.memory_space<hbm>>) target(%arg4 : memref<8192xi32, #tpu.memory_space<vmem>>) target_semaphore(%arg7 : memref<!tpu.dma_semaphore, #tpu.memory_space<semaphore_mem>>)
    tpu.wait_dma2 semaphore(%arg7 : memref<!tpu.dma_semaphore, #tpu.memory_space<semaphore_mem>>) src(%arg2 : memref<8192xi32, #tpu.memory_space<hbm>>) dst(%arg4 : memref<8192xi32, #tpu.memory_space<vmem>>)
    %iota3A = tpu.iota {dimensions = array<i32: 0>} : vector<16xi32>
    %broadcast_in_dim3A = arith.constant 1.000000e+30 : f32
    %broadcast_in_dim3A_1 = vector.broadcast %broadcast_in_dim3A : f32 to vector<16xf32>
    %broadcast_in_dim3A_2 = arith.constant 0 : i32
    %broadcast_in_dim3A_3 = vector.broadcast %broadcast_in_dim3A_2 : i32 to vector<16xi32>
    %broadcast_in_dim3A_4 = arith.constant 0 : i32
    %broadcast_in_dim3A_5 = vector.broadcast %broadcast_in_dim3A_4 : i32 to vector<16xi32>
    %broadcast_in_dim3A_6 = arith.constant 0 : i32
    %broadcast_in_dim3A_7 = vector.broadcast %broadcast_in_dim3A_6 : i32 to vector<16xi32>
    %broadcast_in_dim3A_8 = arith.constant 0 : i32
    %broadcast_in_dim3A_9 = vector.broadcast %broadcast_in_dim3A_8 : i32 to vector<16xi32>
    %broadcast_in_dim3A_10 = arith.constant 0 : i32
    %broadcast_in_dim3A_11 = vector.broadcast %broadcast_in_dim3A_10 : i32 to vector<16xi32>
    %scan3A = arith.constant 0 : i32
    %scan3A_12 = arith.constant 256 : i32
    %scan3A_13 = arith.addi %scan3A, %scan3A_12 : i32
    %scan3A_14 = arith.constant 1 : i32
    %scan3A_15:5 = scf.for %scan3A_374 = %scan3A to %scan3A_13 step %scan3A_14 iter_args(%scan3A_375 = %broadcast_in_dim3A_3, %scan3A_376 = %broadcast_in_dim3A_5, %scan3A_377 = %broadcast_in_dim3A_7, %scan3A_378 = %broadcast_in_dim3A_9, %scan3A_379 = %broadcast_in_dim3A_11) -> (vector<16xi32>, vector<16xi32>, vector<16xi32>, vector<16xi32>, vector<16xi32>)  : i32 {
      %mul3A_380 = arith.constant 16 : i32
      %mul3A_381 = arith.muli %scan3A_374, %mul3A_380 : i32
      %add3A_382 = arith.constant 4096 : i32
      %add3A_383 = arith.addi %add3A_382, %mul3A_381 : i32
      %get3A = arith.index_cast %add3A_383 : i32 to index
      %get3A_384 = tpu.vector_load %arg4[%get3A] {strides = array<i32>} : memref<8192xi32, #tpu.memory_space<vmem>>, vector<16xi32>,
      %mul3A_385 = arith.constant 16 : i32
      %mul3A_386 = arith.muli %scan3A_374, %mul3A_385 : i32
      %swap3A_387 = arith.index_cast %mul3A_386 : i32 to index
      %swap3A_388 = tpu.vector_load %arg5[%swap3A_387] {strides = array<i32>} : memref<4432xf32, #tpu.memory_space<vmem>>, vector<16xf32>,
      tpu.vector_store %arg5[%swap3A_387], %broadcast_in_dim3A_1 {strides = array<i32>} : memref<4432xf32, #tpu.memory_space<vmem>>, vector<16xf32>,
      %eq3A_389 = arith.constant 0 : i32
      %eq3A_390 = vector.broadcast %eq3A_389 : i32 to vector<16xi32>
      %eq3A_391 = arith.cmpi eq, %get3A_384, %eq3A_390 : vector<16xi32>
      %all_reduce_population_count3A = tpu.all_reduce %eq3A_391 {dim = 0 : i64, kind = #tpu.reduction_kind<sum>} : vector<16xi1> -> vector<16xi32>
      %add3A_392 = arith.addi %scan3A_375, %all_reduce_population_count3A : vector<16xi32>
      %eq3A_393 = arith.constant 1 : i32
      %eq3A_394 = vector.broadcast %eq3A_393 : i32 to vector<16xi32>
      %eq3A_395 = arith.cmpi eq, %get3A_384, %eq3A_394 : vector<16xi32>
      %all_reduce_population_count3A_396 = tpu.all_reduce %eq3A_395 {dim = 0 : i64, kind = #tpu.reduction_kind<sum>} : vector<16xi1> -> vector<16xi32>
      %add3A_397 = arith.addi %scan3A_376, %all_reduce_population_count3A_396 : vector<16xi32>
      %eq3A_398 = arith.constant 2 : i32
      %eq3A_399 = vector.broadcast %eq3A_398 : i32 to vector<16xi32>
      %eq3A_400 = arith.cmpi eq, %get3A_384, %eq3A_399 : vector<16xi32>
      %all_reduce_population_count3A_401 = tpu.all_reduce %eq3A_400 {dim = 0 : i64, kind = #tpu.reduction_kind<sum>} : vector<16xi1> -> vector<16xi32>
      %add3A_402 = arith.addi %scan3A_377, %all_reduce_population_count3A_401 : vector<16xi32>
      %eq3A_403 = arith.constant 3 : i32
      %eq3A_404 = vector.broadcast %eq3A_403 : i32 to vector<16xi32>
      %eq3A_405 = arith.cmpi eq, %get3A_384, %eq3A_404 : vector<16xi32>
      %all_reduce_population_count3A_406 = tpu.all_reduce %eq3A_405 {dim = 0 : i64, kind = #tpu.reduction_kind<sum>} : vector<16xi1> -> vector<16xi32>
      %add3A_407 = arith.addi %scan3A_378, %all_reduce_population_count3A_406 : vector<16xi32>
      %eq3A_408 = arith.constant 4 : i32
      %eq3A_409 = vector.broadcast %eq3A_408 : i32 to vector<16xi32>
      %eq3A_410 = arith.cmpi eq, %get3A_384, %eq3A_409 : vector<16xi32>
      %all_reduce_population_count3A_411 = tpu.all_reduce %eq3A_410 {dim = 0 : i64, kind = #tpu.reduction_kind<sum>} : vector<16xi1> -> vector<16xi32>
      %add3A_412 = arith.addi %scan3A_379, %all_reduce_population_count3A_411 : vector<16xi32>
      scf.yield %add3A_392, %add3A_397, %add3A_402, %add3A_407, %add3A_412 : vector<16xi32>, vector<16xi32>, vector<16xi32>, vector<16xi32>, vector<16xi32>
    }
    %scan3A_16 = arith.constant 256 : i32
    %swap3A = arith.constant 4096 : index
    %swap3A_17 = tpu.vector_load %arg5[%swap3A] {strides = array<i32>} : memref<4432xf32, #tpu.memory_space<vmem>>, vector<16xf32>,
    tpu.vector_store %arg5[%swap3A], %broadcast_in_dim3A_1 {strides = array<i32>} : memref<4432xf32, #tpu.memory_space<vmem>>, vector<16xf32>,
    %swap3A_18 = arith.constant 4112 : index
    %swap3A_19 = tpu.vector_load %arg5[%swap3A_18] {strides = array<i32>} : memref<4432xf32, #tpu.memory_space<vmem>>, vector<16xf32>,
    tpu.vector_store %arg5[%swap3A_18], %broadcast_in_dim3A_1 {strides = array<i32>} : memref<4432xf32, #tpu.memory_space<vmem>>, vector<16xf32>,
    %swap3A_20 = arith.constant 4128 : index
    %swap3A_21 = tpu.vector_load %arg5[%swap3A_20] {strides = array<i32>} : memref<4432xf32, #tpu.memory_space<vmem>>, vector<16xf32>,
    tpu.vector_store %arg5[%swap3A_20], %broadcast_in_dim3A_1 {strides = array<i32>} : memref<4432xf32, #tpu.memory_space<vmem>>, vector<16xf32>,
    %swap3A_22 = arith.constant 4144 : index
    %swap3A_23 = tpu.vector_load %arg5[%swap3A_22] {strides = array<i32>} : memref<4432xf32, #tpu.memory_space<vmem>>, vector<16xf32>,
    tpu.vector_store %arg5[%swap3A_22], %broadcast_in_dim3A_1 {strides = array<i32>} : memref<4432xf32, #tpu.memory_space<vmem>>, vector<16xf32>,
    %swap3A_24 = arith.constant 4160 : index
    %swap3A_25 = tpu.vector_load %arg5[%swap3A_24] {strides = array<i32>} : memref<4432xf32, #tpu.memory_space<vmem>>, vector<16xf32>,
    tpu.vector_store %arg5[%swap3A_24], %broadcast_in_dim3A_1 {strides = array<i32>} : memref<4432xf32, #tpu.memory_space<vmem>>, vector<16xf32>,
    %swap3A_26 = arith.constant 4176 : index
    %swap3A_27 = tpu.vector_load %arg5[%swap3A_26] {strides = array<i32>} : memref<4432xf32, #tpu.memory_space<vmem>>, vector<16xf32>,
    tpu.vector_store %arg5[%swap3A_26], %broadcast_in_dim3A_1 {strides = array<i32>} : memref<4432xf32, #tpu.memory_space<vmem>>, vector<16xf32>,
    %swap3A_28 = arith.constant 4192 : index
    %swap3A_29 = tpu.vector_load %arg5[%swap3A_28] {strides = array<i32>} : memref<4432xf32, #tpu.memory_space<vmem>>, vector<16xf32>,
    tpu.vector_store %arg5[%swap3A_28], %broadcast_in_dim3A_1 {strides = array<i32>} : memref<4432xf32, #tpu.memory_space<vmem>>, vector<16xf32>,
    %swap3A_30 = arith.constant 4208 : index
    %swap3A_31 = tpu.vector_load %arg5[%swap3A_30] {strides = array<i32>} : memref<4432xf32, #tpu.memory_space<vmem>>, vector<16xf32>,
    tpu.vector_store %arg5[%swap3A_30], %broadcast_in_dim3A_1 {strides = array<i32>} : memref<4432xf32, #tpu.memory_space<vmem>>, vector<16xf32>,
    %swap3A_32 = arith.constant 4224 : index
    %swap3A_33 = tpu.vector_load %arg5[%swap3A_32] {strides = array<i32>} : memref<4432xf32, #tpu.memory_space<vmem>>, vector<16xf32>,
    tpu.vector_store %arg5[%swap3A_32], %broadcast_in_dim3A_1 {strides = array<i32>} : memref<4432xf32, #tpu.memory_space<vmem>>, vector<16xf32>,
    %swap3A_34 = arith.constant 4240 : index
    %swap3A_35 = tpu.vector_load %arg5[%swap3A_34] {strides = array<i32>} : memref<4432xf32, #tpu.memory_space<vmem>>, vector<16xf32>,
    tpu.vector_store %arg5[%swap3A_34], %broadcast_in_dim3A_1 {strides = array<i32>} : memref<4432xf32, #tpu.memory_space<vmem>>, vector<16xf32>,
    %swap3A_36 = arith.constant 4256 : index
    %swap3A_37 = tpu.vector_load %arg5[%swap3A_36] {strides = array<i32>} : memref<4432xf32, #tpu.memory_space<vmem>>, vector<16xf32>,
    tpu.vector_store %arg5[%swap3A_36], %broadcast_in_dim3A_1 {strides = array<i32>} : memref<4432xf32, #tpu.memory_space<vmem>>, vector<16xf32>,
    %swap3A_38 = arith.constant 4272 : index
    %swap3A_39 = tpu.vector_load %arg5[%swap3A_38] {strides = array<i32>} : memref<4432xf32, #tpu.memory_space<vmem>>, vector<16xf32>,
    tpu.vector_store %arg5[%swap3A_38], %broadcast_in_dim3A_1 {strides = array<i32>} : memref<4432xf32, #tpu.memory_space<vmem>>, vector<16xf32>,
    %swap3A_40 = arith.constant 4288 : index
    %swap3A_41 = tpu.vector_load %arg5[%swap3A_40] {strides = array<i32>} : memref<4432xf32, #tpu.memory_space<vmem>>, vector<16xf32>,
    tpu.vector_store %arg5[%swap3A_40], %broadcast_in_dim3A_1 {strides = array<i32>} : memref<4432xf32, #tpu.memory_space<vmem>>, vector<16xf32>,
    %swap3A_42 = arith.constant 4304 : index
    %swap3A_43 = tpu.vector_load %arg5[%swap3A_42] {strides = array<i32>} : memref<4432xf32, #tpu.memory_space<vmem>>, vector<16xf32>,
    tpu.vector_store %arg5[%swap3A_42], %broadcast_in_dim3A_1 {strides = array<i32>} : memref<4432xf32, #tpu.memory_space<vmem>>, vector<16xf32>,
    %swap3A_44 = arith.constant 4320 : index
    %swap3A_45 = tpu.vector_load %arg5[%swap3A_44] {strides = array<i32>} : memref<4432xf32, #tpu.memory_space<vmem>>, vector<16xf32>,
    tpu.vector_store %arg5[%swap3A_44], %broadcast_in_dim3A_1 {strides = array<i32>} : memref<4432xf32, #tpu.memory_space<vmem>>, vector<16xf32>,
    %swap3A_46 = arith.constant 4336 : index
    %swap3A_47 = tpu.vector_load %arg5[%swap3A_46] {strides = array<i32>} : memref<4432xf32, #tpu.memory_space<vmem>>, vector<16xf32>,
    tpu.vector_store %arg5[%swap3A_46], %broadcast_in_dim3A_1 {strides = array<i32>} : memref<4432xf32, #tpu.memory_space<vmem>>, vector<16xf32>,
    %swap3A_48 = arith.constant 4352 : index
    %swap3A_49 = tpu.vector_load %arg5[%swap3A_48] {strides = array<i32>} : memref<4432xf32, #tpu.memory_space<vmem>>, vector<16xf32>,
    tpu.vector_store %arg5[%swap3A_48], %broadcast_in_dim3A_1 {strides = array<i32>} : memref<4432xf32, #tpu.memory_space<vmem>>, vector<16xf32>,
    %swap3A_50 = arith.constant 4368 : index
    %swap3A_51 = tpu.vector_load %arg5[%swap3A_50] {strides = array<i32>} : memref<4432xf32, #tpu.memory_space<vmem>>, vector<16xf32>,
    tpu.vector_store %arg5[%swap3A_50], %broadcast_in_dim3A_1 {strides = array<i32>} : memref<4432xf32, #tpu.memory_space<vmem>>, vector<16xf32>,
    %swap3A_52 = arith.constant 4384 : index
    %swap3A_53 = tpu.vector_load %arg5[%swap3A_52] {strides = array<i32>} : memref<4432xf32, #tpu.memory_space<vmem>>, vector<16xf32>,
    tpu.vector_store %arg5[%swap3A_52], %broadcast_in_dim3A_1 {strides = array<i32>} : memref<4432xf32, #tpu.memory_space<vmem>>, vector<16xf32>,
    %swap3A_54 = arith.constant 4400 : index
    %swap3A_55 = tpu.vector_load %arg5[%swap3A_54] {strides = array<i32>} : memref<4432xf32, #tpu.memory_space<vmem>>, vector<16xf32>,
    tpu.vector_store %arg5[%swap3A_54], %broadcast_in_dim3A_1 {strides = array<i32>} : memref<4432xf32, #tpu.memory_space<vmem>>, vector<16xf32>,
    %swap3A_56 = arith.constant 4416 : index
    %swap3A_57 = tpu.vector_load %arg5[%swap3A_56] {strides = array<i32>} : memref<4432xf32, #tpu.memory_space<vmem>>, vector<16xf32>,
    tpu.vector_store %arg5[%swap3A_56], %broadcast_in_dim3A_1 {strides = array<i32>} : memref<4432xf32, #tpu.memory_space<vmem>>, vector<16xf32>,
    %add3A_58 = arith.constant 63 : i32
    %add3A_59 = vector.broadcast %add3A_58 : i32 to vector<16xi32>
    %add3A_60 = arith.addi %scan3A_15#0, %add3A_59 : vector<16xi32>
    %jit3A = arith.constant 64 : i32
    %div3A = vector.broadcast %jit3A : i32 to vector<16xi32>
    %div3A_61 = arith.divsi %add3A_60, %div3A : vector<16xi32>
    %sign3A = arith.constant 0 : i32
    %sign3A_62 = vector.broadcast %sign3A : i32 to vector<16xi32>
    %sign3A_63 = arith.cmpi sgt, %add3A_60, %sign3A_62 : vector<16xi32>
    %sign3A_64 = arith.extui %sign3A_63 : vector<16xi1> to vector<16xi32>
    %sign3A_65 = arith.constant 0 : i32
    %sign3A_66 = vector.broadcast %sign3A_65 : i32 to vector<16xi32>
    %sign3A_67 = arith.cmpi slt, %add3A_60, %sign3A_66 : vector<16xi32>
    %sign3A_68 = arith.extui %sign3A_67 : vector<16xi1> to vector<16xi32>
    %sign3A_69 = arith.subi %sign3A_64, %sign3A_68 : vector<16xi32>
    %sign3A_70 = arith.constant 0 : i32
    %sign3A_71 = arith.cmpi sgt, %jit3A, %sign3A_70 : i32
    %sign3A_72 = arith.extui %sign3A_71 : i1 to i32
    %sign3A_73 = arith.constant 0 : i32
    %sign3A_74 = arith.cmpi slt, %jit3A, %sign3A_73 : i32
    %sign3A_75 = arith.extui %sign3A_74 : i1 to i32
    %sign3A_76 = arith.subi %sign3A_72, %sign3A_75 : i32
    %ne3A = vector.broadcast %sign3A_76 : i32 to vector<16xi32>
    %ne3A_77 = arith.cmpi ne, %sign3A_69, %ne3A : vector<16xi32>
    %rem3A = vector.broadcast %jit3A : i32 to vector<16xi32>
    %rem3A_78 = arith.remsi %add3A_60, %rem3A : vector<16xi32>
    %ne3A_79 = arith.constant 0 : i32
    %ne3A_80 = vector.broadcast %ne3A_79 : i32 to vector<16xi32>
    %ne3A_81 = arith.cmpi ne, %rem3A_78, %ne3A_80 : vector<16xi32>
    %and3A = arith.andi %ne3A_77, %ne3A_81 : vector<16xi1>
    %sub3A = arith.constant 1 : i32
    %sub3A_82 = vector.broadcast %sub3A : i32 to vector<16xi32>
    %sub3A_83 = arith.subi %div3A_61, %sub3A_82 : vector<16xi32>
    %select_n3A = arith.select %and3A, %sub3A_83, %div3A_61 : vector<16xi1>, vector<16xi32>
    %mul3A_84 = arith.constant 64 : i32
    %mul3A_85 = vector.broadcast %mul3A_84 : i32 to vector<16xi32>
    %mul3A_86 = arith.muli %select_n3A, %mul3A_85 : vector<16xi32>
    %add3A_87 = arith.constant 63 : i32
    %add3A_88 = vector.broadcast %add3A_87 : i32 to vector<16xi32>
    %add3A_89 = arith.addi %scan3A_15#1, %add3A_88 : vector<16xi32>
    %jit3A_90 = arith.constant 64 : i32
    %div3A_91 = vector.broadcast %jit3A_90 : i32 to vector<16xi32>
    %div3A_92 = arith.divsi %add3A_89, %div3A_91 : vector<16xi32>
    %sign3A_93 = arith.constant 0 : i32
    %sign3A_94 = vector.broadcast %sign3A_93 : i32 to vector<16xi32>
    %sign3A_95 = arith.cmpi sgt, %add3A_89, %sign3A_94 : vector<16xi32>
    %sign3A_96 = arith.extui %sign3A_95 : vector<16xi1> to vector<16xi32>
    %sign3A_97 = arith.constant 0 : i32
    %sign3A_98 = vector.broadcast %sign3A_97 : i32 to vector<16xi32>
    %sign3A_99 = arith.cmpi slt, %add3A_89, %sign3A_98 : vector<16xi32>
    %sign3A_100 = arith.extui %sign3A_99 : vector<16xi1> to vector<16xi32>
    %sign3A_101 = arith.subi %sign3A_96, %sign3A_100 : vector<16xi32>
    %sign3A_102 = arith.constant 0 : i32
    %sign3A_103 = arith.cmpi sgt, %jit3A_90, %sign3A_102 : i32
    %sign3A_104 = arith.extui %sign3A_103 : i1 to i32
    %sign3A_105 = arith.constant 0 : i32
    %sign3A_106 = arith.cmpi slt, %jit3A_90, %sign3A_105 : i32
    %sign3A_107 = arith.extui %sign3A_106 : i1 to i32
    %sign3A_108 = arith.subi %sign3A_104, %sign3A_107 : i32
    %ne3A_109 = vector.broadcast %sign3A_108 : i32 to vector<16xi32>
    %ne3A_110 = arith.cmpi ne, %sign3A_101, %ne3A_109 : vector<16xi32>
    %rem3A_111 = vector.broadcast %jit3A_90 : i32 to vector<16xi32>
    %rem3A_112 = arith.remsi %add3A_89, %rem3A_111 : vector<16xi32>
    %ne3A_113 = arith.constant 0 : i32
    %ne3A_114 = vector.broadcast %ne3A_113 : i32 to vector<16xi32>
    %ne3A_115 = arith.cmpi ne, %rem3A_112, %ne3A_114 : vector<16xi32>
    %and3A_116 = arith.andi %ne3A_110, %ne3A_115 : vector<16xi1>
    %sub3A_117 = arith.constant 1 : i32
    %sub3A_118 = vector.broadcast %sub3A_117 : i32 to vector<16xi32>
    %sub3A_119 = arith.subi %div3A_92, %sub3A_118 : vector<16xi32>
    %select_n3A_120 = arith.select %and3A_116, %sub3A_119, %div3A_92 : vector<16xi1>, vector<16xi32>
    %mul3A_121 = arith.constant 64 : i32
    %mul3A_122 = vector.broadcast %mul3A_121 : i32 to vector<16xi32>
    %mul3A_123 = arith.muli %select_n3A_120, %mul3A_122 : vector<16xi32>
    %add3A_124 = arith.constant 63 : i32
    %add3A_125 = vector.broadcast %add3A_124 : i32 to vector<16xi32>
    %add3A_126 = arith.addi %scan3A_15#2, %add3A_125 : vector<16xi32>
    %jit3A_127 = arith.constant 64 : i32
    %div3A_128 = vector.broadcast %jit3A_127 : i32 to vector<16xi32>
    %div3A_129 = arith.divsi %add3A_126, %div3A_128 : vector<16xi32>
    %sign3A_130 = arith.constant 0 : i32
    %sign3A_131 = vector.broadcast %sign3A_130 : i32 to vector<16xi32>
    %sign3A_132 = arith.cmpi sgt, %add3A_126, %sign3A_131 : vector<16xi32>
    %sign3A_133 = arith.extui %sign3A_132 : vector<16xi1> to vector<16xi32>
    %sign3A_134 = arith.constant 0 : i32
    %sign3A_135 = vector.broadcast %sign3A_134 : i32 to vector<16xi32>
    %sign3A_136 = arith.cmpi slt, %add3A_126, %sign3A_135 : vector<16xi32>
    %sign3A_137 = arith.extui %sign3A_136 : vector<16xi1> to vector<16xi32>
    %sign3A_138 = arith.subi %sign3A_133, %sign3A_137 : vector<16xi32>
    %sign3A_139 = arith.constant 0 : i32
    %sign3A_140 = arith.cmpi sgt, %jit3A_127, %sign3A_139 : i32
    %sign3A_141 = arith.extui %sign3A_140 : i1 to i32
    %sign3A_142 = arith.constant 0 : i32
    %sign3A_143 = arith.cmpi slt, %jit3A_127, %sign3A_142 : i32
    %sign3A_144 = arith.extui %sign3A_143 : i1 to i32
    %sign3A_145 = arith.subi %sign3A_141, %sign3A_144 : i32
    %ne3A_146 = vector.broadcast %sign3A_145 : i32 to vector<16xi32>
    %ne3A_147 = arith.cmpi ne, %sign3A_138, %ne3A_146 : vector<16xi32>
    %rem3A_148 = vector.broadcast %jit3A_127 : i32 to vector<16xi32>
    %rem3A_149 = arith.remsi %add3A_126, %rem3A_148 : vector<16xi32>
    %ne3A_150 = arith.constant 0 : i32
    %ne3A_151 = vector.broadcast %ne3A_150 : i32 to vector<16xi32>
    %ne3A_152 = arith.cmpi ne, %rem3A_149, %ne3A_151 : vector<16xi32>
    %and3A_153 = arith.andi %ne3A_147, %ne3A_152 : vector<16xi1>
    %sub3A_154 = arith.constant 1 : i32
    %sub3A_155 = vector.broadcast %sub3A_154 : i32 to vector<16xi32>
    %sub3A_156 = arith.subi %div3A_129, %sub3A_155 : vector<16xi32>
    %select_n3A_157 = arith.select %and3A_153, %sub3A_156, %div3A_129 : vector<16xi1>, vector<16xi32>
    %mul3A_158 = arith.constant 64 : i32
    %mul3A_159 = vector.broadcast %mul3A_158 : i32 to vector<16xi32>
    %mul3A_160 = arith.muli %select_n3A_157, %mul3A_159 : vector<16xi32>
    %add3A_161 = arith.constant 63 : i32
    %add3A_162 = vector.broadcast %add3A_161 : i32 to vector<16xi32>
    %add3A_163 = arith.addi %scan3A_15#3, %add3A_162 : vector<16xi32>
    %jit3A_164 = arith.constant 64 : i32
    %div3A_165 = vector.broadcast %jit3A_164 : i32 to vector<16xi32>
    %div3A_166 = arith.divsi %add3A_163, %div3A_165 : vector<16xi32>
    %sign3A_167 = arith.constant 0 : i32
    %sign3A_168 = vector.broadcast %sign3A_167 : i32 to vector<16xi32>
    %sign3A_169 = arith.cmpi sgt, %add3A_163, %sign3A_168 : vector<16xi32>
    %sign3A_170 = arith.extui %sign3A_169 : vector<16xi1> to vector<16xi32>
    %sign3A_171 = arith.constant 0 : i32
    %sign3A_172 = vector.broadcast %sign3A_171 : i32 to vector<16xi32>
    %sign3A_173 = arith.cmpi slt, %add3A_163, %sign3A_172 : vector<16xi32>
    %sign3A_174 = arith.extui %sign3A_173 : vector<16xi1> to vector<16xi32>
    %sign3A_175 = arith.subi %sign3A_170, %sign3A_174 : vector<16xi32>
    %sign3A_176 = arith.constant 0 : i32
    %sign3A_177 = arith.cmpi sgt, %jit3A_164, %sign3A_176 : i32
    %sign3A_178 = arith.extui %sign3A_177 : i1 to i32
    %sign3A_179 = arith.constant 0 : i32
    %sign3A_180 = arith.cmpi slt, %jit3A_164, %sign3A_179 : i32
    %sign3A_181 = arith.extui %sign3A_180 : i1 to i32
    %sign3A_182 = arith.subi %sign3A_178, %sign3A_181 : i32
    %ne3A_183 = vector.broadcast %sign3A_182 : i32 to vector<16xi32>
    %ne3A_184 = arith.cmpi ne, %sign3A_175, %ne3A_183 : vector<16xi32>
    %rem3A_185 = vector.broadcast %jit3A_164 : i32 to vector<16xi32>
    %rem3A_186 = arith.remsi %add3A_163, %rem3A_185 : vector<16xi32>
    %ne3A_187 = arith.constant 0 : i32
    %ne3A_188 = vector.broadcast %ne3A_187 : i32 to vector<16xi32>
    %ne3A_189 = arith.cmpi ne, %rem3A_186, %ne3A_188 : vector<16xi32>
    %and3A_190 = arith.andi %ne3A_184, %ne3A_189 : vector<16xi1>
    %sub3A_191 = arith.constant 1 : i32
    %sub3A_192 = vector.broadcast %sub3A_191 : i32 to vector<16xi32>
    %sub3A_193 = arith.subi %div3A_166, %sub3A_192 : vector<16xi32>
    %select_n3A_194 = arith.select %and3A_190, %sub3A_193, %div3A_166 : vector<16xi1>, vector<16xi32>
    %mul3A_195 = arith.constant 64 : i32
    %mul3A_196 = vector.broadcast %mul3A_195 : i32 to vector<16xi32>
    %mul3A_197 = arith.muli %select_n3A_194, %mul3A_196 : vector<16xi32>
    %add3A_198 = arith.constant 63 : i32
    %add3A_199 = vector.broadcast %add3A_198 : i32 to vector<16xi32>
    %add3A_200 = arith.addi %scan3A_15#4, %add3A_199 : vector<16xi32>
    %jit3A_201 = arith.constant 64 : i32
    %div3A_202 = vector.broadcast %jit3A_201 : i32 to vector<16xi32>
    %div3A_203 = arith.divsi %add3A_200, %div3A_202 : vector<16xi32>
    %sign3A_204 = arith.constant 0 : i32
    %sign3A_205 = vector.broadcast %sign3A_204 : i32 to vector<16xi32>
    %sign3A_206 = arith.cmpi sgt, %add3A_200, %sign3A_205 : vector<16xi32>
    %sign3A_207 = arith.extui %sign3A_206 : vector<16xi1> to vector<16xi32>
    %sign3A_208 = arith.constant 0 : i32
    %sign3A_209 = vector.broadcast %sign3A_208 : i32 to vector<16xi32>
    %sign3A_210 = arith.cmpi slt, %add3A_200, %sign3A_209 : vector<16xi32>
    %sign3A_211 = arith.extui %sign3A_210 : vector<16xi1> to vector<16xi32>
    %sign3A_212 = arith.subi %sign3A_207, %sign3A_211 : vector<16xi32>
    %sign3A_213 = arith.constant 0 : i32
    %sign3A_214 = arith.cmpi sgt, %jit3A_201, %sign3A_213 : i32
    %sign3A_215 = arith.extui %sign3A_214 : i1 to i32
    %sign3A_216 = arith.constant 0 : i32
    %sign3A_217 = arith.cmpi slt, %jit3A_201, %sign3A_216 : i32
    %sign3A_218 = arith.extui %sign3A_217 : i1 to i32
    %sign3A_219 = arith.subi %sign3A_215, %sign3A_218 : i32
    %ne3A_220 = vector.broadcast %sign3A_219 : i32 to vector<16xi32>
    %ne3A_221 = arith.cmpi ne, %sign3A_212, %ne3A_220 : vector<16xi32>
    %rem3A_222 = vector.broadcast %jit3A_201 : i32 to vector<16xi32>
    %rem3A_223 = arith.remsi %add3A_200, %rem3A_222 : vector<16xi32>
    %ne3A_224 = arith.constant 0 : i32
    %ne3A_225 = vector.broadcast %ne3A_224 : i32 to vector<16xi32>
    %ne3A_226 = arith.cmpi ne, %rem3A_223, %ne3A_225 : vector<16xi32>
    %and3A_227 = arith.andi %ne3A_221, %ne3A_226 : vector<16xi1>
    %sub3A_228 = arith.constant 1 : i32
    %sub3A_229 = vector.broadcast %sub3A_228 : i32 to vector<16xi32>
    %sub3A_230 = arith.subi %div3A_203, %sub3A_229 : vector<16xi32>
    %select_n3A_231 = arith.select %and3A_227, %sub3A_230, %div3A_203 : vector<16xi1>, vector<16xi32>
    %mul3A_232 = arith.constant 64 : i32
    %mul3A_233 = vector.broadcast %mul3A_232 : i32 to vector<16xi32>
    %mul3A_234 = arith.muli %select_n3A_231, %mul3A_233 : vector<16xi32>
    %broadcast_in_dim3A_235 = arith.constant 0 : i32
    %broadcast_in_dim3A_236 = vector.broadcast %broadcast_in_dim3A_235 : i32 to vector<16xi32>
    %add3A_237 = arith.addi %broadcast_in_dim3A_236, %mul3A_86 : vector<16xi32>
    %add3A_238 = arith.addi %add3A_237, %mul3A_123 : vector<16xi32>
    %add3A_239 = arith.addi %add3A_238, %mul3A_160 : vector<16xi32>
    %add3A_240 = arith.addi %add3A_239, %mul3A_197 : vector<16xi32>
    %add3A_241 = arith.addi %add3A_240, %mul3A_234 : vector<16xi32>
    %slice3A = vector.extract_strided_slice %broadcast_in_dim3A_236 {offsets = [0], sizes = [1], strides = [1]} : vector<16xi32> to vector<1xi32>
    %squeeze3A = vector.extract %slice3A[0] : i32 from vector<1xi32>
    %slice3A_242 = vector.extract_strided_slice %add3A_237 {offsets = [0], sizes = [1], strides = [1]} : vector<16xi32> to vector<1xi32>
    %squeeze3A_243 = vector.extract %slice3A_242[0] : i32 from vector<1xi32>
    %slice3A_244 = vector.extract_strided_slice %add3A_238 {offsets = [0], sizes = [1], strides = [1]} : vector<16xi32> to vector<1xi32>
    %squeeze3A_245 = vector.extract %slice3A_244[0] : i32 from vector<1xi32>
    %slice3A_246 = vector.extract_strided_slice %add3A_239 {offsets = [0], sizes = [1], strides = [1]} : vector<16xi32> to vector<1xi32>
    %squeeze3A_247 = vector.extract %slice3A_246[0] : i32 from vector<1xi32>
    %slice3A_248 = vector.extract_strided_slice %add3A_240 {offsets = [0], sizes = [1], strides = [1]} : vector<16xi32> to vector<1xi32>
    %squeeze3A_249 = vector.extract %slice3A_248[0] : i32 from vector<1xi32>
    %slice3A_250 = vector.extract_strided_slice %add3A_241 {offsets = [0], sizes = [1], strides = [1]} : vector<16xi32> to vector<1xi32>
    %squeeze3A_251 = vector.extract %slice3A_250[0] : i32 from vector<1xi32>
    %scan3A_252 = arith.constant 0 : i32
    %scan3A_253 = arith.constant 256 : i32
    %scan3A_254 = arith.addi %scan3A_252, %scan3A_253 : i32
    %scan3A_255 = arith.constant 1 : i32
    %scan3A_256:5 = scf.for %scan3A_374 = %scan3A_252 to %scan3A_254 step %scan3A_255 iter_args(%scan3A_375 = %squeeze3A, %scan3A_376 = %squeeze3A_243, %scan3A_377 = %squeeze3A_245, %scan3A_378 = %squeeze3A_247, %scan3A_379 = %squeeze3A_249) -> (i32, i32, i32, i32, i32)  : i32 {
      %mul3A_380 = arith.constant 16 : i32
      %mul3A_381 = arith.muli %scan3A_374, %mul3A_380 : i32
      %get3A = arith.index_cast %mul3A_381 : i32 to index
      %get3A_382 = tpu.vector_load %arg4[%get3A] {strides = array<i32>} : memref<8192xi32, #tpu.memory_space<vmem>>, vector<16xi32>,
      %bitcast3A = vector.bitcast %get3A_382 : vector<16xi32> to vector<16xf32>
      %mul3A_383 = arith.constant 16 : i32
      %mul3A_384 = arith.muli %scan3A_374, %mul3A_383 : i32
      %add3A_385 = arith.constant 4096 : i32
      %add3A_386 = arith.addi %add3A_385, %mul3A_384 : i32
      %get3A_387 = arith.index_cast %add3A_386 : i32 to index
      %get3A_388 = tpu.vector_load %arg4[%get3A_387] {strides = array<i32>} : memref<8192xi32, #tpu.memory_space<vmem>>, vector<16xi32>,
      %eq3A_389 = arith.constant 0 : i32
      %eq3A_390 = vector.broadcast %eq3A_389 : i32 to vector<16xi32>
      %eq3A_391 = arith.cmpi eq, %get3A_388, %eq3A_390 : vector<16xi32>
      %swap3A_392 = arith.index_cast %scan3A_375 : i32 to index
      %swap3A_393 = tpu.vector_load %arg5[%swap3A_392] masked %eq3A_391 {strides = array<i32>} : memref<4432xf32, #tpu.memory_space<vmem>>, vector<16xf32>, vector<16xi1>
      tpu.vector_store %arg5[%swap3A_392], %bitcast3A masked %eq3A_391 {strides = array<i32>} : memref<4432xf32, #tpu.memory_space<vmem>>, vector<16xf32>, vector<16xi1>
      %all_reduce_population_count3A = tpu.all_reduce %eq3A_391 {dim = 0 : i64, kind = #tpu.reduction_kind<sum>} : vector<16xi1> -> vector<16xi32>
      %slice3A_394 = vector.extract_strided_slice %all_reduce_population_count3A {offsets = [0], sizes = [1], strides = [1]} : vector<16xi32> to vector<1xi32>
      %squeeze3A_395 = vector.extract %slice3A_394[0] : i32 from vector<1xi32>
      %add3A_396 = arith.addi %scan3A_375, %squeeze3A_395 : i32
      %eq3A_397 = arith.constant 1 : i32
      %eq3A_398 = vector.broadcast %eq3A_397 : i32 to vector<16xi32>
      %eq3A_399 = arith.cmpi eq, %get3A_388, %eq3A_398 : vector<16xi32>
      %swap3A_400 = arith.index_cast %scan3A_376 : i32 to index
      %swap3A_401 = tpu.vector_load %arg5[%swap3A_400] masked %eq3A_399 {strides = array<i32>} : memref<4432xf32, #tpu.memory_space<vmem>>, vector<16xf32>, vector<16xi1>
      tpu.vector_store %arg5[%swap3A_400], %bitcast3A masked %eq3A_399 {strides = array<i32>} : memref<4432xf32, #tpu.memory_space<vmem>>, vector<16xf32>, vector<16xi1>
      %all_reduce_population_count3A_402 = tpu.all_reduce %eq3A_399 {dim = 0 : i64, kind = #tpu.reduction_kind<sum>} : vector<16xi1> -> vector<16xi32>
      %slice3A_403 = vector.extract_strided_slice %all_reduce_population_count3A_402 {offsets = [0], sizes = [1], strides = [1]} : vector<16xi32> to vector<1xi32>
      %squeeze3A_404 = vector.extract %slice3A_403[0] : i32 from vector<1xi32>
      %add3A_405 = arith.addi %scan3A_376, %squeeze3A_404 : i32
      %eq3A_406 = arith.constant 2 : i32
      %eq3A_407 = vector.broadcast %eq3A_406 : i32 to vector<16xi32>
      %eq3A_408 = arith.cmpi eq, %get3A_388, %eq3A_407 : vector<16xi32>
      %swap3A_409 = arith.index_cast %scan3A_377 : i32 to index
      %swap3A_410 = tpu.vector_load %arg5[%swap3A_409] masked %eq3A_408 {strides = array<i32>} : memref<4432xf32, #tpu.memory_space<vmem>>, vector<16xf32>, vector<16xi1>
      tpu.vector_store %arg5[%swap3A_409], %bitcast3A masked %eq3A_408 {strides = array<i32>} : memref<4432xf32, #tpu.memory_space<vmem>>, vector<16xf32>, vector<16xi1>
      %all_reduce_population_count3A_411 = tpu.all_reduce %eq3A_408 {dim = 0 : i64, kind = #tpu.reduction_kind<sum>} : vector<16xi1> -> vector<16xi32>
      %slice3A_412 = vector.extract_strided_slice %all_reduce_population_count3A_411 {offsets = [0], sizes = [1], strides = [1]} : vector<16xi32> to vector<1xi32>
      %squeeze3A_413 = vector.extract %slice3A_412[0] : i32 from vector<1xi32>
      %add3A_414 = arith.addi %scan3A_377, %squeeze3A_413 : i32
      %eq3A_415 = arith.constant 3 : i32
      %eq3A_416 = vector.broadcast %eq3A_415 : i32 to vector<16xi32>
      %eq3A_417 = arith.cmpi eq, %get3A_388, %eq3A_416 : vector<16xi32>
      %swap3A_418 = arith.index_cast %scan3A_378 : i32 to index
      %swap3A_419 = tpu.vector_load %arg5[%swap3A_418] masked %eq3A_417 {strides = array<i32>} : memref<4432xf32, #tpu.memory_space<vmem>>, vector<16xf32>, vector<16xi1>
      tpu.vector_store %arg5[%swap3A_418], %bitcast3A masked %eq3A_417 {strides = array<i32>} : memref<4432xf32, #tpu.memory_space<vmem>>, vector<16xf32>, vector<16xi1>
      %all_reduce_population_count3A_420 = tpu.all_reduce %eq3A_417 {dim = 0 : i64, kind = #tpu.reduction_kind<sum>} : vector<16xi1> -> vector<16xi32>
      %slice3A_421 = vector.extract_strided_slice %all_reduce_population_count3A_420 {offsets = [0], sizes = [1], strides = [1]} : vector<16xi32> to vector<1xi32>
      %squeeze3A_422 = vector.extract %slice3A_421[0] : i32 from vector<1xi32>
      %add3A_423 = arith.addi %scan3A_378, %squeeze3A_422 : i32
      %eq3A_424 = arith.constant 4 : i32
      %eq3A_425 = vector.broadcast %eq3A_424 : i32 to vector<16xi32>
      %eq3A_426 = arith.cmpi eq, %get3A_388, %eq3A_425 : vector<16xi32>
      %swap3A_427 = arith.index_cast %scan3A_379 : i32 to index
      %swap3A_428 = tpu.vector_load %arg5[%swap3A_427] masked %eq3A_426 {strides = array<i32>} : memref<4432xf32, #tpu.memory_space<vmem>>, vector<16xf32>, vector<16xi1>
      tpu.vector_store %arg5[%swap3A_427], %bitcast3A masked %eq3A_426 {strides = array<i32>} : memref<4432xf32, #tpu.memory_space<vmem>>, vector<16xf32>, vector<16xi1>
      %all_reduce_population_count3A_429 = tpu.all_reduce %eq3A_426 {dim = 0 : i64, kind = #tpu.reduction_kind<sum>} : vector<16xi1> -> vector<16xi32>
      %slice3A_430 = vector.extract_strided_slice %all_reduce_population_count3A_429 {offsets = [0], sizes = [1], strides = [1]} : vector<16xi32> to vector<1xi32>
      %squeeze3A_431 = vector.extract %slice3A_430[0] : i32 from vector<1xi32>
      %add3A_432 = arith.addi %scan3A_379, %squeeze3A_431 : i32
      scf.yield %add3A_396, %add3A_405, %add3A_414, %add3A_423, %add3A_432 : i32, i32, i32, i32, i32
    }
    %scan3A_257 = arith.constant 256 : i32
    %jit3A_258 = arith.constant 64 : i32
    %div3A_259 = arith.divsi %squeeze3A_251, %jit3A_258 : i32
    %sign3A_260 = arith.constant 0 : i32
    %sign3A_261 = arith.cmpi sgt, %squeeze3A_251, %sign3A_260 : i32
    %sign3A_262 = arith.extui %sign3A_261 : i1 to i32
    %sign3A_263 = arith.constant 0 : i32
    %sign3A_264 = arith.cmpi slt, %squeeze3A_251, %sign3A_263 : i32
    %sign3A_265 = arith.extui %sign3A_264 : i1 to i32
    %sign3A_266 = arith.subi %sign3A_262, %sign3A_265 : i32
    %sign3A_267 = arith.constant 0 : i32
    %sign3A_268 = arith.cmpi sgt, %jit3A_258, %sign3A_267 : i32
    %sign3A_269 = arith.extui %sign3A_268 : i1 to i32
    %sign3A_270 = arith.constant 0 : i32
    %sign3A_271 = arith.cmpi slt, %jit3A_258, %sign3A_270 : i32
    %sign3A_272 = arith.extui %sign3A_271 : i1 to i32
    %sign3A_273 = arith.subi %sign3A_269, %sign3A_272 : i32
    %ne3A_274 = arith.cmpi ne, %sign3A_266, %sign3A_273 : i32
    %rem3A_275 = arith.remsi %squeeze3A_251, %jit3A_258 : i32
    %ne3A_276 = arith.constant 0 : i32
    %ne3A_277 = arith.cmpi ne, %rem3A_275, %ne3A_276 : i32
    %and3A_278 = arith.andi %ne3A_274, %ne3A_277 : i1
    %sub3A_279 = arith.constant 1 : i32
    %sub3A_280 = arith.subi %div3A_259, %sub3A_279 : i32
    %select_n3A_281 = arith.select %and3A_278, %sub3A_280, %div3A_259 : i32
    %jit3A_282 = arith.constant 16 : i32
    %div3A_283 = arith.divsi %squeeze3A_251, %jit3A_282 : i32
    %sign3A_284 = arith.constant 0 : i32
    %sign3A_285 = arith.cmpi sgt, %squeeze3A_251, %sign3A_284 : i32
    %sign3A_286 = arith.extui %sign3A_285 : i1 to i32
    %sign3A_287 = arith.constant 0 : i32
    %sign3A_288 = arith.cmpi slt, %squeeze3A_251, %sign3A_287 : i32
    %sign3A_289 = arith.extui %sign3A_288 : i1 to i32
    %sign3A_290 = arith.subi %sign3A_286, %sign3A_289 : i32
    %sign3A_291 = arith.constant 0 : i32
    %sign3A_292 = arith.cmpi sgt, %jit3A_282, %sign3A_291 : i32
    %sign3A_293 = arith.extui %sign3A_292 : i1 to i32
    %sign3A_294 = arith.constant 0 : i32
    %sign3A_295 = arith.cmpi slt, %jit3A_282, %sign3A_294 : i32
    %sign3A_296 = arith.extui %sign3A_295 : i1 to i32
    %sign3A_297 = arith.subi %sign3A_293, %sign3A_296 : i32
    %ne3A_298 = arith.cmpi ne, %sign3A_290, %sign3A_297 : i32
    %rem3A_299 = arith.remsi %squeeze3A_251, %jit3A_282 : i32
    %ne3A_300 = arith.constant 0 : i32
    %ne3A_301 = arith.cmpi ne, %rem3A_299, %ne3A_300 : i32
    %and3A_302 = arith.andi %ne3A_298, %ne3A_301 : i1
    %sub3A_303 = arith.constant 1 : i32
    %sub3A_304 = arith.subi %div3A_283, %sub3A_303 : i32
    %select_n3A_305 = arith.select %and3A_302, %sub3A_304, %div3A_283 : i32
    %sub3A_306 = arith.subi %select_n3A_305, %add3A : i32
    %add3A_307 = arith.constant 31 : i32
    %add3A_308 = arith.addi %sub3A_306, %add3A_307 : i32
    %jit3A_309 = arith.constant 32 : i32
    %div3A_310 = arith.divsi %add3A_308, %jit3A_309 : i32
    %sign3A_311 = arith.constant 0 : i32
    %sign3A_312 = arith.cmpi sgt, %add3A_308, %sign3A_311 : i32
    %sign3A_313 = arith.extui %sign3A_312 : i1 to i32
    %sign3A_314 = arith.constant 0 : i32
    %sign3A_315 = arith.cmpi slt, %add3A_308, %sign3A_314 : i32
    %sign3A_316 = arith.extui %sign3A_315 : i1 to i32
    %sign3A_317 = arith.subi %sign3A_313, %sign3A_316 : i32
    %sign3A_318 = arith.constant 0 : i32
    %sign3A_319 = arith.cmpi sgt, %jit3A_309, %sign3A_318 : i32
    %sign3A_320 = arith.extui %sign3A_319 : i1 to i32
    %sign3A_321 = arith.constant 0 : i32
    %sign3A_322 = arith.cmpi slt, %jit3A_309, %sign3A_321 : i32
    %sign3A_323 = arith.extui %sign3A_322 : i1 to i32
    %sign3A_324 = arith.subi %sign3A_320, %sign3A_323 : i32
    %ne3A_325 = arith.cmpi ne, %sign3A_317, %sign3A_324 : i32
    %rem3A_326 = arith.remsi %add3A_308, %jit3A_309 : i32
    %ne3A_327 = arith.constant 0 : i32
    %ne3A_328 = arith.cmpi ne, %rem3A_326, %ne3A_327 : i32
    %and3A_329 = arith.andi %ne3A_325, %ne3A_328 : i1
    %sub3A_330 = arith.constant 1 : i32
    %sub3A_331 = arith.subi %div3A_310, %sub3A_330 : i32
    %select_n3A_332 = arith.select %and3A_329, %sub3A_331, %div3A_310 : i32
    %broadcast_in_dim3A_333 = arith.constant 0.000000e+00 : f32
    %broadcast_in_dim3A_334 = vector.broadcast %broadcast_in_dim3A_333 : f32 to vector<16xf32>
    %while3A = arith.constant 0 : i32
    %while3A_335 = arith.subi %select_n3A_332, %while3A : i32
    %while3A_336 = arith.addi %while3A, %while3A_335 : i32
    %while3A_337 = arith.constant 1 : i32
    %while3A_338 = arith.divsi %while3A_335, %while3A_337 : i32
    %while3A_339 = arith.muli %while3A_338, %while3A_337 : i32
    %while3A_340 = arith.addi %while3A, %while3A_339 : i32
    %while3A_341 = arith.constant 1 : i32
    %while3A_342 = scf.for %while3A_374 = %while3A to %while3A_340 step %while3A_341 iter_args(%while3A_375 = %broadcast_in_dim3A_334) -> (vector<16xf32>)  : i32 {
      %mul3A_376 = arith.constant 32 : i32
      %mul3A_377 = arith.muli %while3A_374, %mul3A_376 : i32
      %add3A_378 = arith.addi %add3A, %mul3A_377 : i32
      %mul3A_379 = arith.constant 16 : i32
      %mul3A_380 = arith.muli %add3A_378, %mul3A_379 : i32
      %get3A = arith.index_cast %mul3A_380 : i32 to index
      %get3A_381 = tpu.vector_load %arg5[%get3A] {strides = array<i32>} : memref<4432xf32, #tpu.memory_space<vmem>>, vector<16xf32>,
      %lt3A = arith.constant 5.000000e+29 : f32
      %lt3A_382 = vector.broadcast %lt3A : f32 to vector<16xf32>
      %lt3A_383 = arith.cmpf olt, %get3A_381, %lt3A_382 : vector<16xf32>
      %jit3A_384 = arith.constant -1.000000e+30 : f32
      %broadcast_in_dim3A_385 = vector.broadcast %jit3A_384 : f32 to vector<16xf32>
      %select_n3A_386 = arith.select %lt3A_383, %get3A_381, %broadcast_in_dim3A_385 : vector<16xi1>, vector<16xf32>
      %ge3A = arith.cmpi sge, %mul3A_380, %squeeze3A_243 : i32
      %jit3A_387 = arith.constant 1 : i32
      %jit3A_388 = arith.constant 0 : i32
      %select_n3A_389 = arith.select %ge3A, %jit3A_387, %jit3A_388 : i32
      %add3A_390 = arith.constant 0 : i32
      %add3A_391 = arith.addi %add3A_390, %select_n3A_389 : i32
      %ge3A_392 = arith.cmpi sge, %mul3A_380, %squeeze3A_245 : i32
      %jit3A_393 = arith.constant 1 : i32
      %jit3A_394 = arith.constant 0 : i32
      %select_n3A_395 = arith.select %ge3A_392, %jit3A_393, %jit3A_394 : i32
      %add3A_396 = arith.addi %add3A_391, %select_n3A_395 : i32
      %ge3A_397 = arith.cmpi sge, %mul3A_380, %squeeze3A_247 : i32
      %jit3A_398 = arith.constant 1 : i32
      %jit3A_399 = arith.constant 0 : i32
      %select_n3A_400 = arith.select %ge3A_397, %jit3A_398, %jit3A_399 : i32
      %add3A_401 = arith.addi %add3A_396, %select_n3A_400 : i32
      %ge3A_402 = arith.cmpi sge, %mul3A_380, %squeeze3A_249 : i32
      %jit3A_403 = arith.constant 1 : i32
      %jit3A_404 = arith.constant 0 : i32
      %select_n3A_405 = arith.select %ge3A_402, %jit3A_403, %jit3A_404 : i32
      %add3A_406 = arith.addi %add3A_401, %select_n3A_405 : i32
      %eq3A_407 = arith.constant 3 : i32
      %eq3A_408 = arith.cmpi eq, %add3A_406, %eq3A_407 : i32
      %select_n3A_409 = arith.select %eq3A_408, %squeeze3A_249, %squeeze3A_251 : i32
      %eq3A_410 = arith.constant 2 : i32
      %eq3A_411 = arith.cmpi eq, %add3A_406, %eq3A_410 : i32
      %select_n3A_412 = arith.select %eq3A_411, %squeeze3A_247, %select_n3A_409 : i32
      %eq3A_413 = arith.constant 1 : i32
      %eq3A_414 = arith.cmpi eq, %add3A_406, %eq3A_413 : i32
      %select_n3A_415 = arith.select %eq3A_414, %squeeze3A_245, %select_n3A_412 : i32
      %eq3A_416 = arith.constant 0 : i32
      %eq3A_417 = arith.cmpi eq, %add3A_406, %eq3A_416 : i32
      %select_n3A_418 = arith.select %eq3A_417, %squeeze3A_243, %select_n3A_415 : i32
      %broadcast_in_dim3A_419 = arith.constant 0 : i32
      %broadcast_in_dim3A_420 = vector.broadcast %broadcast_in_dim3A_419 : i32 to vector<16x1xi32>
      %gather3A = vector.shape_cast %broadcast_in_dim3A_420 : vector<16x1xi32> to vector<16xi32>
      %gather3A_421 = tpu.dynamic_gather %select_n3A_386[%gather3A] in [0] : vector<16xf32>, vector<16xi32> -> vector<16xf32>
      %broadcast_in_dim3A_422 = arith.constant 1 : i32
      %broadcast_in_dim3A_423 = vector.broadcast %broadcast_in_dim3A_422 : i32 to vector<16x1xi32>
      %gather3A_424 = vector.shape_cast %broadcast_in_dim3A_423 : vector<16x1xi32> to vector<16xi32>
      %gather3A_425 = tpu.dynamic_gather %select_n3A_386[%gather3A_424] in [0] : vector<16xf32>, vector<16xi32> -> vector<16xf32>
      %broadcast_in_dim3A_426 = arith.constant 2 : i32
      %broadcast_in_dim3A_427 = vector.broadcast %broadcast_in_dim3A_426 : i32 to vector<16x1xi32>
      %gather3A_428 = vector.shape_cast %broadcast_in_dim3A_427 : vector<16x1xi32> to vector<16xi32>
      %gather3A_429 = tpu.dynamic_gather %select_n3A_386[%gather3A_428] in [0] : vector<16xf32>, vector<16xi32> -> vector<16xf32>
      %broadcast_in_dim3A_430 = arith.constant 3 : i32
      %broadcast_in_dim3A_431 = vector.broadcast %broadcast_in_dim3A_430 : i32 to vector<16x1xi32>
      %gather3A_432 = vector.shape_cast %broadcast_in_dim3A_431 : vector<16x1xi32> to vector<16xi32>
      %gather3A_433 = tpu.dynamic_gather %select_n3A_386[%gather3A_432] in [0] : vector<16xf32>, vector<16xi32> -> vector<16xf32>
      %broadcast_in_dim3A_434 = arith.constant 4 : i32
      %broadcast_in_dim3A_435 = vector.broadcast %broadcast_in_dim3A_434 : i32 to vector<16x1xi32>
      %gather3A_436 = vector.shape_cast %broadcast_in_dim3A_435 : vector<16x1xi32> to vector<16xi32>
      %gather3A_437 = tpu.dynamic_gather %select_n3A_386[%gather3A_436] in [0] : vector<16xf32>, vector<16xi32> -> vector<16xf32>
      %broadcast_in_dim3A_438 = arith.constant 5 : i32
      %broadcast_in_dim3A_439 = vector.broadcast %broadcast_in_dim3A_438 : i32 to vector<16x1xi32>
      %gather3A_440 = vector.shape_cast %broadcast_in_dim3A_439 : vector<16x1xi32> to vector<16xi32>
      %gather3A_441 = tpu.dynamic_gather %select_n3A_386[%gather3A_440] in [0] : vector<16xf32>, vector<16xi32> -> vector<16xf32>
      %broadcast_in_dim3A_442 = arith.constant 6 : i32
      %broadcast_in_dim3A_443 = vector.broadcast %broadcast_in_dim3A_442 : i32 to vector<16x1xi32>
      %gather3A_444 = vector.shape_cast %broadcast_in_dim3A_443 : vector<16x1xi32> to vector<16xi32>
      %gather3A_445 = tpu.dynamic_gather %select_n3A_386[%gather3A_444] in [0] : vector<16xf32>, vector<16xi32> -> vector<16xf32>
      %broadcast_in_dim3A_446 = arith.constant 7 : i32
      %broadcast_in_dim3A_447 = vector.broadcast %broadcast_in_dim3A_446 : i32 to vector<16x1xi32>
      %gather3A_448 = vector.shape_cast %broadcast_in_dim3A_447 : vector<16x1xi32> to vector<16xi32>
      %gather3A_449 = tpu.dynamic_gather %select_n3A_386[%gather3A_448] in [0] : vector<16xf32>, vector<16xi32> -> vector<16xf32>
      %broadcast_in_dim3A_450 = arith.constant 8 : i32
      %broadcast_in_dim3A_451 = vector.broadcast %broadcast_in_dim3A_450 : i32 to vector<16x1xi32>
      %gather3A_452 = vector.shape_cast %broadcast_in_dim3A_451 : vector<16x1xi32> to vector<16xi32>
      %gather3A_453 = tpu.dynamic_gather %select_n3A_386[%gather3A_452] in [0] : vector<16xf32>, vector<16xi32> -> vector<16xf32>
      %broadcast_in_dim3A_454 = arith.constant 9 : i32
      %broadcast_in_dim3A_455 = vector.broadcast %broadcast_in_dim3A_454 : i32 to vector<16x1xi32>
      %gather3A_456 = vector.shape_cast %broadcast_in_dim3A_455 : vector<16x1xi32> to vector<16xi32>
      %gather3A_457 = tpu.dynamic_gather %select_n3A_386[%gather3A_456] in [0] : vector<16xf32>, vector<16xi32> -> vector<16xf32>
      %broadcast_in_dim3A_458 = arith.constant 10 : i32
      %broadcast_in_dim3A_459 = vector.broadcast %broadcast_in_dim3A_458 : i32 to vector<16x1xi32>
      %gather3A_460 = vector.shape_cast %broadcast_in_dim3A_459 : vector<16x1xi32> to vector<16xi32>
      %gather3A_461 = tpu.dynamic_gather %select_n3A_386[%gather3A_460] in [0] : vector<16xf32>, vector<16xi32> -> vector<16xf32>
      %broadcast_in_dim3A_462 = arith.constant 11 : i32
      %broadcast_in_dim3A_463 = vector.broadcast %broadcast_in_dim3A_462 : i32 to vector<16x1xi32>
      %gather3A_464 = vector.shape_cast %broadcast_in_dim3A_463 : vector<16x1xi32> to vector<16xi32>
      %gather3A_465 = tpu.dynamic_gather %select_n3A_386[%gather3A_464] in [0] : vector<16xf32>, vector<16xi32> -> vector<16xf32>
      %broadcast_in_dim3A_466 = arith.constant 12 : i32
      %broadcast_in_dim3A_467 = vector.broadcast %broadcast_in_dim3A_466 : i32 to vector<16x1xi32>
      %gather3A_468 = vector.shape_cast %broadcast_in_dim3A_467 : vector<16x1xi32> to vector<16xi32>
      %gather3A_469 = tpu.dynamic_gather %select_n3A_386[%gather3A_468] in [0] : vector<16xf32>, vector<16xi32> -> vector<16xf32>
      %broadcast_in_dim3A_470 = arith.constant 13 : i32
      %broadcast_in_dim3A_471 = vector.broadcast %broadcast_in_dim3A_470 : i32 to vector<16x1xi32>
      %gather3A_472 = vector.shape_cast %broadcast_in_dim3A_471 : vector<16x1xi32> to vector<16xi32>
      %gather3A_473 = tpu.dynamic_gather %select_n3A_386[%gather3A_472] in [0] : vector<16xf32>, vector<16xi32> -> vector<16xf32>
      %broadcast_in_dim3A_474 = arith.constant 14 : i32
      %broadcast_in_dim3A_475 = vector.broadcast %broadcast_in_dim3A_474 : i32 to vector<16x1xi32>
      %gather3A_476 = vector.shape_cast %broadcast_in_dim3A_475 : vector<16x1xi32> to vector<16xi32>
      %gather3A_477 = tpu.dynamic_gather %select_n3A_386[%gather3A_476] in [0] : vector<16xf32>, vector<16xi32> -> vector<16xf32>
      %broadcast_in_dim3A_478 = arith.constant 15 : i32
      %broadcast_in_dim3A_479 = vector.broadcast %broadcast_in_dim3A_478 : i32 to vector<16x1xi32>
      %gather3A_480 = vector.shape_cast %broadcast_in_dim3A_479 : vector<16x1xi32> to vector<16xi32>
      %gather3A_481 = tpu.dynamic_gather %select_n3A_386[%gather3A_480] in [0] : vector<16xf32>, vector<16xi32> -> vector<16xf32>
      %jit3A_482 = arith.constant 64 : i32
      %div3A_483 = arith.divsi %select_n3A_418, %jit3A_482 : i32
      %sign3A_484 = arith.constant 0 : i32
      %sign3A_485 = arith.cmpi sgt, %select_n3A_418, %sign3A_484 : i32
      %sign3A_486 = arith.extui %sign3A_485 : i1 to i32
      %sign3A_487 = arith.constant 0 : i32
      %sign3A_488 = arith.cmpi slt, %select_n3A_418, %sign3A_487 : i32
      %sign3A_489 = arith.extui %sign3A_488 : i1 to i32
      %sign3A_490 = arith.subi %sign3A_486, %sign3A_489 : i32
      %sign3A_491 = arith.constant 0 : i32
      %sign3A_492 = arith.cmpi sgt, %jit3A_482, %sign3A_491 : i32
      %sign3A_493 = arith.extui %sign3A_492 : i1 to i32
      %sign3A_494 = arith.constant 0 : i32
      %sign3A_495 = arith.cmpi slt, %jit3A_482, %sign3A_494 : i32
      %sign3A_496 = arith.extui %sign3A_495 : i1 to i32
      %sign3A_497 = arith.subi %sign3A_493, %sign3A_496 : i32
      %ne3A_498 = arith.cmpi ne, %sign3A_490, %sign3A_497 : i32
      %rem3A_499 = arith.remsi %select_n3A_418, %jit3A_482 : i32
      %ne3A_500 = arith.constant 0 : i32
      %ne3A_501 = arith.cmpi ne, %rem3A_499, %ne3A_500 : i32
      %and3A_502 = arith.andi %ne3A_498, %ne3A_501 : i1
      %sub3A_503 = arith.constant 1 : i32
      %sub3A_504 = arith.subi %div3A_483, %sub3A_503 : i32
      %select_n3A_505 = arith.select %and3A_502, %sub3A_504, %div3A_483 : i32
      %broadcast_in_dim3A_506 = arith.constant 0.000000e+00 : f32
      %broadcast_in_dim3A_507 = vector.broadcast %broadcast_in_dim3A_506 : f32 to vector<16xf32>
      %broadcast_in_dim3A_508 = arith.constant 0.000000e+00 : f32
      %broadcast_in_dim3A_509 = vector.broadcast %broadcast_in_dim3A_508 : f32 to vector<16xf32>
      %broadcast_in_dim3A_510 = arith.constant 0.000000e+00 : f32
      %broadcast_in_dim3A_511 = vector.broadcast %broadcast_in_dim3A_510 : f32 to vector<16xf32>
      %broadcast_in_dim3A_512 = arith.constant 0.000000e+00 : f32
      %broadcast_in_dim3A_513 = vector.broadcast %broadcast_in_dim3A_512 : f32 to vector<16xf32>
      %while3A_514 = arith.subi %select_n3A_281, %select_n3A_505 : i32
      %while3A_515 = arith.addi %select_n3A_505, %while3A_514 : i32
      %while3A_516 = arith.constant 1 : i32
      %while3A_517 = arith.divsi %while3A_514, %while3A_516 : i32
      %while3A_518 = arith.muli %while3A_517, %while3A_516 : i32
      %while3A_519 = arith.addi %select_n3A_505, %while3A_518 : i32
      %while3A_520 = arith.constant 1 : i32
      %while3A_521:4 = scf.for %while3A_528 = %select_n3A_505 to %while3A_519 step %while3A_520 iter_args(%while3A_529 = %broadcast_in_dim3A_507, %while3A_530 = %broadcast_in_dim3A_509, %while3A_531 = %broadcast_in_dim3A_511, %while3A_532 = %broadcast_in_dim3A_513) -> (vector<16xf32>, vector<16xf32>, vector<16xf32>, vector<16xf32>)  : i32 {
        %mul3A_533 = arith.constant 64 : i32
        %mul3A_534 = arith.muli %while3A_528, %mul3A_533 : i32
        %add3A_535 = arith.constant 0 : i32
        %add3A_536 = arith.addi %mul3A_534, %add3A_535 : i32
        %get3A_537 = arith.index_cast %add3A_536 : i32 to index
        %get3A_538 = tpu.vector_load %arg5[%get3A_537] {strides = array<i32>} : memref<4432xf32, #tpu.memory_space<vmem>>, vector<16xf32>,
        %mul3A_539 = arith.constant 64 : i32
        %mul3A_540 = arith.muli %while3A_528, %mul3A_539 : i32
        %add3A_541 = arith.constant 16 : i32
        %add3A_542 = arith.addi %mul3A_540, %add3A_541 : i32
        %get3A_543 = arith.index_cast %add3A_542 : i32 to index
        %get3A_544 = tpu.vector_load %arg5[%get3A_543] {strides = array<i32>} : memref<4432xf32, #tpu.memory_space<vmem>>, vector<16xf32>,
        %mul3A_545 = arith.constant 64 : i32
        %mul3A_546 = arith.muli %while3A_528, %mul3A_545 : i32
        %add3A_547 = arith.constant 32 : i32
        %add3A_548 = arith.addi %mul3A_546, %add3A_547 : i32
        %get3A_549 = arith.index_cast %add3A_548 : i32 to index
        %get3A_550 = tpu.vector_load %arg5[%get3A_549] {strides = array<i32>} : memref<4432xf32, #tpu.memory_space<vmem>>, vector<16xf32>,
        %mul3A_551 = arith.constant 64 : i32
        %mul3A_552 = arith.muli %while3A_528, %mul3A_551 : i32
        %add3A_553 = arith.constant 48 : i32
        %add3A_554 = arith.addi %mul3A_552, %add3A_553 : i32
        %get3A_555 = arith.index_cast %add3A_554 : i32 to index
        %get3A_556 = tpu.vector_load %arg5[%get3A_555] {strides = array<i32>} : memref<4432xf32, #tpu.memory_space<vmem>>, vector<16xf32>,
        %sub3A_557 = arith.subf %gather3A_421, %get3A_538 : vector<16xf32>
        %max3A = arith.constant 0.000000e+00 : f32
        %max3A_558 = vector.broadcast %max3A : f32 to vector<16xf32>
        %max3A_559 = arith.maximumf %sub3A_557, %max3A_558 : vector<16xf32>
        %sub3A_560 = arith.subf %gather3A_425, %get3A_538 : vector<16xf32>
        %max3A_561 = arith.constant 0.000000e+00 : f32
        %max3A_562 = vector.broadcast %max3A_561 : f32 to vector<16xf32>
        %max3A_563 = arith.maximumf %sub3A_560, %max3A_562 : vector<16xf32>
        %sub3A_564 = arith.subf %gather3A_429, %get3A_538 : vector<16xf32>
        %max3A_565 = arith.constant 0.000000e+00 : f32
        %max3A_566 = vector.broadcast %max3A_565 : f32 to vector<16xf32>
        %max3A_567 = arith.maximumf %sub3A_564, %max3A_566 : vector<16xf32>
        %sub3A_568 = arith.subf %gather3A_433, %get3A_538 : vector<16xf32>
        %max3A_569 = arith.constant 0.000000e+00 : f32
        %max3A_570 = vector.broadcast %max3A_569 : f32 to vector<16xf32>
        %max3A_571 = arith.maximumf %sub3A_568, %max3A_570 : vector<16xf32>
        %sub3A_572 = arith.subf %gather3A_437, %get3A_538 : vector<16xf32>
        %max3A_573 = arith.constant 0.000000e+00 : f32
        %max3A_574 = vector.broadcast %max3A_573 : f32 to vector<16xf32>
        %max3A_575 = arith.maximumf %sub3A_572, %max3A_574 : vector<16xf32>
        %sub3A_576 = arith.subf %gather3A_441, %get3A_538 : vector<16xf32>
        %max3A_577 = arith.constant 0.000000e+00 : f32
        %max3A_578 = vector.broadcast %max3A_577 : f32 to vector<16xf32>
        %max3A_579 = arith.maximumf %sub3A_576, %max3A_578 : vector<16xf32>
        %sub3A_580 = arith.subf %gather3A_445, %get3A_538 : vector<16xf32>
        %max3A_581 = arith.constant 0.000000e+00 : f32
        %max3A_582 = vector.broadcast %max3A_581 : f32 to vector<16xf32>
        %max3A_583 = arith.maximumf %sub3A_580, %max3A_582 : vector<16xf32>
        %sub3A_584 = arith.subf %gather3A_449, %get3A_538 : vector<16xf32>
        %max3A_585 = arith.constant 0.000000e+00 : f32
        %max3A_586 = vector.broadcast %max3A_585 : f32 to vector<16xf32>
        %max3A_587 = arith.maximumf %sub3A_584, %max3A_586 : vector<16xf32>
        %sub3A_588 = arith.subf %gather3A_453, %get3A_538 : vector<16xf32>
        %max3A_589 = arith.constant 0.000000e+00 : f32
        %max3A_590 = vector.broadcast %max3A_589 : f32 to vector<16xf32>
        %max3A_591 = arith.maximumf %sub3A_588, %max3A_590 : vector<16xf32>
        %sub3A_592 = arith.subf %gather3A_457, %get3A_538 : vector<16xf32>
        %max3A_593 = arith.constant 0.000000e+00 : f32
        %max3A_594 = vector.broadcast %max3A_593 : f32 to vector<16xf32>
        %max3A_595 = arith.maximumf %sub3A_592, %max3A_594 : vector<16xf32>
        %sub3A_596 = arith.subf %gather3A_461, %get3A_538 : vector<16xf32>
        %max3A_597 = arith.constant 0.000000e+00 : f32
        %max3A_598 = vector.broadcast %max3A_597 : f32 to vector<16xf32>
        %max3A_599 = arith.maximumf %sub3A_596, %max3A_598 : vector<16xf32>
        %sub3A_600 = arith.subf %gather3A_465, %get3A_538 : vector<16xf32>
        %max3A_601 = arith.constant 0.000000e+00 : f32
        %max3A_602 = vector.broadcast %max3A_601 : f32 to vector<16xf32>
        %max3A_603 = arith.maximumf %sub3A_600, %max3A_602 : vector<16xf32>
        %sub3A_604 = arith.subf %gather3A_469, %get3A_538 : vector<16xf32>
        %max3A_605 = arith.constant 0.000000e+00 : f32
        %max3A_606 = vector.broadcast %max3A_605 : f32 to vector<16xf32>
        %max3A_607 = arith.maximumf %sub3A_604, %max3A_606 : vector<16xf32>
        %sub3A_608 = arith.subf %gather3A_473, %get3A_538 : vector<16xf32>
        %max3A_609 = arith.constant 0.000000e+00 : f32
        %max3A_610 = vector.broadcast %max3A_609 : f32 to vector<16xf32>
        %max3A_611 = arith.maximumf %sub3A_608, %max3A_610 : vector<16xf32>
        %sub3A_612 = arith.subf %gather3A_477, %get3A_538 : vector<16xf32>
        %max3A_613 = arith.constant 0.000000e+00 : f32
        %max3A_614 = vector.broadcast %max3A_613 : f32 to vector<16xf32>
        %max3A_615 = arith.maximumf %sub3A_612, %max3A_614 : vector<16xf32>
        %sub3A_616 = arith.subf %gather3A_481, %get3A_538 : vector<16xf32>
        %max3A_617 = arith.constant 0.000000e+00 : f32
        %max3A_618 = vector.broadcast %max3A_617 : f32 to vector<16xf32>
        %max3A_619 = arith.maximumf %sub3A_616, %max3A_618 : vector<16xf32>
        %add3A_620 = arith.addf %max3A_559, %max3A_563 : vector<16xf32>
        %add3A_621 = arith.addf %max3A_567, %max3A_571 : vector<16xf32>
        %add3A_622 = arith.addf %max3A_575, %max3A_579 : vector<16xf32>
        %add3A_623 = arith.addf %max3A_583, %max3A_587 : vector<16xf32>
        %add3A_624 = arith.addf %max3A_591, %max3A_595 : vector<16xf32>
        %add3A_625 = arith.addf %max3A_599, %max3A_603 : vector<16xf32>
        %add3A_626 = arith.addf %max3A_607, %max3A_611 : vector<16xf32>
        %add3A_627 = arith.addf %max3A_615, %max3A_619 : vector<16xf32>
        %add3A_628 = arith.addf %add3A_620, %add3A_621 : vector<16xf32>
        %add3A_629 = arith.addf %add3A_622, %add3A_623 : vector<16xf32>
        %add3A_630 = arith.addf %add3A_624, %add3A_625 : vector<16xf32>
        %add3A_631 = arith.addf %add3A_626, %add3A_627 : vector<16xf32>
        %add3A_632 = arith.addf %add3A_628, %add3A_629 : vector<16xf32>
        %add3A_633 = arith.addf %add3A_630, %add3A_631 : vector<16xf32>
        %add3A_634 = arith.addf %add3A_632, %add3A_633 : vector<16xf32>
        %add3A_635 = arith.addf %while3A_529, %add3A_634 : vector<16xf32>
        %sub3A_636 = arith.subf %gather3A_421, %get3A_544 : vector<16xf32>
        %max3A_637 = arith.constant 0.000000e+00 : f32
        %max3A_638 = vector.broadcast %max3A_637 : f32 to vector<16xf32>
        %max3A_639 = arith.maximumf %sub3A_636, %max3A_638 : vector<16xf32>
        %sub3A_640 = arith.subf %gather3A_425, %get3A_544 : vector<16xf32>
        %max3A_641 = arith.constant 0.000000e+00 : f32
        %max3A_642 = vector.broadcast %max3A_641 : f32 to vector<16xf32>
        %max3A_643 = arith.maximumf %sub3A_640, %max3A_642 : vector<16xf32>
        %sub3A_644 = arith.subf %gather3A_429, %get3A_544 : vector<16xf32>
        %max3A_645 = arith.constant 0.000000e+00 : f32
        %max3A_646 = vector.broadcast %max3A_645 : f32 to vector<16xf32>
        %max3A_647 = arith.maximumf %sub3A_644, %max3A_646 : vector<16xf32>
        %sub3A_648 = arith.subf %gather3A_433, %get3A_544 : vector<16xf32>
        %max3A_649 = arith.constant 0.000000e+00 : f32
        %max3A_650 = vector.broadcast %max3A_649 : f32 to vector<16xf32>
        %max3A_651 = arith.maximumf %sub3A_648, %max3A_650 : vector<16xf32>
        %sub3A_652 = arith.subf %gather3A_437, %get3A_544 : vector<16xf32>
        %max3A_653 = arith.constant 0.000000e+00 : f32
        %max3A_654 = vector.broadcast %max3A_653 : f32 to vector<16xf32>
        %max3A_655 = arith.maximumf %sub3A_652, %max3A_654 : vector<16xf32>
        %sub3A_656 = arith.subf %gather3A_441, %get3A_544 : vector<16xf32>
        %max3A_657 = arith.constant 0.000000e+00 : f32
        %max3A_658 = vector.broadcast %max3A_657 : f32 to vector<16xf32>
        %max3A_659 = arith.maximumf %sub3A_656, %max3A_658 : vector<16xf32>
        %sub3A_660 = arith.subf %gather3A_445, %get3A_544 : vector<16xf32>
        %max3A_661 = arith.constant 0.000000e+00 : f32
        %max3A_662 = vector.broadcast %max3A_661 : f32 to vector<16xf32>
        %max3A_663 = arith.maximumf %sub3A_660, %max3A_662 : vector<16xf32>
        %sub3A_664 = arith.subf %gather3A_449, %get3A_544 : vector<16xf32>
        %max3A_665 = arith.constant 0.000000e+00 : f32
        %max3A_666 = vector.broadcast %max3A_665 : f32 to vector<16xf32>
        %max3A_667 = arith.maximumf %sub3A_664, %max3A_666 : vector<16xf32>
        %sub3A_668 = arith.subf %gather3A_453, %get3A_544 : vector<16xf32>
        %max3A_669 = arith.constant 0.000000e+00 : f32
        %max3A_670 = vector.broadcast %max3A_669 : f32 to vector<16xf32>
        %max3A_671 = arith.maximumf %sub3A_668, %max3A_670 : vector<16xf32>
        %sub3A_672 = arith.subf %gather3A_457, %get3A_544 : vector<16xf32>
        %max3A_673 = arith.constant 0.000000e+00 : f32
        %max3A_674 = vector.broadcast %max3A_673 : f32 to vector<16xf32>
        %max3A_675 = arith.maximumf %sub3A_672, %max3A_674 : vector<16xf32>
        %sub3A_676 = arith.subf %gather3A_461, %get3A_544 : vector<16xf32>
        %max3A_677 = arith.constant 0.000000e+00 : f32
        %max3A_678 = vector.broadcast %max3A_677 : f32 to vector<16xf32>
        %max3A_679 = arith.maximumf %sub3A_676, %max3A_678 : vector<16xf32>
        %sub3A_680 = arith.subf %gather3A_465, %get3A_544 : vector<16xf32>
        %max3A_681 = arith.constant 0.000000e+00 : f32
        %max3A_682 = vector.broadcast %max3A_681 : f32 to vector<16xf32>
        %max3A_683 = arith.maximumf %sub3A_680, %max3A_682 : vector<16xf32>
        %sub3A_684 = arith.subf %gather3A_469, %get3A_544 : vector<16xf32>
        %max3A_685 = arith.constant 0.000000e+00 : f32
        %max3A_686 = vector.broadcast %max3A_685 : f32 to vector<16xf32>
        %max3A_687 = arith.maximumf %sub3A_684, %max3A_686 : vector<16xf32>
        %sub3A_688 = arith.subf %gather3A_473, %get3A_544 : vector<16xf32>
        %max3A_689 = arith.constant 0.000000e+00 : f32
        %max3A_690 = vector.broadcast %max3A_689 : f32 to vector<16xf32>
        %max3A_691 = arith.maximumf %sub3A_688, %max3A_690 : vector<16xf32>
        %sub3A_692 = arith.subf %gather3A_477, %get3A_544 : vector<16xf32>
        %max3A_693 = arith.constant 0.000000e+00 : f32
        %max3A_694 = vector.broadcast %max3A_693 : f32 to vector<16xf32>
        %max3A_695 = arith.maximumf %sub3A_692, %max3A_694 : vector<16xf32>
        %sub3A_696 = arith.subf %gather3A_481, %get3A_544 : vector<16xf32>
        %max3A_697 = arith.constant 0.000000e+00 : f32
        %max3A_698 = vector.broadcast %max3A_697 : f32 to vector<16xf32>
        %max3A_699 = arith.maximumf %sub3A_696, %max3A_698 : vector<16xf32>
        %add3A_700 = arith.addf %max3A_639, %max3A_643 : vector<16xf32>
        %add3A_701 = arith.addf %max3A_647, %max3A_651 : vector<16xf32>
        %add3A_702 = arith.addf %max3A_655, %max3A_659 : vector<16xf32>
        %add3A_703 = arith.addf %max3A_663, %max3A_667 : vector<16xf32>
        %add3A_704 = arith.addf %max3A_671, %max3A_675 : vector<16xf32>
        %add3A_705 = arith.addf %max3A_679, %max3A_683 : vector<16xf32>
        %add3A_706 = arith.addf %max3A_687, %max3A_691 : vector<16xf32>
        %add3A_707 = arith.addf %max3A_695, %max3A_699 : vector<16xf32>
        %add3A_708 = arith.addf %add3A_700, %add3A_701 : vector<16xf32>
        %add3A_709 = arith.addf %add3A_702, %add3A_703 : vector<16xf32>
        %add3A_710 = arith.addf %add3A_704, %add3A_705 : vector<16xf32>
        %add3A_711 = arith.addf %add3A_706, %add3A_707 : vector<16xf32>
        %add3A_712 = arith.addf %add3A_708, %add3A_709 : vector<16xf32>
        %add3A_713 = arith.addf %add3A_710, %add3A_711 : vector<16xf32>
        %add3A_714 = arith.addf %add3A_712, %add3A_713 : vector<16xf32>
        %add3A_715 = arith.addf %while3A_530, %add3A_714 : vector<16xf32>
        %sub3A_716 = arith.subf %gather3A_421, %get3A_550 : vector<16xf32>
        %max3A_717 = arith.constant 0.000000e+00 : f32
        %max3A_718 = vector.broadcast %max3A_717 : f32 to vector<16xf32>
        %max3A_719 = arith.maximumf %sub3A_716, %max3A_718 : vector<16xf32>
        %sub3A_720 = arith.subf %gather3A_425, %get3A_550 : vector<16xf32>
        %max3A_721 = arith.constant 0.000000e+00 : f32
        %max3A_722 = vector.broadcast %max3A_721 : f32 to vector<16xf32>
        %max3A_723 = arith.maximumf %sub3A_720, %max3A_722 : vector<16xf32>
        %sub3A_724 = arith.subf %gather3A_429, %get3A_550 : vector<16xf32>
        %max3A_725 = arith.constant 0.000000e+00 : f32
        %max3A_726 = vector.broadcast %max3A_725 : f32 to vector<16xf32>
        %max3A_727 = arith.maximumf %sub3A_724, %max3A_726 : vector<16xf32>
        %sub3A_728 = arith.subf %gather3A_433, %get3A_550 : vector<16xf32>
        %max3A_729 = arith.constant 0.000000e+00 : f32
        %max3A_730 = vector.broadcast %max3A_729 : f32 to vector<16xf32>
        %max3A_731 = arith.maximumf %sub3A_728, %max3A_730 : vector<16xf32>
        %sub3A_732 = arith.subf %gather3A_437, %get3A_550 : vector<16xf32>
        %max3A_733 = arith.constant 0.000000e+00 : f32
        %max3A_734 = vector.broadcast %max3A_733 : f32 to vector<16xf32>
        %max3A_735 = arith.maximumf %sub3A_732, %max3A_734 : vector<16xf32>
        %sub3A_736 = arith.subf %gather3A_441, %get3A_550 : vector<16xf32>
        %max3A_737 = arith.constant 0.000000e+00 : f32
        %max3A_738 = vector.broadcast %max3A_737 : f32 to vector<16xf32>
        %max3A_739 = arith.maximumf %sub3A_736, %max3A_738 : vector<16xf32>
        %sub3A_740 = arith.subf %gather3A_445, %get3A_550 : vector<16xf32>
        %max3A_741 = arith.constant 0.000000e+00 : f32
        %max3A_742 = vector.broadcast %max3A_741 : f32 to vector<16xf32>
        %max3A_743 = arith.maximumf %sub3A_740, %max3A_742 : vector<16xf32>
        %sub3A_744 = arith.subf %gather3A_449, %get3A_550 : vector<16xf32>
        %max3A_745 = arith.constant 0.000000e+00 : f32
        %max3A_746 = vector.broadcast %max3A_745 : f32 to vector<16xf32>
        %max3A_747 = arith.maximumf %sub3A_744, %max3A_746 : vector<16xf32>
        %sub3A_748 = arith.subf %gather3A_453, %get3A_550 : vector<16xf32>
        %max3A_749 = arith.constant 0.000000e+00 : f32
        %max3A_750 = vector.broadcast %max3A_749 : f32 to vector<16xf32>
        %max3A_751 = arith.maximumf %sub3A_748, %max3A_750 : vector<16xf32>
        %sub3A_752 = arith.subf %gather3A_457, %get3A_550 : vector<16xf32>
        %max3A_753 = arith.constant 0.000000e+00 : f32
        %max3A_754 = vector.broadcast %max3A_753 : f32 to vector<16xf32>
        %max3A_755 = arith.maximumf %sub3A_752, %max3A_754 : vector<16xf32>
        %sub3A_756 = arith.subf %gather3A_461, %get3A_550 : vector<16xf32>
        %max3A_757 = arith.constant 0.000000e+00 : f32
        %max3A_758 = vector.broadcast %max3A_757 : f32 to vector<16xf32>
        %max3A_759 = arith.maximumf %sub3A_756, %max3A_758 : vector<16xf32>
        %sub3A_760 = arith.subf %gather3A_465, %get3A_550 : vector<16xf32>
        %max3A_761 = arith.constant 0.000000e+00 : f32
        %max3A_762 = vector.broadcast %max3A_761 : f32 to vector<16xf32>
        %max3A_763 = arith.maximumf %sub3A_760, %max3A_762 : vector<16xf32>
        %sub3A_764 = arith.subf %gather3A_469, %get3A_550 : vector<16xf32>
        %max3A_765 = arith.constant 0.000000e+00 : f32
        %max3A_766 = vector.broadcast %max3A_765 : f32 to vector<16xf32>
        %max3A_767 = arith.maximumf %sub3A_764, %max3A_766 : vector<16xf32>
        %sub3A_768 = arith.subf %gather3A_473, %get3A_550 : vector<16xf32>
        %max3A_769 = arith.constant 0.000000e+00 : f32
        %max3A_770 = vector.broadcast %max3A_769 : f32 to vector<16xf32>
        %max3A_771 = arith.maximumf %sub3A_768, %max3A_770 : vector<16xf32>
        %sub3A_772 = arith.subf %gather3A_477, %get3A_550 : vector<16xf32>
        %max3A_773 = arith.constant 0.000000e+00 : f32
        %max3A_774 = vector.broadcast %max3A_773 : f32 to vector<16xf32>
        %max3A_775 = arith.maximumf %sub3A_772, %max3A_774 : vector<16xf32>
        %sub3A_776 = arith.subf %gather3A_481, %get3A_550 : vector<16xf32>
        %max3A_777 = arith.constant 0.000000e+00 : f32
        %max3A_778 = vector.broadcast %max3A_777 : f32 to vector<16xf32>
        %max3A_779 = arith.maximumf %sub3A_776, %max3A_778 : vector<16xf32>
        %add3A_780 = arith.addf %max3A_719, %max3A_723 : vector<16xf32>
        %add3A_781 = arith.addf %max3A_727, %max3A_731 : vector<16xf32>
        %add3A_782 = arith.addf %max3A_735, %max3A_739 : vector<16xf32>
        %add3A_783 = arith.addf %max3A_743, %max3A_747 : vector<16xf32>
        %add3A_784 = arith.addf %max3A_751, %max3A_755 : vector<16xf32>
        %add3A_785 = arith.addf %max3A_759, %max3A_763 : vector<16xf32>
        %add3A_786 = arith.addf %max3A_767, %max3A_771 : vector<16xf32>
        %add3A_787 = arith.addf %max3A_775, %max3A_779 : vector<16xf32>
        %add3A_788 = arith.addf %add3A_780, %add3A_781 : vector<16xf32>
        %add3A_789 = arith.addf %add3A_782, %add3A_783 : vector<16xf32>
        %add3A_790 = arith.addf %add3A_784, %add3A_785 : vector<16xf32>
        %add3A_791 = arith.addf %add3A_786, %add3A_787 : vector<16xf32>
        %add3A_792 = arith.addf %add3A_788, %add3A_789 : vector<16xf32>
        %add3A_793 = arith.addf %add3A_790, %add3A_791 : vector<16xf32>
        %add3A_794 = arith.addf %add3A_792, %add3A_793 : vector<16xf32>
        %add3A_795 = arith.addf %while3A_531, %add3A_794 : vector<16xf32>
        %sub3A_796 = arith.subf %gather3A_421, %get3A_556 : vector<16xf32>
        %max3A_797 = arith.constant 0.000000e+00 : f32
        %max3A_798 = vector.broadcast %max3A_797 : f32 to vector<16xf32>
        %max3A_799 = arith.maximumf %sub3A_796, %max3A_798 : vector<16xf32>
        %sub3A_800 = arith.subf %gather3A_425, %get3A_556 : vector<16xf32>
        %max3A_801 = arith.constant 0.000000e+00 : f32
        %max3A_802 = vector.broadcast %max3A_801 : f32 to vector<16xf32>
        %max3A_803 = arith.maximumf %sub3A_800, %max3A_802 : vector<16xf32>
        %sub3A_804 = arith.subf %gather3A_429, %get3A_556 : vector<16xf32>
        %max3A_805 = arith.constant 0.000000e+00 : f32
        %max3A_806 = vector.broadcast %max3A_805 : f32 to vector<16xf32>
        %max3A_807 = arith.maximumf %sub3A_804, %max3A_806 : vector<16xf32>
        %sub3A_808 = arith.subf %gather3A_433, %get3A_556 : vector<16xf32>
        %max3A_809 = arith.constant 0.000000e+00 : f32
        %max3A_810 = vector.broadcast %max3A_809 : f32 to vector<16xf32>
        %max3A_811 = arith.maximumf %sub3A_808, %max3A_810 : vector<16xf32>
        %sub3A_812 = arith.subf %gather3A_437, %get3A_556 : vector<16xf32>
        %max3A_813 = arith.constant 0.000000e+00 : f32
        %max3A_814 = vector.broadcast %max3A_813 : f32 to vector<16xf32>
        %max3A_815 = arith.maximumf %sub3A_812, %max3A_814 : vector<16xf32>
        %sub3A_816 = arith.subf %gather3A_441, %get3A_556 : vector<16xf32>
        %max3A_817 = arith.constant 0.000000e+00 : f32
        %max3A_818 = vector.broadcast %max3A_817 : f32 to vector<16xf32>
        %max3A_819 = arith.maximumf %sub3A_816, %max3A_818 : vector<16xf32>
        %sub3A_820 = arith.subf %gather3A_445, %get3A_556 : vector<16xf32>
        %max3A_821 = arith.constant 0.000000e+00 : f32
        %max3A_822 = vector.broadcast %max3A_821 : f32 to vector<16xf32>
        %max3A_823 = arith.maximumf %sub3A_820, %max3A_822 : vector<16xf32>
        %sub3A_824 = arith.subf %gather3A_449, %get3A_556 : vector<16xf32>
        %max3A_825 = arith.constant 0.000000e+00 : f32
        %max3A_826 = vector.broadcast %max3A_825 : f32 to vector<16xf32>
        %max3A_827 = arith.maximumf %sub3A_824, %max3A_826 : vector<16xf32>
        %sub3A_828 = arith.subf %gather3A_453, %get3A_556 : vector<16xf32>
        %max3A_829 = arith.constant 0.000000e+00 : f32
        %max3A_830 = vector.broadcast %max3A_829 : f32 to vector<16xf32>
        %max3A_831 = arith.maximumf %sub3A_828, %max3A_830 : vector<16xf32>
        %sub3A_832 = arith.subf %gather3A_457, %get3A_556 : vector<16xf32>
        %max3A_833 = arith.constant 0.000000e+00 : f32
        %max3A_834 = vector.broadcast %max3A_833 : f32 to vector<16xf32>
        %max3A_835 = arith.maximumf %sub3A_832, %max3A_834 : vector<16xf32>
        %sub3A_836 = arith.subf %gather3A_461, %get3A_556 : vector<16xf32>
        %max3A_837 = arith.constant 0.000000e+00 : f32
        %max3A_838 = vector.broadcast %max3A_837 : f32 to vector<16xf32>
        %max3A_839 = arith.maximumf %sub3A_836, %max3A_838 : vector<16xf32>
        %sub3A_840 = arith.subf %gather3A_465, %get3A_556 : vector<16xf32>
        %max3A_841 = arith.constant 0.000000e+00 : f32
        %max3A_842 = vector.broadcast %max3A_841 : f32 to vector<16xf32>
        %max3A_843 = arith.maximumf %sub3A_840, %max3A_842 : vector<16xf32>
        %sub3A_844 = arith.subf %gather3A_469, %get3A_556 : vector<16xf32>
        %max3A_845 = arith.constant 0.000000e+00 : f32
        %max3A_846 = vector.broadcast %max3A_845 : f32 to vector<16xf32>
        %max3A_847 = arith.maximumf %sub3A_844, %max3A_846 : vector<16xf32>
        %sub3A_848 = arith.subf %gather3A_473, %get3A_556 : vector<16xf32>
        %max3A_849 = arith.constant 0.000000e+00 : f32
        %max3A_850 = vector.broadcast %max3A_849 : f32 to vector<16xf32>
        %max3A_851 = arith.maximumf %sub3A_848, %max3A_850 : vector<16xf32>
        %sub3A_852 = arith.subf %gather3A_477, %get3A_556 : vector<16xf32>
        %max3A_853 = arith.constant 0.000000e+00 : f32
        %max3A_854 = vector.broadcast %max3A_853 : f32 to vector<16xf32>
        %max3A_855 = arith.maximumf %sub3A_852, %max3A_854 : vector<16xf32>
        %sub3A_856 = arith.subf %gather3A_481, %get3A_556 : vector<16xf32>
        %max3A_857 = arith.constant 0.000000e+00 : f32
        %max3A_858 = vector.broadcast %max3A_857 : f32 to vector<16xf32>
        %max3A_859 = arith.maximumf %sub3A_856, %max3A_858 : vector<16xf32>
        %add3A_860 = arith.addf %max3A_799, %max3A_803 : vector<16xf32>
        %add3A_861 = arith.addf %max3A_807, %max3A_811 : vector<16xf32>
        %add3A_862 = arith.addf %max3A_815, %max3A_819 : vector<16xf32>
        %add3A_863 = arith.addf %max3A_823, %max3A_827 : vector<16xf32>
        %add3A_864 = arith.addf %max3A_831, %max3A_835 : vector<16xf32>
        %add3A_865 = arith.addf %max3A_839, %max3A_843 : vector<16xf32>
        %add3A_866 = arith.addf %max3A_847, %max3A_851 : vector<16xf32>
        %add3A_867 = arith.addf %max3A_855, %max3A_859 : vector<16xf32>
        %add3A_868 = arith.addf %add3A_860, %add3A_861 : vector<16xf32>
        %add3A_869 = arith.addf %add3A_862, %add3A_863 : vector<16xf32>
        %add3A_870 = arith.addf %add3A_864, %add3A_865 : vector<16xf32>
        %add3A_871 = arith.addf %add3A_866, %add3A_867 : vector<16xf32>
        %add3A_872 = arith.addf %add3A_868, %add3A_869 : vector<16xf32>
        %add3A_873 = arith.addf %add3A_870, %add3A_871 : vector<16xf32>
        %add3A_874 = arith.addf %add3A_872, %add3A_873 : vector<16xf32>
        %add3A_875 = arith.addf %while3A_532, %add3A_874 : vector<16xf32>
        scf.yield %add3A_635, %add3A_715, %add3A_795, %add3A_875 : vector<16xf32>, vector<16xf32>, vector<16xf32>, vector<16xf32>
      }
      %while3A_522 = arith.constant 1 : i32
      %while3A_523:4 = scf.for %while3A_528 = %while3A_519 to %while3A_515 step %while3A_522 iter_args(%while3A_529 = %while3A_521#0, %while3A_530 = %while3A_521#1, %while3A_531 = %while3A_521#2, %while3A_532 = %while3A_521#3) -> (vector<16xf32>, vector<16xf32>, vector<16xf32>, vector<16xf32>)  : i32 {
        %mul3A_533 = arith.constant 64 : i32
        %mul3A_534 = arith.muli %while3A_528, %mul3A_533 : i32
        %add3A_535 = arith.constant 0 : i32
        %add3A_536 = arith.addi %mul3A_534, %add3A_535 : i32
        %get3A_537 = arith.index_cast %add3A_536 : i32 to index
        %get3A_538 = tpu.vector_load %arg5[%get3A_537] {strides = array<i32>} : memref<4432xf32, #tpu.memory_space<vmem>>, vector<16xf32>,
        %mul3A_539 = arith.constant 64 : i32
        %mul3A_540 = arith.muli %while3A_528, %mul3A_539 : i32
        %add3A_541 = arith.constant 16 : i32
        %add3A_542 = arith.addi %mul3A_540, %add3A_541 : i32
        %get3A_543 = arith.index_cast %add3A_542 : i32 to index
        %get3A_544 = tpu.vector_load %arg5[%get3A_543] {strides = array<i32>} : memref<4432xf32, #tpu.memory_space<vmem>>, vector<16xf32>,
        %mul3A_545 = arith.constant 64 : i32
        %mul3A_546 = arith.muli %while3A_528, %mul3A_545 : i32
        %add3A_547 = arith.constant 32 : i32
        %add3A_548 = arith.addi %mul3A_546, %add3A_547 : i32
        %get3A_549 = arith.index_cast %add3A_548 : i32 to index
        %get3A_550 = tpu.vector_load %arg5[%get3A_549] {strides = array<i32>} : memref<4432xf32, #tpu.memory_space<vmem>>, vector<16xf32>,
        %mul3A_551 = arith.constant 64 : i32
        %mul3A_552 = arith.muli %while3A_528, %mul3A_551 : i32
        %add3A_553 = arith.constant 48 : i32
        %add3A_554 = arith.addi %mul3A_552, %add3A_553 : i32
        %get3A_555 = arith.index_cast %add3A_554 : i32 to index
        %get3A_556 = tpu.vector_load %arg5[%get3A_555] {strides = array<i32>} : memref<4432xf32, #tpu.memory_space<vmem>>, vector<16xf32>,
        %sub3A_557 = arith.subf %gather3A_421, %get3A_538 : vector<16xf32>
        %max3A = arith.constant 0.000000e+00 : f32
        %max3A_558 = vector.broadcast %max3A : f32 to vector<16xf32>
        %max3A_559 = arith.maximumf %sub3A_557, %max3A_558 : vector<16xf32>
        %sub3A_560 = arith.subf %gather3A_425, %get3A_538 : vector<16xf32>
        %max3A_561 = arith.constant 0.000000e+00 : f32
        %max3A_562 = vector.broadcast %max3A_561 : f32 to vector<16xf32>
        %max3A_563 = arith.maximumf %sub3A_560, %max3A_562 : vector<16xf32>
        %sub3A_564 = arith.subf %gather3A_429, %get3A_538 : vector<16xf32>
        %max3A_565 = arith.constant 0.000000e+00 : f32
        %max3A_566 = vector.broadcast %max3A_565 : f32 to vector<16xf32>
        %max3A_567 = arith.maximumf %sub3A_564, %max3A_566 : vector<16xf32>
        %sub3A_568 = arith.subf %gather3A_433, %get3A_538 : vector<16xf32>
        %max3A_569 = arith.constant 0.000000e+00 : f32
        %max3A_570 = vector.broadcast %max3A_569 : f32 to vector<16xf32>
        %max3A_571 = arith.maximumf %sub3A_568, %max3A_570 : vector<16xf32>
        %sub3A_572 = arith.subf %gather3A_437, %get3A_538 : vector<16xf32>
        %max3A_573 = arith.constant 0.000000e+00 : f32
        %max3A_574 = vector.broadcast %max3A_573 : f32 to vector<16xf32>
        %max3A_575 = arith.maximumf %sub3A_572, %max3A_574 : vector<16xf32>
        %sub3A_576 = arith.subf %gather3A_441, %get3A_538 : vector<16xf32>
        %max3A_577 = arith.constant 0.000000e+00 : f32
        %max3A_578 = vector.broadcast %max3A_577 : f32 to vector<16xf32>
        %max3A_579 = arith.maximumf %sub3A_576, %max3A_578 : vector<16xf32>
        %sub3A_580 = arith.subf %gather3A_445, %get3A_538 : vector<16xf32>
        %max3A_581 = arith.constant 0.000000e+00 : f32
        %max3A_582 = vector.broadcast %max3A_581 : f32 to vector<16xf32>
        %max3A_583 = arith.maximumf %sub3A_580, %max3A_582 : vector<16xf32>
        %sub3A_584 = arith.subf %gather3A_449, %get3A_538 : vector<16xf32>
        %max3A_585 = arith.constant 0.000000e+00 : f32
        %max3A_586 = vector.broadcast %max3A_585 : f32 to vector<16xf32>
        %max3A_587 = arith.maximumf %sub3A_584, %max3A_586 : vector<16xf32>
        %sub3A_588 = arith.subf %gather3A_453, %get3A_538 : vector<16xf32>
        %max3A_589 = arith.constant 0.000000e+00 : f32
        %max3A_590 = vector.broadcast %max3A_589 : f32 to vector<16xf32>
        %max3A_591 = arith.maximumf %sub3A_588, %max3A_590 : vector<16xf32>
        %sub3A_592 = arith.subf %gather3A_457, %get3A_538 : vector<16xf32>
        %max3A_593 = arith.constant 0.000000e+00 : f32
        %max3A_594 = vector.broadcast %max3A_593 : f32 to vector<16xf32>
        %max3A_595 = arith.maximumf %sub3A_592, %max3A_594 : vector<16xf32>
        %sub3A_596 = arith.subf %gather3A_461, %get3A_538 : vector<16xf32>
        %max3A_597 = arith.constant 0.000000e+00 : f32
        %max3A_598 = vector.broadcast %max3A_597 : f32 to vector<16xf32>
        %max3A_599 = arith.maximumf %sub3A_596, %max3A_598 : vector<16xf32>
        %sub3A_600 = arith.subf %gather3A_465, %get3A_538 : vector<16xf32>
        %max3A_601 = arith.constant 0.000000e+00 : f32
        %max3A_602 = vector.broadcast %max3A_601 : f32 to vector<16xf32>
        %max3A_603 = arith.maximumf %sub3A_600, %max3A_602 : vector<16xf32>
        %sub3A_604 = arith.subf %gather3A_469, %get3A_538 : vector<16xf32>
        %max3A_605 = arith.constant 0.000000e+00 : f32
        %max3A_606 = vector.broadcast %max3A_605 : f32 to vector<16xf32>
        %max3A_607 = arith.maximumf %sub3A_604, %max3A_606 : vector<16xf32>
        %sub3A_608 = arith.subf %gather3A_473, %get3A_538 : vector<16xf32>
        %max3A_609 = arith.constant 0.000000e+00 : f32
        %max3A_610 = vector.broadcast %max3A_609 : f32 to vector<16xf32>
        %max3A_611 = arith.maximumf %sub3A_608, %max3A_610 : vector<16xf32>
        %sub3A_612 = arith.subf %gather3A_477, %get3A_538 : vector<16xf32>
        %max3A_613 = arith.constant 0.000000e+00 : f32
        %max3A_614 = vector.broadcast %max3A_613 : f32 to vector<16xf32>
        %max3A_615 = arith.maximumf %sub3A_612, %max3A_614 : vector<16xf32>
        %sub3A_616 = arith.subf %gather3A_481, %get3A_538 : vector<16xf32>
        %max3A_617 = arith.constant 0.000000e+00 : f32
        %max3A_618 = vector.broadcast %max3A_617 : f32 to vector<16xf32>
        %max3A_619 = arith.maximumf %sub3A_616, %max3A_618 : vector<16xf32>
        %add3A_620 = arith.addf %max3A_559, %max3A_563 : vector<16xf32>
        %add3A_621 = arith.addf %max3A_567, %max3A_571 : vector<16xf32>
        %add3A_622 = arith.addf %max3A_575, %max3A_579 : vector<16xf32>
        %add3A_623 = arith.addf %max3A_583, %max3A_587 : vector<16xf32>
        %add3A_624 = arith.addf %max3A_591, %max3A_595 : vector<16xf32>
        %add3A_625 = arith.addf %max3A_599, %max3A_603 : vector<16xf32>
        %add3A_626 = arith.addf %max3A_607, %max3A_611 : vector<16xf32>
        %add3A_627 = arith.addf %max3A_615, %max3A_619 : vector<16xf32>
        %add3A_628 = arith.addf %add3A_620, %add3A_621 : vector<16xf32>
        %add3A_629 = arith.addf %add3A_622, %add3A_623 : vector<16xf32>
        %add3A_630 = arith.addf %add3A_624, %add3A_625 : vector<16xf32>
        %add3A_631 = arith.addf %add3A_626, %add3A_627 : vector<16xf32>
        %add3A_632 = arith.addf %add3A_628, %add3A_629 : vector<16xf32>
        %add3A_633 = arith.addf %add3A_630, %add3A_631 : vector<16xf32>
        %add3A_634 = arith.addf %add3A_632, %add3A_633 : vector<16xf32>
        %add3A_635 = arith.addf %while3A_529, %add3A_634 : vector<16xf32>
        %sub3A_636 = arith.subf %gather3A_421, %get3A_544 : vector<16xf32>
        %max3A_637 = arith.constant 0.000000e+00 : f32
        %max3A_638 = vector.broadcast %max3A_637 : f32 to vector<16xf32>
        %max3A_639 = arith.maximumf %sub3A_636, %max3A_638 : vector<16xf32>
        %sub3A_640 = arith.subf %gather3A_425, %get3A_544 : vector<16xf32>
        %max3A_641 = arith.constant 0.000000e+00 : f32
        %max3A_642 = vector.broadcast %max3A_641 : f32 to vector<16xf32>
        %max3A_643 = arith.maximumf %sub3A_640, %max3A_642 : vector<16xf32>
        %sub3A_644 = arith.subf %gather3A_429, %get3A_544 : vector<16xf32>
        %max3A_645 = arith.constant 0.000000e+00 : f32
        %max3A_646 = vector.broadcast %max3A_645 : f32 to vector<16xf32>
        %max3A_647 = arith.maximumf %sub3A_644, %max3A_646 : vector<16xf32>
        %sub3A_648 = arith.subf %gather3A_433, %get3A_544 : vector<16xf32>
        %max3A_649 = arith.constant 0.000000e+00 : f32
        %max3A_650 = vector.broadcast %max3A_649 : f32 to vector<16xf32>
        %max3A_651 = arith.maximumf %sub3A_648, %max3A_650 : vector<16xf32>
        %sub3A_652 = arith.subf %gather3A_437, %get3A_544 : vector<16xf32>
        %max3A_653 = arith.constant 0.000000e+00 : f32
        %max3A_654 = vector.broadcast %max3A_653 : f32 to vector<16xf32>
        %max3A_655 = arith.maximumf %sub3A_652, %max3A_654 : vector<16xf32>
        %sub3A_656 = arith.subf %gather3A_441, %get3A_544 : vector<16xf32>
        %max3A_657 = arith.constant 0.000000e+00 : f32
        %max3A_658 = vector.broadcast %max3A_657 : f32 to vector<16xf32>
        %max3A_659 = arith.maximumf %sub3A_656, %max3A_658 : vector<16xf32>
        %sub3A_660 = arith.subf %gather3A_445, %get3A_544 : vector<16xf32>
        %max3A_661 = arith.constant 0.000000e+00 : f32
        %max3A_662 = vector.broadcast %max3A_661 : f32 to vector<16xf32>
        %max3A_663 = arith.maximumf %sub3A_660, %max3A_662 : vector<16xf32>
        %sub3A_664 = arith.subf %gather3A_449, %get3A_544 : vector<16xf32>
        %max3A_665 = arith.constant 0.000000e+00 : f32
        %max3A_666 = vector.broadcast %max3A_665 : f32 to vector<16xf32>
        %max3A_667 = arith.maximumf %sub3A_664, %max3A_666 : vector<16xf32>
        %sub3A_668 = arith.subf %gather3A_453, %get3A_544 : vector<16xf32>
        %max3A_669 = arith.constant 0.000000e+00 : f32
        %max3A_670 = vector.broadcast %max3A_669 : f32 to vector<16xf32>
        %max3A_671 = arith.maximumf %sub3A_668, %max3A_670 : vector<16xf32>
        %sub3A_672 = arith.subf %gather3A_457, %get3A_544 : vector<16xf32>
        %max3A_673 = arith.constant 0.000000e+00 : f32
        %max3A_674 = vector.broadcast %max3A_673 : f32 to vector<16xf32>
        %max3A_675 = arith.maximumf %sub3A_672, %max3A_674 : vector<16xf32>
        %sub3A_676 = arith.subf %gather3A_461, %get3A_544 : vector<16xf32>
        %max3A_677 = arith.constant 0.000000e+00 : f32
        %max3A_678 = vector.broadcast %max3A_677 : f32 to vector<16xf32>
        %max3A_679 = arith.maximumf %sub3A_676, %max3A_678 : vector<16xf32>
        %sub3A_680 = arith.subf %gather3A_465, %get3A_544 : vector<16xf32>
        %max3A_681 = arith.constant 0.000000e+00 : f32
        %max3A_682 = vector.broadcast %max3A_681 : f32 to vector<16xf32>
        %max3A_683 = arith.maximumf %sub3A_680, %max3A_682 : vector<16xf32>
        %sub3A_684 = arith.subf %gather3A_469, %get3A_544 : vector<16xf32>
        %max3A_685 = arith.constant 0.000000e+00 : f32
        %max3A_686 = vector.broadcast %max3A_685 : f32 to vector<16xf32>
        %max3A_687 = arith.maximumf %sub3A_684, %max3A_686 : vector<16xf32>
        %sub3A_688 = arith.subf %gather3A_473, %get3A_544 : vector<16xf32>
        %max3A_689 = arith.constant 0.000000e+00 : f32
        %max3A_690 = vector.broadcast %max3A_689 : f32 to vector<16xf32>
        %max3A_691 = arith.maximumf %sub3A_688, %max3A_690 : vector<16xf32>
        %sub3A_692 = arith.subf %gather3A_477, %get3A_544 : vector<16xf32>
        %max3A_693 = arith.constant 0.000000e+00 : f32
        %max3A_694 = vector.broadcast %max3A_693 : f32 to vector<16xf32>
        %max3A_695 = arith.maximumf %sub3A_692, %max3A_694 : vector<16xf32>
        %sub3A_696 = arith.subf %gather3A_481, %get3A_544 : vector<16xf32>
        %max3A_697 = arith.constant 0.000000e+00 : f32
        %max3A_698 = vector.broadcast %max3A_697 : f32 to vector<16xf32>
        %max3A_699 = arith.maximumf %sub3A_696, %max3A_698 : vector<16xf32>
        %add3A_700 = arith.addf %max3A_639, %max3A_643 : vector<16xf32>
        %add3A_701 = arith.addf %max3A_647, %max3A_651 : vector<16xf32>
        %add3A_702 = arith.addf %max3A_655, %max3A_659 : vector<16xf32>
        %add3A_703 = arith.addf %max3A_663, %max3A_667 : vector<16xf32>
        %add3A_704 = arith.addf %max3A_671, %max3A_675 : vector<16xf32>
        %add3A_705 = arith.addf %max3A_679, %max3A_683 : vector<16xf32>
        %add3A_706 = arith.addf %max3A_687, %max3A_691 : vector<16xf32>
        %add3A_707 = arith.addf %max3A_695, %max3A_699 : vector<16xf32>
        %add3A_708 = arith.addf %add3A_700, %add3A_701 : vector<16xf32>
        %add3A_709 = arith.addf %add3A_702, %add3A_703 : vector<16xf32>
        %add3A_710 = arith.addf %add3A_704, %add3A_705 : vector<16xf32>
        %add3A_711 = arith.addf %add3A_706, %add3A_707 : vector<16xf32>
        %add3A_712 = arith.addf %add3A_708, %add3A_709 : vector<16xf32>
        %add3A_713 = arith.addf %add3A_710, %add3A_711 : vector<16xf32>
        %add3A_714 = arith.addf %add3A_712, %add3A_713 : vector<16xf32>
        %add3A_715 = arith.addf %while3A_530, %add3A_714 : vector<16xf32>
        %sub3A_716 = arith.subf %gather3A_421, %get3A_550 : vector<16xf32>
        %max3A_717 = arith.constant 0.000000e+00 : f32
        %max3A_718 = vector.broadcast %max3A_717 : f32 to vector<16xf32>
        %max3A_719 = arith.maximumf %sub3A_716, %max3A_718 : vector<16xf32>
        %sub3A_720 = arith.subf %gather3A_425, %get3A_550 : vector<16xf32>
        %max3A_721 = arith.constant 0.000000e+00 : f32
        %max3A_722 = vector.broadcast %max3A_721 : f32 to vector<16xf32>
        %max3A_723 = arith.maximumf %sub3A_720, %max3A_722 : vector<16xf32>
        %sub3A_724 = arith.subf %gather3A_429, %get3A_550 : vector<16xf32>
        %max3A_725 = arith.constant 0.000000e+00 : f32
        %max3A_726 = vector.broadcast %max3A_725 : f32 to vector<16xf32>
        %max3A_727 = arith.maximumf %sub3A_724, %max3A_726 : vector<16xf32>
        %sub3A_728 = arith.subf %gather3A_433, %get3A_550 : vector<16xf32>
        %max3A_729 = arith.constant 0.000000e+00 : f32
        %max3A_730 = vector.broadcast %max3A_729 : f32 to vector<16xf32>
        %max3A_731 = arith.maximumf %sub3A_728, %max3A_730 : vector<16xf32>
        %sub3A_732 = arith.subf %gather3A_437, %get3A_550 : vector<16xf32>
        %max3A_733 = arith.constant 0.000000e+00 : f32
        %max3A_734 = vector.broadcast %max3A_733 : f32 to vector<16xf32>
        %max3A_735 = arith.maximumf %sub3A_732, %max3A_734 : vector<16xf32>
        %sub3A_736 = arith.subf %gather3A_441, %get3A_550 : vector<16xf32>
        %max3A_737 = arith.constant 0.000000e+00 : f32
        %max3A_738 = vector.broadcast %max3A_737 : f32 to vector<16xf32>
        %max3A_739 = arith.maximumf %sub3A_736, %max3A_738 : vector<16xf32>
        %sub3A_740 = arith.subf %gather3A_445, %get3A_550 : vector<16xf32>
        %max3A_741 = arith.constant 0.000000e+00 : f32
        %max3A_742 = vector.broadcast %max3A_741 : f32 to vector<16xf32>
        %max3A_743 = arith.maximumf %sub3A_740, %max3A_742 : vector<16xf32>
        %sub3A_744 = arith.subf %gather3A_449, %get3A_550 : vector<16xf32>
        %max3A_745 = arith.constant 0.000000e+00 : f32
        %max3A_746 = vector.broadcast %max3A_745 : f32 to vector<16xf32>
        %max3A_747 = arith.maximumf %sub3A_744, %max3A_746 : vector<16xf32>
        %sub3A_748 = arith.subf %gather3A_453, %get3A_550 : vector<16xf32>
        %max3A_749 = arith.constant 0.000000e+00 : f32
        %max3A_750 = vector.broadcast %max3A_749 : f32 to vector<16xf32>
        %max3A_751 = arith.maximumf %sub3A_748, %max3A_750 : vector<16xf32>
        %sub3A_752 = arith.subf %gather3A_457, %get3A_550 : vector<16xf32>
        %max3A_753 = arith.constant 0.000000e+00 : f32
        %max3A_754 = vector.broadcast %max3A_753 : f32 to vector<16xf32>
        %max3A_755 = arith.maximumf %sub3A_752, %max3A_754 : vector<16xf32>
        %sub3A_756 = arith.subf %gather3A_461, %get3A_550 : vector<16xf32>
        %max3A_757 = arith.constant 0.000000e+00 : f32
        %max3A_758 = vector.broadcast %max3A_757 : f32 to vector<16xf32>
        %max3A_759 = arith.maximumf %sub3A_756, %max3A_758 : vector<16xf32>
        %sub3A_760 = arith.subf %gather3A_465, %get3A_550 : vector<16xf32>
        %max3A_761 = arith.constant 0.000000e+00 : f32
        %max3A_762 = vector.broadcast %max3A_761 : f32 to vector<16xf32>
        %max3A_763 = arith.maximumf %sub3A_760, %max3A_762 : vector<16xf32>
        %sub3A_764 = arith.subf %gather3A_469, %get3A_550 : vector<16xf32>
        %max3A_765 = arith.constant 0.000000e+00 : f32
        %max3A_766 = vector.broadcast %max3A_765 : f32 to vector<16xf32>
        %max3A_767 = arith.maximumf %sub3A_764, %max3A_766 : vector<16xf32>
        %sub3A_768 = arith.subf %gather3A_473, %get3A_550 : vector<16xf32>
        %max3A_769 = arith.constant 0.000000e+00 : f32
        %max3A_770 = vector.broadcast %max3A_769 : f32 to vector<16xf32>
        %max3A_771 = arith.maximumf %sub3A_768, %max3A_770 : vector<16xf32>
        %sub3A_772 = arith.subf %gather3A_477, %get3A_550 : vector<16xf32>
        %max3A_773 = arith.constant 0.000000e+00 : f32
        %max3A_774 = vector.broadcast %max3A_773 : f32 to vector<16xf32>
        %max3A_775 = arith.maximumf %sub3A_772, %max3A_774 : vector<16xf32>
        %sub3A_776 = arith.subf %gather3A_481, %get3A_550 : vector<16xf32>
        %max3A_777 = arith.constant 0.000000e+00 : f32
        %max3A_778 = vector.broadcast %max3A_777 : f32 to vector<16xf32>
        %max3A_779 = arith.maximumf %sub3A_776, %max3A_778 : vector<16xf32>
        %add3A_780 = arith.addf %max3A_719, %max3A_723 : vector<16xf32>
        %add3A_781 = arith.addf %max3A_727, %max3A_731 : vector<16xf32>
        %add3A_782 = arith.addf %max3A_735, %max3A_739 : vector<16xf32>
        %add3A_783 = arith.addf %max3A_743, %max3A_747 : vector<16xf32>
        %add3A_784 = arith.addf %max3A_751, %max3A_755 : vector<16xf32>
        %add3A_785 = arith.addf %max3A_759, %max3A_763 : vector<16xf32>
        %add3A_786 = arith.addf %max3A_767, %max3A_771 : vector<16xf32>
        %add3A_787 = arith.addf %max3A_775, %max3A_779 : vector<16xf32>
        %add3A_788 = arith.addf %add3A_780, %add3A_781 : vector<16xf32>
        %add3A_789 = arith.addf %add3A_782, %add3A_783 : vector<16xf32>
        %add3A_790 = arith.addf %add3A_784, %add3A_785 : vector<16xf32>
        %add3A_791 = arith.addf %add3A_786, %add3A_787 : vector<16xf32>
        %add3A_792 = arith.addf %add3A_788, %add3A_789 : vector<16xf32>
        %add3A_793 = arith.addf %add3A_790, %add3A_791 : vector<16xf32>
        %add3A_794 = arith.addf %add3A_792, %add3A_793 : vector<16xf32>
        %add3A_795 = arith.addf %while3A_531, %add3A_794 : vector<16xf32>
        %sub3A_796 = arith.subf %gather3A_421, %get3A_556 : vector<16xf32>
        %max3A_797 = arith.constant 0.000000e+00 : f32
        %max3A_798 = vector.broadcast %max3A_797 : f32 to vector<16xf32>
        %max3A_799 = arith.maximumf %sub3A_796, %max3A_798 : vector<16xf32>
        %sub3A_800 = arith.subf %gather3A_425, %get3A_556 : vector<16xf32>
        %max3A_801 = arith.constant 0.000000e+00 : f32
        %max3A_802 = vector.broadcast %max3A_801 : f32 to vector<16xf32>
        %max3A_803 = arith.maximumf %sub3A_800, %max3A_802 : vector<16xf32>
        %sub3A_804 = arith.subf %gather3A_429, %get3A_556 : vector<16xf32>
        %max3A_805 = arith.constant 0.000000e+00 : f32
        %max3A_806 = vector.broadcast %max3A_805 : f32 to vector<16xf32>
        %max3A_807 = arith.maximumf %sub3A_804, %max3A_806 : vector<16xf32>
        %sub3A_808 = arith.subf %gather3A_433, %get3A_556 : vector<16xf32>
        %max3A_809 = arith.constant 0.000000e+00 : f32
        %max3A_810 = vector.broadcast %max3A_809 : f32 to vector<16xf32>
        %max3A_811 = arith.maximumf %sub3A_808, %max3A_810 : vector<16xf32>
        %sub3A_812 = arith.subf %gather3A_437, %get3A_556 : vector<16xf32>
        %max3A_813 = arith.constant 0.000000e+00 : f32
        %max3A_814 = vector.broadcast %max3A_813 : f32 to vector<16xf32>
        %max3A_815 = arith.maximumf %sub3A_812, %max3A_814 : vector<16xf32>
        %sub3A_816 = arith.subf %gather3A_441, %get3A_556 : vector<16xf32>
        %max3A_817 = arith.constant 0.000000e+00 : f32
        %max3A_818 = vector.broadcast %max3A_817 : f32 to vector<16xf32>
        %max3A_819 = arith.maximumf %sub3A_816, %max3A_818 : vector<16xf32>
        %sub3A_820 = arith.subf %gather3A_445, %get3A_556 : vector<16xf32>
        %max3A_821 = arith.constant 0.000000e+00 : f32
        %max3A_822 = vector.broadcast %max3A_821 : f32 to vector<16xf32>
        %max3A_823 = arith.maximumf %sub3A_820, %max3A_822 : vector<16xf32>
        %sub3A_824 = arith.subf %gather3A_449, %get3A_556 : vector<16xf32>
        %max3A_825 = arith.constant 0.000000e+00 : f32
        %max3A_826 = vector.broadcast %max3A_825 : f32 to vector<16xf32>
        %max3A_827 = arith.maximumf %sub3A_824, %max3A_826 : vector<16xf32>
        %sub3A_828 = arith.subf %gather3A_453, %get3A_556 : vector<16xf32>
        %max3A_829 = arith.constant 0.000000e+00 : f32
        %max3A_830 = vector.broadcast %max3A_829 : f32 to vector<16xf32>
        %max3A_831 = arith.maximumf %sub3A_828, %max3A_830 : vector<16xf32>
        %sub3A_832 = arith.subf %gather3A_457, %get3A_556 : vector<16xf32>
        %max3A_833 = arith.constant 0.000000e+00 : f32
        %max3A_834 = vector.broadcast %max3A_833 : f32 to vector<16xf32>
        %max3A_835 = arith.maximumf %sub3A_832, %max3A_834 : vector<16xf32>
        %sub3A_836 = arith.subf %gather3A_461, %get3A_556 : vector<16xf32>
        %max3A_837 = arith.constant 0.000000e+00 : f32
        %max3A_838 = vector.broadcast %max3A_837 : f32 to vector<16xf32>
        %max3A_839 = arith.maximumf %sub3A_836, %max3A_838 : vector<16xf32>
        %sub3A_840 = arith.subf %gather3A_465, %get3A_556 : vector<16xf32>
        %max3A_841 = arith.constant 0.000000e+00 : f32
        %max3A_842 = vector.broadcast %max3A_841 : f32 to vector<16xf32>
        %max3A_843 = arith.maximumf %sub3A_840, %max3A_842 : vector<16xf32>
        %sub3A_844 = arith.subf %gather3A_469, %get3A_556 : vector<16xf32>
        %max3A_845 = arith.constant 0.000000e+00 : f32
        %max3A_846 = vector.broadcast %max3A_845 : f32 to vector<16xf32>
        %max3A_847 = arith.maximumf %sub3A_844, %max3A_846 : vector<16xf32>
        %sub3A_848 = arith.subf %gather3A_473, %get3A_556 : vector<16xf32>
        %max3A_849 = arith.constant 0.000000e+00 : f32
        %max3A_850 = vector.broadcast %max3A_849 : f32 to vector<16xf32>
        %max3A_851 = arith.maximumf %sub3A_848, %max3A_850 : vector<16xf32>
        %sub3A_852 = arith.subf %gather3A_477, %get3A_556 : vector<16xf32>
        %max3A_853 = arith.constant 0.000000e+00 : f32
        %max3A_854 = vector.broadcast %max3A_853 : f32 to vector<16xf32>
        %max3A_855 = arith.maximumf %sub3A_852, %max3A_854 : vector<16xf32>
        %sub3A_856 = arith.subf %gather3A_481, %get3A_556 : vector<16xf32>
        %max3A_857 = arith.constant 0.000000e+00 : f32
        %max3A_858 = vector.broadcast %max3A_857 : f32 to vector<16xf32>
        %max3A_859 = arith.maximumf %sub3A_856, %max3A_858 : vector<16xf32>
        %add3A_860 = arith.addf %max3A_799, %max3A_803 : vector<16xf32>
        %add3A_861 = arith.addf %max3A_807, %max3A_811 : vector<16xf32>
        %add3A_862 = arith.addf %max3A_815, %max3A_819 : vector<16xf32>
        %add3A_863 = arith.addf %max3A_823, %max3A_827 : vector<16xf32>
        %add3A_864 = arith.addf %max3A_831, %max3A_835 : vector<16xf32>
        %add3A_865 = arith.addf %max3A_839, %max3A_843 : vector<16xf32>
        %add3A_866 = arith.addf %max3A_847, %max3A_851 : vector<16xf32>
        %add3A_867 = arith.addf %max3A_855, %max3A_859 : vector<16xf32>
        %add3A_868 = arith.addf %add3A_860, %add3A_861 : vector<16xf32>
        %add3A_869 = arith.addf %add3A_862, %add3A_863 : vector<16xf32>
        %add3A_870 = arith.addf %add3A_864, %add3A_865 : vector<16xf32>
        %add3A_871 = arith.addf %add3A_866, %add3A_867 : vector<16xf32>
        %add3A_872 = arith.addf %add3A_868, %add3A_869 : vector<16xf32>
        %add3A_873 = arith.addf %add3A_870, %add3A_871 : vector<16xf32>
        %add3A_874 = arith.addf %add3A_872, %add3A_873 : vector<16xf32>
        %add3A_875 = arith.addf %while3A_532, %add3A_874 : vector<16xf32>
        scf.yield %add3A_635, %add3A_715, %add3A_795, %add3A_875 : vector<16xf32>, vector<16xf32>, vector<16xf32>, vector<16xf32>
      }
      %add3A_524 = arith.addf %while3A_523#0, %while3A_523#1 : vector<16xf32>
      %add3A_525 = arith.addf %while3A_523#2, %while3A_523#3 : vector<16xf32>
      %add3A_526 = arith.addf %add3A_524, %add3A_525 : vector<16xf32>
      %add3A_527 = arith.addf %while3A_375, %add3A_526 : vector<16xf32>
      scf.yield %add3A_527 : vector<16xf32>
    }
    %while3A_343 = arith.constant 1 : i32
    %while3A_344 = scf.for %while3A_374 = %while3A_340 to %while3A_336 step %while3A_343 iter_args(%while3A_375 = %while3A_342) -> (vector<16xf32>)  : i32 {
      %mul3A_376 = arith.constant 32 : i32
      %mul3A_377 = arith.muli %while3A_374, %mul3A_376 : i32
      %add3A_378 = arith.addi %add3A, %mul3A_377 : i32
      %mul3A_379 = arith.constant 16 : i32
      %mul3A_380 = arith.muli %add3A_378, %mul3A_379 : i32
      %get3A = arith.index_cast %mul3A_380 : i32 to index
      %get3A_381 = tpu.vector_load %arg5[%get3A] {strides = array<i32>} : memref<4432xf32, #tpu.memory_space<vmem>>, vector<16xf32>,
      %lt3A = arith.constant 5.000000e+29 : f32
      %lt3A_382 = vector.broadcast %lt3A : f32 to vector<16xf32>
      %lt3A_383 = arith.cmpf olt, %get3A_381, %lt3A_382 : vector<16xf32>
      %jit3A_384 = arith.constant -1.000000e+30 : f32
      %broadcast_in_dim3A_385 = vector.broadcast %jit3A_384 : f32 to vector<16xf32>
      %select_n3A_386 = arith.select %lt3A_383, %get3A_381, %broadcast_in_dim3A_385 : vector<16xi1>, vector<16xf32>
      %ge3A = arith.cmpi sge, %mul3A_380, %squeeze3A_243 : i32
      %jit3A_387 = arith.constant 1 : i32
      %jit3A_388 = arith.constant 0 : i32
      %select_n3A_389 = arith.select %ge3A, %jit3A_387, %jit3A_388 : i32
      %add3A_390 = arith.constant 0 : i32
      %add3A_391 = arith.addi %add3A_390, %select_n3A_389 : i32
      %ge3A_392 = arith.cmpi sge, %mul3A_380, %squeeze3A_245 : i32
      %jit3A_393 = arith.constant 1 : i32
      %jit3A_394 = arith.constant 0 : i32
      %select_n3A_395 = arith.select %ge3A_392, %jit3A_393, %jit3A_394 : i32
      %add3A_396 = arith.addi %add3A_391, %select_n3A_395 : i32
      %ge3A_397 = arith.cmpi sge, %mul3A_380, %squeeze3A_247 : i32
      %jit3A_398 = arith.constant 1 : i32
      %jit3A_399 = arith.constant 0 : i32
      %select_n3A_400 = arith.select %ge3A_397, %jit3A_398, %jit3A_399 : i32
      %add3A_401 = arith.addi %add3A_396, %select_n3A_400 : i32
      %ge3A_402 = arith.cmpi sge, %mul3A_380, %squeeze3A_249 : i32
      %jit3A_403 = arith.constant 1 : i32
      %jit3A_404 = arith.constant 0 : i32
      %select_n3A_405 = arith.select %ge3A_402, %jit3A_403, %jit3A_404 : i32
      %add3A_406 = arith.addi %add3A_401, %select_n3A_405 : i32
      %eq3A_407 = arith.constant 3 : i32
      %eq3A_408 = arith.cmpi eq, %add3A_406, %eq3A_407 : i32
      %select_n3A_409 = arith.select %eq3A_408, %squeeze3A_249, %squeeze3A_251 : i32
      %eq3A_410 = arith.constant 2 : i32
      %eq3A_411 = arith.cmpi eq, %add3A_406, %eq3A_410 : i32
      %select_n3A_412 = arith.select %eq3A_411, %squeeze3A_247, %select_n3A_409 : i32
      %eq3A_413 = arith.constant 1 : i32
      %eq3A_414 = arith.cmpi eq, %add3A_406, %eq3A_413 : i32
      %select_n3A_415 = arith.select %eq3A_414, %squeeze3A_245, %select_n3A_412 : i32
      %eq3A_416 = arith.constant 0 : i32
      %eq3A_417 = arith.cmpi eq, %add3A_406, %eq3A_416 : i32
      %select_n3A_418 = arith.select %eq3A_417, %squeeze3A_243, %select_n3A_415 : i32
      %broadcast_in_dim3A_419 = arith.constant 0 : i32
      %broadcast_in_dim3A_420 = vector.broadcast %broadcast_in_dim3A_419 : i32 to vector<16x1xi32>
      %gather3A = vector.shape_cast %broadcast_in_dim3A_420 : vector<16x1xi32> to vector<16xi32>
      %gather3A_421 = tpu.dynamic_gather %select_n3A_386[%gather3A] in [0] : vector<16xf32>, vector<16xi32> -> vector<16xf32>
      %broadcast_in_dim3A_422 = arith.constant 1 : i32
      %broadcast_in_dim3A_423 = vector.broadcast %broadcast_in_dim3A_422 : i32 to vector<16x1xi32>
      %gather3A_424 = vector.shape_cast %broadcast_in_dim3A_423 : vector<16x1xi32> to vector<16xi32>
      %gather3A_425 = tpu.dynamic_gather %select_n3A_386[%gather3A_424] in [0] : vector<16xf32>, vector<16xi32> -> vector<16xf32>
      %broadcast_in_dim3A_426 = arith.constant 2 : i32
      %broadcast_in_dim3A_427 = vector.broadcast %broadcast_in_dim3A_426 : i32 to vector<16x1xi32>
      %gather3A_428 = vector.shape_cast %broadcast_in_dim3A_427 : vector<16x1xi32> to vector<16xi32>
      %gather3A_429 = tpu.dynamic_gather %select_n3A_386[%gather3A_428] in [0] : vector<16xf32>, vector<16xi32> -> vector<16xf32>
      %broadcast_in_dim3A_430 = arith.constant 3 : i32
      %broadcast_in_dim3A_431 = vector.broadcast %broadcast_in_dim3A_430 : i32 to vector<16x1xi32>
      %gather3A_432 = vector.shape_cast %broadcast_in_dim3A_431 : vector<16x1xi32> to vector<16xi32>
      %gather3A_433 = tpu.dynamic_gather %select_n3A_386[%gather3A_432] in [0] : vector<16xf32>, vector<16xi32> -> vector<16xf32>
      %broadcast_in_dim3A_434 = arith.constant 4 : i32
      %broadcast_in_dim3A_435 = vector.broadcast %broadcast_in_dim3A_434 : i32 to vector<16x1xi32>
      %gather3A_436 = vector.shape_cast %broadcast_in_dim3A_435 : vector<16x1xi32> to vector<16xi32>
      %gather3A_437 = tpu.dynamic_gather %select_n3A_386[%gather3A_436] in [0] : vector<16xf32>, vector<16xi32> -> vector<16xf32>
      %broadcast_in_dim3A_438 = arith.constant 5 : i32
      %broadcast_in_dim3A_439 = vector.broadcast %broadcast_in_dim3A_438 : i32 to vector<16x1xi32>
      %gather3A_440 = vector.shape_cast %broadcast_in_dim3A_439 : vector<16x1xi32> to vector<16xi32>
      %gather3A_441 = tpu.dynamic_gather %select_n3A_386[%gather3A_440] in [0] : vector<16xf32>, vector<16xi32> -> vector<16xf32>
      %broadcast_in_dim3A_442 = arith.constant 6 : i32
      %broadcast_in_dim3A_443 = vector.broadcast %broadcast_in_dim3A_442 : i32 to vector<16x1xi32>
      %gather3A_444 = vector.shape_cast %broadcast_in_dim3A_443 : vector<16x1xi32> to vector<16xi32>
      %gather3A_445 = tpu.dynamic_gather %select_n3A_386[%gather3A_444] in [0] : vector<16xf32>, vector<16xi32> -> vector<16xf32>
      %broadcast_in_dim3A_446 = arith.constant 7 : i32
      %broadcast_in_dim3A_447 = vector.broadcast %broadcast_in_dim3A_446 : i32 to vector<16x1xi32>
      %gather3A_448 = vector.shape_cast %broadcast_in_dim3A_447 : vector<16x1xi32> to vector<16xi32>
      %gather3A_449 = tpu.dynamic_gather %select_n3A_386[%gather3A_448] in [0] : vector<16xf32>, vector<16xi32> -> vector<16xf32>
      %broadcast_in_dim3A_450 = arith.constant 8 : i32
      %broadcast_in_dim3A_451 = vector.broadcast %broadcast_in_dim3A_450 : i32 to vector<16x1xi32>
      %gather3A_452 = vector.shape_cast %broadcast_in_dim3A_451 : vector<16x1xi32> to vector<16xi32>
      %gather3A_453 = tpu.dynamic_gather %select_n3A_386[%gather3A_452] in [0] : vector<16xf32>, vector<16xi32> -> vector<16xf32>
      %broadcast_in_dim3A_454 = arith.constant 9 : i32
      %broadcast_in_dim3A_455 = vector.broadcast %broadcast_in_dim3A_454 : i32 to vector<16x1xi32>
      %gather3A_456 = vector.shape_cast %broadcast_in_dim3A_455 : vector<16x1xi32> to vector<16xi32>
      %gather3A_457 = tpu.dynamic_gather %select_n3A_386[%gather3A_456] in [0] : vector<16xf32>, vector<16xi32> -> vector<16xf32>
      %broadcast_in_dim3A_458 = arith.constant 10 : i32
      %broadcast_in_dim3A_459 = vector.broadcast %broadcast_in_dim3A_458 : i32 to vector<16x1xi32>
      %gather3A_460 = vector.shape_cast %broadcast_in_dim3A_459 : vector<16x1xi32> to vector<16xi32>
      %gather3A_461 = tpu.dynamic_gather %select_n3A_386[%gather3A_460] in [0] : vector<16xf32>, vector<16xi32> -> vector<16xf32>
      %broadcast_in_dim3A_462 = arith.constant 11 : i32
      %broadcast_in_dim3A_463 = vector.broadcast %broadcast_in_dim3A_462 : i32 to vector<16x1xi32>
      %gather3A_464 = vector.shape_cast %broadcast_in_dim3A_463 : vector<16x1xi32> to vector<16xi32>
      %gather3A_465 = tpu.dynamic_gather %select_n3A_386[%gather3A_464] in [0] : vector<16xf32>, vector<16xi32> -> vector<16xf32>
      %broadcast_in_dim3A_466 = arith.constant 12 : i32
      %broadcast_in_dim3A_467 = vector.broadcast %broadcast_in_dim3A_466 : i32 to vector<16x1xi32>
      %gather3A_468 = vector.shape_cast %broadcast_in_dim3A_467 : vector<16x1xi32> to vector<16xi32>
      %gather3A_469 = tpu.dynamic_gather %select_n3A_386[%gather3A_468] in [0] : vector<16xf32>, vector<16xi32> -> vector<16xf32>
      %broadcast_in_dim3A_470 = arith.constant 13 : i32
      %broadcast_in_dim3A_471 = vector.broadcast %broadcast_in_dim3A_470 : i32 to vector<16x1xi32>
      %gather3A_472 = vector.shape_cast %broadcast_in_dim3A_471 : vector<16x1xi32> to vector<16xi32>
      %gather3A_473 = tpu.dynamic_gather %select_n3A_386[%gather3A_472] in [0] : vector<16xf32>, vector<16xi32> -> vector<16xf32>
      %broadcast_in_dim3A_474 = arith.constant 14 : i32
      %broadcast_in_dim3A_475 = vector.broadcast %broadcast_in_dim3A_474 : i32 to vector<16x1xi32>
      %gather3A_476 = vector.shape_cast %broadcast_in_dim3A_475 : vector<16x1xi32> to vector<16xi32>
      %gather3A_477 = tpu.dynamic_gather %select_n3A_386[%gather3A_476] in [0] : vector<16xf32>, vector<16xi32> -> vector<16xf32>
      %broadcast_in_dim3A_478 = arith.constant 15 : i32
      %broadcast_in_dim3A_479 = vector.broadcast %broadcast_in_dim3A_478 : i32 to vector<16x1xi32>
      %gather3A_480 = vector.shape_cast %broadcast_in_dim3A_479 : vector<16x1xi32> to vector<16xi32>
      %gather3A_481 = tpu.dynamic_gather %select_n3A_386[%gather3A_480] in [0] : vector<16xf32>, vector<16xi32> -> vector<16xf32>
      %jit3A_482 = arith.constant 64 : i32
      %div3A_483 = arith.divsi %select_n3A_418, %jit3A_482 : i32
      %sign3A_484 = arith.constant 0 : i32
      %sign3A_485 = arith.cmpi sgt, %select_n3A_418, %sign3A_484 : i32
      %sign3A_486 = arith.extui %sign3A_485 : i1 to i32
      %sign3A_487 = arith.constant 0 : i32
      %sign3A_488 = arith.cmpi slt, %select_n3A_418, %sign3A_487 : i32
      %sign3A_489 = arith.extui %sign3A_488 : i1 to i32
      %sign3A_490 = arith.subi %sign3A_486, %sign3A_489 : i32
      %sign3A_491 = arith.constant 0 : i32
      %sign3A_492 = arith.cmpi sgt, %jit3A_482, %sign3A_491 : i32
      %sign3A_493 = arith.extui %sign3A_492 : i1 to i32
      %sign3A_494 = arith.constant 0 : i32
      %sign3A_495 = arith.cmpi slt, %jit3A_482, %sign3A_494 : i32
      %sign3A_496 = arith.extui %sign3A_495 : i1 to i32
      %sign3A_497 = arith.subi %sign3A_493, %sign3A_496 : i32
      %ne3A_498 = arith.cmpi ne, %sign3A_490, %sign3A_497 : i32
      %rem3A_499 = arith.remsi %select_n3A_418, %jit3A_482 : i32
      %ne3A_500 = arith.constant 0 : i32
      %ne3A_501 = arith.cmpi ne, %rem3A_499, %ne3A_500 : i32
      %and3A_502 = arith.andi %ne3A_498, %ne3A_501 : i1
      %sub3A_503 = arith.constant 1 : i32
      %sub3A_504 = arith.subi %div3A_483, %sub3A_503 : i32
      %select_n3A_505 = arith.select %and3A_502, %sub3A_504, %div3A_483 : i32
      %broadcast_in_dim3A_506 = arith.constant 0.000000e+00 : f32
      %broadcast_in_dim3A_507 = vector.broadcast %broadcast_in_dim3A_506 : f32 to vector<16xf32>
      %broadcast_in_dim3A_508 = arith.constant 0.000000e+00 : f32
      %broadcast_in_dim3A_509 = vector.broadcast %broadcast_in_dim3A_508 : f32 to vector<16xf32>
      %broadcast_in_dim3A_510 = arith.constant 0.000000e+00 : f32
      %broadcast_in_dim3A_511 = vector.broadcast %broadcast_in_dim3A_510 : f32 to vector<16xf32>
      %broadcast_in_dim3A_512 = arith.constant 0.000000e+00 : f32
      %broadcast_in_dim3A_513 = vector.broadcast %broadcast_in_dim3A_512 : f32 to vector<16xf32>
      %while3A_514 = arith.subi %select_n3A_281, %select_n3A_505 : i32
      %while3A_515 = arith.addi %select_n3A_505, %while3A_514 : i32
      %while3A_516 = arith.constant 1 : i32
      %while3A_517 = arith.divsi %while3A_514, %while3A_516 : i32
      %while3A_518 = arith.muli %while3A_517, %while3A_516 : i32
      %while3A_519 = arith.addi %select_n3A_505, %while3A_518 : i32
      %while3A_520 = arith.constant 1 : i32
      %while3A_521:4 = scf.for %while3A_528 = %select_n3A_505 to %while3A_519 step %while3A_520 iter_args(%while3A_529 = %broadcast_in_dim3A_507, %while3A_530 = %broadcast_in_dim3A_509, %while3A_531 = %broadcast_in_dim3A_511, %while3A_532 = %broadcast_in_dim3A_513) -> (vector<16xf32>, vector<16xf32>, vector<16xf32>, vector<16xf32>)  : i32 {
        %mul3A_533 = arith.constant 64 : i32
        %mul3A_534 = arith.muli %while3A_528, %mul3A_533 : i32
        %add3A_535 = arith.constant 0 : i32
        %add3A_536 = arith.addi %mul3A_534, %add3A_535 : i32
        %get3A_537 = arith.index_cast %add3A_536 : i32 to index
        %get3A_538 = tpu.vector_load %arg5[%get3A_537] {strides = array<i32>} : memref<4432xf32, #tpu.memory_space<vmem>>, vector<16xf32>,
        %mul3A_539 = arith.constant 64 : i32
        %mul3A_540 = arith.muli %while3A_528, %mul3A_539 : i32
        %add3A_541 = arith.constant 16 : i32
        %add3A_542 = arith.addi %mul3A_540, %add3A_541 : i32
        %get3A_543 = arith.index_cast %add3A_542 : i32 to index
        %get3A_544 = tpu.vector_load %arg5[%get3A_543] {strides = array<i32>} : memref<4432xf32, #tpu.memory_space<vmem>>, vector<16xf32>,
        %mul3A_545 = arith.constant 64 : i32
        %mul3A_546 = arith.muli %while3A_528, %mul3A_545 : i32
        %add3A_547 = arith.constant 32 : i32
        %add3A_548 = arith.addi %mul3A_546, %add3A_547 : i32
        %get3A_549 = arith.index_cast %add3A_548 : i32 to index
        %get3A_550 = tpu.vector_load %arg5[%get3A_549] {strides = array<i32>} : memref<4432xf32, #tpu.memory_space<vmem>>, vector<16xf32>,
        %mul3A_551 = arith.constant 64 : i32
        %mul3A_552 = arith.muli %while3A_528, %mul3A_551 : i32
        %add3A_553 = arith.constant 48 : i32
        %add3A_554 = arith.addi %mul3A_552, %add3A_553 : i32
        %get3A_555 = arith.index_cast %add3A_554 : i32 to index
        %get3A_556 = tpu.vector_load %arg5[%get3A_555] {strides = array<i32>} : memref<4432xf32, #tpu.memory_space<vmem>>, vector<16xf32>,
        %sub3A_557 = arith.subf %gather3A_421, %get3A_538 : vector<16xf32>
        %max3A = arith.constant 0.000000e+00 : f32
        %max3A_558 = vector.broadcast %max3A : f32 to vector<16xf32>
        %max3A_559 = arith.maximumf %sub3A_557, %max3A_558 : vector<16xf32>
        %sub3A_560 = arith.subf %gather3A_425, %get3A_538 : vector<16xf32>
        %max3A_561 = arith.constant 0.000000e+00 : f32
        %max3A_562 = vector.broadcast %max3A_561 : f32 to vector<16xf32>
        %max3A_563 = arith.maximumf %sub3A_560, %max3A_562 : vector<16xf32>
        %sub3A_564 = arith.subf %gather3A_429, %get3A_538 : vector<16xf32>
        %max3A_565 = arith.constant 0.000000e+00 : f32
        %max3A_566 = vector.broadcast %max3A_565 : f32 to vector<16xf32>
        %max3A_567 = arith.maximumf %sub3A_564, %max3A_566 : vector<16xf32>
        %sub3A_568 = arith.subf %gather3A_433, %get3A_538 : vector<16xf32>
        %max3A_569 = arith.constant 0.000000e+00 : f32
        %max3A_570 = vector.broadcast %max3A_569 : f32 to vector<16xf32>
        %max3A_571 = arith.maximumf %sub3A_568, %max3A_570 : vector<16xf32>
        %sub3A_572 = arith.subf %gather3A_437, %get3A_538 : vector<16xf32>
        %max3A_573 = arith.constant 0.000000e+00 : f32
        %max3A_574 = vector.broadcast %max3A_573 : f32 to vector<16xf32>
        %max3A_575 = arith.maximumf %sub3A_572, %max3A_574 : vector<16xf32>
        %sub3A_576 = arith.subf %gather3A_441, %get3A_538 : vector<16xf32>
        %max3A_577 = arith.constant 0.000000e+00 : f32
        %max3A_578 = vector.broadcast %max3A_577 : f32 to vector<16xf32>
        %max3A_579 = arith.maximumf %sub3A_576, %max3A_578 : vector<16xf32>
        %sub3A_580 = arith.subf %gather3A_445, %get3A_538 : vector<16xf32>
        %max3A_581 = arith.constant 0.000000e+00 : f32
        %max3A_582 = vector.broadcast %max3A_581 : f32 to vector<16xf32>
        %max3A_583 = arith.maximumf %sub3A_580, %max3A_582 : vector<16xf32>
        %sub3A_584 = arith.subf %gather3A_449, %get3A_538 : vector<16xf32>
        %max3A_585 = arith.constant 0.000000e+00 : f32
        %max3A_586 = vector.broadcast %max3A_585 : f32 to vector<16xf32>
        %max3A_587 = arith.maximumf %sub3A_584, %max3A_586 : vector<16xf32>
        %sub3A_588 = arith.subf %gather3A_453, %get3A_538 : vector<16xf32>
        %max3A_589 = arith.constant 0.000000e+00 : f32
        %max3A_590 = vector.broadcast %max3A_589 : f32 to vector<16xf32>
        %max3A_591 = arith.maximumf %sub3A_588, %max3A_590 : vector<16xf32>
        %sub3A_592 = arith.subf %gather3A_457, %get3A_538 : vector<16xf32>
        %max3A_593 = arith.constant 0.000000e+00 : f32
        %max3A_594 = vector.broadcast %max3A_593 : f32 to vector<16xf32>
        %max3A_595 = arith.maximumf %sub3A_592, %max3A_594 : vector<16xf32>
        %sub3A_596 = arith.subf %gather3A_461, %get3A_538 : vector<16xf32>
        %max3A_597 = arith.constant 0.000000e+00 : f32
        %max3A_598 = vector.broadcast %max3A_597 : f32 to vector<16xf32>
        %max3A_599 = arith.maximumf %sub3A_596, %max3A_598 : vector<16xf32>
        %sub3A_600 = arith.subf %gather3A_465, %get3A_538 : vector<16xf32>
        %max3A_601 = arith.constant 0.000000e+00 : f32
        %max3A_602 = vector.broadcast %max3A_601 : f32 to vector<16xf32>
        %max3A_603 = arith.maximumf %sub3A_600, %max3A_602 : vector<16xf32>
        %sub3A_604 = arith.subf %gather3A_469, %get3A_538 : vector<16xf32>
        %max3A_605 = arith.constant 0.000000e+00 : f32
        %max3A_606 = vector.broadcast %max3A_605 : f32 to vector<16xf32>
        %max3A_607 = arith.maximumf %sub3A_604, %max3A_606 : vector<16xf32>
        %sub3A_608 = arith.subf %gather3A_473, %get3A_538 : vector<16xf32>
        %max3A_609 = arith.constant 0.000000e+00 : f32
        %max3A_610 = vector.broadcast %max3A_609 : f32 to vector<16xf32>
        %max3A_611 = arith.maximumf %sub3A_608, %max3A_610 : vector<16xf32>
        %sub3A_612 = arith.subf %gather3A_477, %get3A_538 : vector<16xf32>
        %max3A_613 = arith.constant 0.000000e+00 : f32
        %max3A_614 = vector.broadcast %max3A_613 : f32 to vector<16xf32>
        %max3A_615 = arith.maximumf %sub3A_612, %max3A_614 : vector<16xf32>
        %sub3A_616 = arith.subf %gather3A_481, %get3A_538 : vector<16xf32>
        %max3A_617 = arith.constant 0.000000e+00 : f32
        %max3A_618 = vector.broadcast %max3A_617 : f32 to vector<16xf32>
        %max3A_619 = arith.maximumf %sub3A_616, %max3A_618 : vector<16xf32>
        %add3A_620 = arith.addf %max3A_559, %max3A_563 : vector<16xf32>
        %add3A_621 = arith.addf %max3A_567, %max3A_571 : vector<16xf32>
        %add3A_622 = arith.addf %max3A_575, %max3A_579 : vector<16xf32>
        %add3A_623 = arith.addf %max3A_583, %max3A_587 : vector<16xf32>
        %add3A_624 = arith.addf %max3A_591, %max3A_595 : vector<16xf32>
        %add3A_625 = arith.addf %max3A_599, %max3A_603 : vector<16xf32>
        %add3A_626 = arith.addf %max3A_607, %max3A_611 : vector<16xf32>
        %add3A_627 = arith.addf %max3A_615, %max3A_619 : vector<16xf32>
        %add3A_628 = arith.addf %add3A_620, %add3A_621 : vector<16xf32>
        %add3A_629 = arith.addf %add3A_622, %add3A_623 : vector<16xf32>
        %add3A_630 = arith.addf %add3A_624, %add3A_625 : vector<16xf32>
        %add3A_631 = arith.addf %add3A_626, %add3A_627 : vector<16xf32>
        %add3A_632 = arith.addf %add3A_628, %add3A_629 : vector<16xf32>
        %add3A_633 = arith.addf %add3A_630, %add3A_631 : vector<16xf32>
        %add3A_634 = arith.addf %add3A_632, %add3A_633 : vector<16xf32>
        %add3A_635 = arith.addf %while3A_529, %add3A_634 : vector<16xf32>
        %sub3A_636 = arith.subf %gather3A_421, %get3A_544 : vector<16xf32>
        %max3A_637 = arith.constant 0.000000e+00 : f32
        %max3A_638 = vector.broadcast %max3A_637 : f32 to vector<16xf32>
        %max3A_639 = arith.maximumf %sub3A_636, %max3A_638 : vector<16xf32>
        %sub3A_640 = arith.subf %gather3A_425, %get3A_544 : vector<16xf32>
        %max3A_641 = arith.constant 0.000000e+00 : f32
        %max3A_642 = vector.broadcast %max3A_641 : f32 to vector<16xf32>
        %max3A_643 = arith.maximumf %sub3A_640, %max3A_642 : vector<16xf32>
        %sub3A_644 = arith.subf %gather3A_429, %get3A_544 : vector<16xf32>
        %max3A_645 = arith.constant 0.000000e+00 : f32
        %max3A_646 = vector.broadcast %max3A_645 : f32 to vector<16xf32>
        %max3A_647 = arith.maximumf %sub3A_644, %max3A_646 : vector<16xf32>
        %sub3A_648 = arith.subf %gather3A_433, %get3A_544 : vector<16xf32>
        %max3A_649 = arith.constant 0.000000e+00 : f32
        %max3A_650 = vector.broadcast %max3A_649 : f32 to vector<16xf32>
        %max3A_651 = arith.maximumf %sub3A_648, %max3A_650 : vector<16xf32>
        %sub3A_652 = arith.subf %gather3A_437, %get3A_544 : vector<16xf32>
        %max3A_653 = arith.constant 0.000000e+00 : f32
        %max3A_654 = vector.broadcast %max3A_653 : f32 to vector<16xf32>
        %max3A_655 = arith.maximumf %sub3A_652, %max3A_654 : vector<16xf32>
        %sub3A_656 = arith.subf %gather3A_441, %get3A_544 : vector<16xf32>
        %max3A_657 = arith.constant 0.000000e+00 : f32
        %max3A_658 = vector.broadcast %max3A_657 : f32 to vector<16xf32>
        %max3A_659 = arith.maximumf %sub3A_656, %max3A_658 : vector<16xf32>
        %sub3A_660 = arith.subf %gather3A_445, %get3A_544 : vector<16xf32>
        %max3A_661 = arith.constant 0.000000e+00 : f32
        %max3A_662 = vector.broadcast %max3A_661 : f32 to vector<16xf32>
        %max3A_663 = arith.maximumf %sub3A_660, %max3A_662 : vector<16xf32>
        %sub3A_664 = arith.subf %gather3A_449, %get3A_544 : vector<16xf32>
        %max3A_665 = arith.constant 0.000000e+00 : f32
        %max3A_666 = vector.broadcast %max3A_665 : f32 to vector<16xf32>
        %max3A_667 = arith.maximumf %sub3A_664, %max3A_666 : vector<16xf32>
        %sub3A_668 = arith.subf %gather3A_453, %get3A_544 : vector<16xf32>
        %max3A_669 = arith.constant 0.000000e+00 : f32
        %max3A_670 = vector.broadcast %max3A_669 : f32 to vector<16xf32>
        %max3A_671 = arith.maximumf %sub3A_668, %max3A_670 : vector<16xf32>
        %sub3A_672 = arith.subf %gather3A_457, %get3A_544 : vector<16xf32>
        %max3A_673 = arith.constant 0.000000e+00 : f32
        %max3A_674 = vector.broadcast %max3A_673 : f32 to vector<16xf32>
        %max3A_675 = arith.maximumf %sub3A_672, %max3A_674 : vector<16xf32>
        %sub3A_676 = arith.subf %gather3A_461, %get3A_544 : vector<16xf32>
        %max3A_677 = arith.constant 0.000000e+00 : f32
        %max3A_678 = vector.broadcast %max3A_677 : f32 to vector<16xf32>
        %max3A_679 = arith.maximumf %sub3A_676, %max3A_678 : vector<16xf32>
        %sub3A_680 = arith.subf %gather3A_465, %get3A_544 : vector<16xf32>
        %max3A_681 = arith.constant 0.000000e+00 : f32
        %max3A_682 = vector.broadcast %max3A_681 : f32 to vector<16xf32>
        %max3A_683 = arith.maximumf %sub3A_680, %max3A_682 : vector<16xf32>
        %sub3A_684 = arith.subf %gather3A_469, %get3A_544 : vector<16xf32>
        %max3A_685 = arith.constant 0.000000e+00 : f32
        %max3A_686 = vector.broadcast %max3A_685 : f32 to vector<16xf32>
        %max3A_687 = arith.maximumf %sub3A_684, %max3A_686 : vector<16xf32>
        %sub3A_688 = arith.subf %gather3A_473, %get3A_544 : vector<16xf32>
        %max3A_689 = arith.constant 0.000000e+00 : f32
        %max3A_690 = vector.broadcast %max3A_689 : f32 to vector<16xf32>
        %max3A_691 = arith.maximumf %sub3A_688, %max3A_690 : vector<16xf32>
        %sub3A_692 = arith.subf %gather3A_477, %get3A_544 : vector<16xf32>
        %max3A_693 = arith.constant 0.000000e+00 : f32
        %max3A_694 = vector.broadcast %max3A_693 : f32 to vector<16xf32>
        %max3A_695 = arith.maximumf %sub3A_692, %max3A_694 : vector<16xf32>
        %sub3A_696 = arith.subf %gather3A_481, %get3A_544 : vector<16xf32>
        %max3A_697 = arith.constant 0.000000e+00 : f32
        %max3A_698 = vector.broadcast %max3A_697 : f32 to vector<16xf32>
        %max3A_699 = arith.maximumf %sub3A_696, %max3A_698 : vector<16xf32>
        %add3A_700 = arith.addf %max3A_639, %max3A_643 : vector<16xf32>
        %add3A_701 = arith.addf %max3A_647, %max3A_651 : vector<16xf32>
        %add3A_702 = arith.addf %max3A_655, %max3A_659 : vector<16xf32>
        %add3A_703 = arith.addf %max3A_663, %max3A_667 : vector<16xf32>
        %add3A_704 = arith.addf %max3A_671, %max3A_675 : vector<16xf32>
        %add3A_705 = arith.addf %max3A_679, %max3A_683 : vector<16xf32>
        %add3A_706 = arith.addf %max3A_687, %max3A_691 : vector<16xf32>
        %add3A_707 = arith.addf %max3A_695, %max3A_699 : vector<16xf32>
        %add3A_708 = arith.addf %add3A_700, %add3A_701 : vector<16xf32>
        %add3A_709 = arith.addf %add3A_702, %add3A_703 : vector<16xf32>
        %add3A_710 = arith.addf %add3A_704, %add3A_705 : vector<16xf32>
        %add3A_711 = arith.addf %add3A_706, %add3A_707 : vector<16xf32>
        %add3A_712 = arith.addf %add3A_708, %add3A_709 : vector<16xf32>
        %add3A_713 = arith.addf %add3A_710, %add3A_711 : vector<16xf32>
        %add3A_714 = arith.addf %add3A_712, %add3A_713 : vector<16xf32>
        %add3A_715 = arith.addf %while3A_530, %add3A_714 : vector<16xf32>
        %sub3A_716 = arith.subf %gather3A_421, %get3A_550 : vector<16xf32>
        %max3A_717 = arith.constant 0.000000e+00 : f32
        %max3A_718 = vector.broadcast %max3A_717 : f32 to vector<16xf32>
        %max3A_719 = arith.maximumf %sub3A_716, %max3A_718 : vector<16xf32>
        %sub3A_720 = arith.subf %gather3A_425, %get3A_550 : vector<16xf32>
        %max3A_721 = arith.constant 0.000000e+00 : f32
        %max3A_722 = vector.broadcast %max3A_721 : f32 to vector<16xf32>
        %max3A_723 = arith.maximumf %sub3A_720, %max3A_722 : vector<16xf32>
        %sub3A_724 = arith.subf %gather3A_429, %get3A_550 : vector<16xf32>
        %max3A_725 = arith.constant 0.000000e+00 : f32
        %max3A_726 = vector.broadcast %max3A_725 : f32 to vector<16xf32>
        %max3A_727 = arith.maximumf %sub3A_724, %max3A_726 : vector<16xf32>
        %sub3A_728 = arith.subf %gather3A_433, %get3A_550 : vector<16xf32>
        %max3A_729 = arith.constant 0.000000e+00 : f32
        %max3A_730 = vector.broadcast %max3A_729 : f32 to vector<16xf32>
        %max3A_731 = arith.maximumf %sub3A_728, %max3A_730 : vector<16xf32>
        %sub3A_732 = arith.subf %gather3A_437, %get3A_550 : vector<16xf32>
        %max3A_733 = arith.constant 0.000000e+00 : f32
        %max3A_734 = vector.broadcast %max3A_733 : f32 to vector<16xf32>
        %max3A_735 = arith.maximumf %sub3A_732, %max3A_734 : vector<16xf32>
        %sub3A_736 = arith.subf %gather3A_441, %get3A_550 : vector<16xf32>
        %max3A_737 = arith.constant 0.000000e+00 : f32
        %max3A_738 = vector.broadcast %max3A_737 : f32 to vector<16xf32>
        %max3A_739 = arith.maximumf %sub3A_736, %max3A_738 : vector<16xf32>
        %sub3A_740 = arith.subf %gather3A_445, %get3A_550 : vector<16xf32>
        %max3A_741 = arith.constant 0.000000e+00 : f32
        %max3A_742 = vector.broadcast %max3A_741 : f32 to vector<16xf32>
        %max3A_743 = arith.maximumf %sub3A_740, %max3A_742 : vector<16xf32>
        %sub3A_744 = arith.subf %gather3A_449, %get3A_550 : vector<16xf32>
        %max3A_745 = arith.constant 0.000000e+00 : f32
        %max3A_746 = vector.broadcast %max3A_745 : f32 to vector<16xf32>
        %max3A_747 = arith.maximumf %sub3A_744, %max3A_746 : vector<16xf32>
        %sub3A_748 = arith.subf %gather3A_453, %get3A_550 : vector<16xf32>
        %max3A_749 = arith.constant 0.000000e+00 : f32
        %max3A_750 = vector.broadcast %max3A_749 : f32 to vector<16xf32>
        %max3A_751 = arith.maximumf %sub3A_748, %max3A_750 : vector<16xf32>
        %sub3A_752 = arith.subf %gather3A_457, %get3A_550 : vector<16xf32>
        %max3A_753 = arith.constant 0.000000e+00 : f32
        %max3A_754 = vector.broadcast %max3A_753 : f32 to vector<16xf32>
        %max3A_755 = arith.maximumf %sub3A_752, %max3A_754 : vector<16xf32>
        %sub3A_756 = arith.subf %gather3A_461, %get3A_550 : vector<16xf32>
        %max3A_757 = arith.constant 0.000000e+00 : f32
        %max3A_758 = vector.broadcast %max3A_757 : f32 to vector<16xf32>
        %max3A_759 = arith.maximumf %sub3A_756, %max3A_758 : vector<16xf32>
        %sub3A_760 = arith.subf %gather3A_465, %get3A_550 : vector<16xf32>
        %max3A_761 = arith.constant 0.000000e+00 : f32
        %max3A_762 = vector.broadcast %max3A_761 : f32 to vector<16xf32>
        %max3A_763 = arith.maximumf %sub3A_760, %max3A_762 : vector<16xf32>
        %sub3A_764 = arith.subf %gather3A_469, %get3A_550 : vector<16xf32>
        %max3A_765 = arith.constant 0.000000e+00 : f32
        %max3A_766 = vector.broadcast %max3A_765 : f32 to vector<16xf32>
        %max3A_767 = arith.maximumf %sub3A_764, %max3A_766 : vector<16xf32>
        %sub3A_768 = arith.subf %gather3A_473, %get3A_550 : vector<16xf32>
        %max3A_769 = arith.constant 0.000000e+00 : f32
        %max3A_770 = vector.broadcast %max3A_769 : f32 to vector<16xf32>
        %max3A_771 = arith.maximumf %sub3A_768, %max3A_770 : vector<16xf32>
        %sub3A_772 = arith.subf %gather3A_477, %get3A_550 : vector<16xf32>
        %max3A_773 = arith.constant 0.000000e+00 : f32
        %max3A_774 = vector.broadcast %max3A_773 : f32 to vector<16xf32>
        %max3A_775 = arith.maximumf %sub3A_772, %max3A_774 : vector<16xf32>
        %sub3A_776 = arith.subf %gather3A_481, %get3A_550 : vector<16xf32>
        %max3A_777 = arith.constant 0.000000e+00 : f32
        %max3A_778 = vector.broadcast %max3A_777 : f32 to vector<16xf32>
        %max3A_779 = arith.maximumf %sub3A_776, %max3A_778 : vector<16xf32>
        %add3A_780 = arith.addf %max3A_719, %max3A_723 : vector<16xf32>
        %add3A_781 = arith.addf %max3A_727, %max3A_731 : vector<16xf32>
        %add3A_782 = arith.addf %max3A_735, %max3A_739 : vector<16xf32>
        %add3A_783 = arith.addf %max3A_743, %max3A_747 : vector<16xf32>
        %add3A_784 = arith.addf %max3A_751, %max3A_755 : vector<16xf32>
        %add3A_785 = arith.addf %max3A_759, %max3A_763 : vector<16xf32>
        %add3A_786 = arith.addf %max3A_767, %max3A_771 : vector<16xf32>
        %add3A_787 = arith.addf %max3A_775, %max3A_779 : vector<16xf32>
        %add3A_788 = arith.addf %add3A_780, %add3A_781 : vector<16xf32>
        %add3A_789 = arith.addf %add3A_782, %add3A_783 : vector<16xf32>
        %add3A_790 = arith.addf %add3A_784, %add3A_785 : vector<16xf32>
        %add3A_791 = arith.addf %add3A_786, %add3A_787 : vector<16xf32>
        %add3A_792 = arith.addf %add3A_788, %add3A_789 : vector<16xf32>
        %add3A_793 = arith.addf %add3A_790, %add3A_791 : vector<16xf32>
        %add3A_794 = arith.addf %add3A_792, %add3A_793 : vector<16xf32>
        %add3A_795 = arith.addf %while3A_531, %add3A_794 : vector<16xf32>
        %sub3A_796 = arith.subf %gather3A_421, %get3A_556 : vector<16xf32>
        %max3A_797 = arith.constant 0.000000e+00 : f32
        %max3A_798 = vector.broadcast %max3A_797 : f32 to vector<16xf32>
        %max3A_799 = arith.maximumf %sub3A_796, %max3A_798 : vector<16xf32>
        %sub3A_800 = arith.subf %gather3A_425, %get3A_556 : vector<16xf32>
        %max3A_801 = arith.constant 0.000000e+00 : f32
        %max3A_802 = vector.broadcast %max3A_801 : f32 to vector<16xf32>
        %max3A_803 = arith.maximumf %sub3A_800, %max3A_802 : vector<16xf32>
        %sub3A_804 = arith.subf %gather3A_429, %get3A_556 : vector<16xf32>
        %max3A_805 = arith.constant 0.000000e+00 : f32
        %max3A_806 = vector.broadcast %max3A_805 : f32 to vector<16xf32>
        %max3A_807 = arith.maximumf %sub3A_804, %max3A_806 : vector<16xf32>
        %sub3A_808 = arith.subf %gather3A_433, %get3A_556 : vector<16xf32>
        %max3A_809 = arith.constant 0.000000e+00 : f32
        %max3A_810 = vector.broadcast %max3A_809 : f32 to vector<16xf32>
        %max3A_811 = arith.maximumf %sub3A_808, %max3A_810 : vector<16xf32>
        %sub3A_812 = arith.subf %gather3A_437, %get3A_556 : vector<16xf32>
        %max3A_813 = arith.constant 0.000000e+00 : f32
        %max3A_814 = vector.broadcast %max3A_813 : f32 to vector<16xf32>
        %max3A_815 = arith.maximumf %sub3A_812, %max3A_814 : vector<16xf32>
        %sub3A_816 = arith.subf %gather3A_441, %get3A_556 : vector<16xf32>
        %max3A_817 = arith.constant 0.000000e+00 : f32
        %max3A_818 = vector.broadcast %max3A_817 : f32 to vector<16xf32>
        %max3A_819 = arith.maximumf %sub3A_816, %max3A_818 : vector<16xf32>
        %sub3A_820 = arith.subf %gather3A_445, %get3A_556 : vector<16xf32>
        %max3A_821 = arith.constant 0.000000e+00 : f32
        %max3A_822 = vector.broadcast %max3A_821 : f32 to vector<16xf32>
        %max3A_823 = arith.maximumf %sub3A_820, %max3A_822 : vector<16xf32>
        %sub3A_824 = arith.subf %gather3A_449, %get3A_556 : vector<16xf32>
        %max3A_825 = arith.constant 0.000000e+00 : f32
        %max3A_826 = vector.broadcast %max3A_825 : f32 to vector<16xf32>
        %max3A_827 = arith.maximumf %sub3A_824, %max3A_826 : vector<16xf32>
        %sub3A_828 = arith.subf %gather3A_453, %get3A_556 : vector<16xf32>
        %max3A_829 = arith.constant 0.000000e+00 : f32
        %max3A_830 = vector.broadcast %max3A_829 : f32 to vector<16xf32>
        %max3A_831 = arith.maximumf %sub3A_828, %max3A_830 : vector<16xf32>
        %sub3A_832 = arith.subf %gather3A_457, %get3A_556 : vector<16xf32>
        %max3A_833 = arith.constant 0.000000e+00 : f32
        %max3A_834 = vector.broadcast %max3A_833 : f32 to vector<16xf32>
        %max3A_835 = arith.maximumf %sub3A_832, %max3A_834 : vector<16xf32>
        %sub3A_836 = arith.subf %gather3A_461, %get3A_556 : vector<16xf32>
        %max3A_837 = arith.constant 0.000000e+00 : f32
        %max3A_838 = vector.broadcast %max3A_837 : f32 to vector<16xf32>
        %max3A_839 = arith.maximumf %sub3A_836, %max3A_838 : vector<16xf32>
        %sub3A_840 = arith.subf %gather3A_465, %get3A_556 : vector<16xf32>
        %max3A_841 = arith.constant 0.000000e+00 : f32
        %max3A_842 = vector.broadcast %max3A_841 : f32 to vector<16xf32>
        %max3A_843 = arith.maximumf %sub3A_840, %max3A_842 : vector<16xf32>
        %sub3A_844 = arith.subf %gather3A_469, %get3A_556 : vector<16xf32>
        %max3A_845 = arith.constant 0.000000e+00 : f32
        %max3A_846 = vector.broadcast %max3A_845 : f32 to vector<16xf32>
        %max3A_847 = arith.maximumf %sub3A_844, %max3A_846 : vector<16xf32>
        %sub3A_848 = arith.subf %gather3A_473, %get3A_556 : vector<16xf32>
        %max3A_849 = arith.constant 0.000000e+00 : f32
        %max3A_850 = vector.broadcast %max3A_849 : f32 to vector<16xf32>
        %max3A_851 = arith.maximumf %sub3A_848, %max3A_850 : vector<16xf32>
        %sub3A_852 = arith.subf %gather3A_477, %get3A_556 : vector<16xf32>
        %max3A_853 = arith.constant 0.000000e+00 : f32
        %max3A_854 = vector.broadcast %max3A_853 : f32 to vector<16xf32>
        %max3A_855 = arith.maximumf %sub3A_852, %max3A_854 : vector<16xf32>
        %sub3A_856 = arith.subf %gather3A_481, %get3A_556 : vector<16xf32>
        %max3A_857 = arith.constant 0.000000e+00 : f32
        %max3A_858 = vector.broadcast %max3A_857 : f32 to vector<16xf32>
        %max3A_859 = arith.maximumf %sub3A_856, %max3A_858 : vector<16xf32>
        %add3A_860 = arith.addf %max3A_799, %max3A_803 : vector<16xf32>
        %add3A_861 = arith.addf %max3A_807, %max3A_811 : vector<16xf32>
        %add3A_862 = arith.addf %max3A_815, %max3A_819 : vector<16xf32>
        %add3A_863 = arith.addf %max3A_823, %max3A_827 : vector<16xf32>
        %add3A_864 = arith.addf %max3A_831, %max3A_835 : vector<16xf32>
        %add3A_865 = arith.addf %max3A_839, %max3A_843 : vector<16xf32>
        %add3A_866 = arith.addf %max3A_847, %max3A_851 : vector<16xf32>
        %add3A_867 = arith.addf %max3A_855, %max3A_859 : vector<16xf32>
        %add3A_868 = arith.addf %add3A_860, %add3A_861 : vector<16xf32>
        %add3A_869 = arith.addf %add3A_862, %add3A_863 : vector<16xf32>
        %add3A_870 = arith.addf %add3A_864, %add3A_865 : vector<16xf32>
        %add3A_871 = arith.addf %add3A_866, %add3A_867 : vector<16xf32>
        %add3A_872 = arith.addf %add3A_868, %add3A_869 : vector<16xf32>
        %add3A_873 = arith.addf %add3A_870, %add3A_871 : vector<16xf32>
        %add3A_874 = arith.addf %add3A_872, %add3A_873 : vector<16xf32>
        %add3A_875 = arith.addf %while3A_532, %add3A_874 : vector<16xf32>
        scf.yield %add3A_635, %add3A_715, %add3A_795, %add3A_875 : vector<16xf32>, vector<16xf32>, vector<16xf32>, vector<16xf32>
      }
      %while3A_522 = arith.constant 1 : i32
      %while3A_523:4 = scf.for %while3A_528 = %while3A_519 to %while3A_515 step %while3A_522 iter_args(%while3A_529 = %while3A_521#0, %while3A_530 = %while3A_521#1, %while3A_531 = %while3A_521#2, %while3A_532 = %while3A_521#3) -> (vector<16xf32>, vector<16xf32>, vector<16xf32>, vector<16xf32>)  : i32 {
        %mul3A_533 = arith.constant 64 : i32
        %mul3A_534 = arith.muli %while3A_528, %mul3A_533 : i32
        %add3A_535 = arith.constant 0 : i32
        %add3A_536 = arith.addi %mul3A_534, %add3A_535 : i32
        %get3A_537 = arith.index_cast %add3A_536 : i32 to index
        %get3A_538 = tpu.vector_load %arg5[%get3A_537] {strides = array<i32>} : memref<4432xf32, #tpu.memory_space<vmem>>, vector<16xf32>,
        %mul3A_539 = arith.constant 64 : i32
        %mul3A_540 = arith.muli %while3A_528, %mul3A_539 : i32
        %add3A_541 = arith.constant 16 : i32
        %add3A_542 = arith.addi %mul3A_540, %add3A_541 : i32
        %get3A_543 = arith.index_cast %add3A_542 : i32 to index
        %get3A_544 = tpu.vector_load %arg5[%get3A_543] {strides = array<i32>} : memref<4432xf32, #tpu.memory_space<vmem>>, vector<16xf32>,
        %mul3A_545 = arith.constant 64 : i32
        %mul3A_546 = arith.muli %while3A_528, %mul3A_545 : i32
        %add3A_547 = arith.constant 32 : i32
        %add3A_548 = arith.addi %mul3A_546, %add3A_547 : i32
        %get3A_549 = arith.index_cast %add3A_548 : i32 to index
        %get3A_550 = tpu.vector_load %arg5[%get3A_549] {strides = array<i32>} : memref<4432xf32, #tpu.memory_space<vmem>>, vector<16xf32>,
        %mul3A_551 = arith.constant 64 : i32
        %mul3A_552 = arith.muli %while3A_528, %mul3A_551 : i32
        %add3A_553 = arith.constant 48 : i32
        %add3A_554 = arith.addi %mul3A_552, %add3A_553 : i32
        %get3A_555 = arith.index_cast %add3A_554 : i32 to index
        %get3A_556 = tpu.vector_load %arg5[%get3A_555] {strides = array<i32>} : memref<4432xf32, #tpu.memory_space<vmem>>, vector<16xf32>,
        %sub3A_557 = arith.subf %gather3A_421, %get3A_538 : vector<16xf32>
        %max3A = arith.constant 0.000000e+00 : f32
        %max3A_558 = vector.broadcast %max3A : f32 to vector<16xf32>
        %max3A_559 = arith.maximumf %sub3A_557, %max3A_558 : vector<16xf32>
        %sub3A_560 = arith.subf %gather3A_425, %get3A_538 : vector<16xf32>
        %max3A_561 = arith.constant 0.000000e+00 : f32
        %max3A_562 = vector.broadcast %max3A_561 : f32 to vector<16xf32>
        %max3A_563 = arith.maximumf %sub3A_560, %max3A_562 : vector<16xf32>
        %sub3A_564 = arith.subf %gather3A_429, %get3A_538 : vector<16xf32>
        %max3A_565 = arith.constant 0.000000e+00 : f32
        %max3A_566 = vector.broadcast %max3A_565 : f32 to vector<16xf32>
        %max3A_567 = arith.maximumf %sub3A_564, %max3A_566 : vector<16xf32>
        %sub3A_568 = arith.subf %gather3A_433, %get3A_538 : vector<16xf32>
        %max3A_569 = arith.constant 0.000000e+00 : f32
        %max3A_570 = vector.broadcast %max3A_569 : f32 to vector<16xf32>
        %max3A_571 = arith.maximumf %sub3A_568, %max3A_570 : vector<16xf32>
        %sub3A_572 = arith.subf %gather3A_437, %get3A_538 : vector<16xf32>
        %max3A_573 = arith.constant 0.000000e+00 : f32
        %max3A_574 = vector.broadcast %max3A_573 : f32 to vector<16xf32>
        %max3A_575 = arith.maximumf %sub3A_572, %max3A_574 : vector<16xf32>
        %sub3A_576 = arith.subf %gather3A_441, %get3A_538 : vector<16xf32>
        %max3A_577 = arith.constant 0.000000e+00 : f32
        %max3A_578 = vector.broadcast %max3A_577 : f32 to vector<16xf32>
        %max3A_579 = arith.maximumf %sub3A_576, %max3A_578 : vector<16xf32>
        %sub3A_580 = arith.subf %gather3A_445, %get3A_538 : vector<16xf32>
        %max3A_581 = arith.constant 0.000000e+00 : f32
        %max3A_582 = vector.broadcast %max3A_581 : f32 to vector<16xf32>
        %max3A_583 = arith.maximumf %sub3A_580, %max3A_582 : vector<16xf32>
        %sub3A_584 = arith.subf %gather3A_449, %get3A_538 : vector<16xf32>
        %max3A_585 = arith.constant 0.000000e+00 : f32
        %max3A_586 = vector.broadcast %max3A_585 : f32 to vector<16xf32>
        %max3A_587 = arith.maximumf %sub3A_584, %max3A_586 : vector<16xf32>
        %sub3A_588 = arith.subf %gather3A_453, %get3A_538 : vector<16xf32>
        %max3A_589 = arith.constant 0.000000e+00 : f32
        %max3A_590 = vector.broadcast %max3A_589 : f32 to vector<16xf32>
        %max3A_591 = arith.maximumf %sub3A_588, %max3A_590 : vector<16xf32>
        %sub3A_592 = arith.subf %gather3A_457, %get3A_538 : vector<16xf32>
        %max3A_593 = arith.constant 0.000000e+00 : f32
        %max3A_594 = vector.broadcast %max3A_593 : f32 to vector<16xf32>
        %max3A_595 = arith.maximumf %sub3A_592, %max3A_594 : vector<16xf32>
        %sub3A_596 = arith.subf %gather3A_461, %get3A_538 : vector<16xf32>
        %max3A_597 = arith.constant 0.000000e+00 : f32
        %max3A_598 = vector.broadcast %max3A_597 : f32 to vector<16xf32>
        %max3A_599 = arith.maximumf %sub3A_596, %max3A_598 : vector<16xf32>
        %sub3A_600 = arith.subf %gather3A_465, %get3A_538 : vector<16xf32>
        %max3A_601 = arith.constant 0.000000e+00 : f32
        %max3A_602 = vector.broadcast %max3A_601 : f32 to vector<16xf32>
        %max3A_603 = arith.maximumf %sub3A_600, %max3A_602 : vector<16xf32>
        %sub3A_604 = arith.subf %gather3A_469, %get3A_538 : vector<16xf32>
        %max3A_605 = arith.constant 0.000000e+00 : f32
        %max3A_606 = vector.broadcast %max3A_605 : f32 to vector<16xf32>
        %max3A_607 = arith.maximumf %sub3A_604, %max3A_606 : vector<16xf32>
        %sub3A_608 = arith.subf %gather3A_473, %get3A_538 : vector<16xf32>
        %max3A_609 = arith.constant 0.000000e+00 : f32
        %max3A_610 = vector.broadcast %max3A_609 : f32 to vector<16xf32>
        %max3A_611 = arith.maximumf %sub3A_608, %max3A_610 : vector<16xf32>
        %sub3A_612 = arith.subf %gather3A_477, %get3A_538 : vector<16xf32>
        %max3A_613 = arith.constant 0.000000e+00 : f32
        %max3A_614 = vector.broadcast %max3A_613 : f32 to vector<16xf32>
        %max3A_615 = arith.maximumf %sub3A_612, %max3A_614 : vector<16xf32>
        %sub3A_616 = arith.subf %gather3A_481, %get3A_538 : vector<16xf32>
        %max3A_617 = arith.constant 0.000000e+00 : f32
        %max3A_618 = vector.broadcast %max3A_617 : f32 to vector<16xf32>
        %max3A_619 = arith.maximumf %sub3A_616, %max3A_618 : vector<16xf32>
        %add3A_620 = arith.addf %max3A_559, %max3A_563 : vector<16xf32>
        %add3A_621 = arith.addf %max3A_567, %max3A_571 : vector<16xf32>
        %add3A_622 = arith.addf %max3A_575, %max3A_579 : vector<16xf32>
        %add3A_623 = arith.addf %max3A_583, %max3A_587 : vector<16xf32>
        %add3A_624 = arith.addf %max3A_591, %max3A_595 : vector<16xf32>
        %add3A_625 = arith.addf %max3A_599, %max3A_603 : vector<16xf32>
        %add3A_626 = arith.addf %max3A_607, %max3A_611 : vector<16xf32>
        %add3A_627 = arith.addf %max3A_615, %max3A_619 : vector<16xf32>
        %add3A_628 = arith.addf %add3A_620, %add3A_621 : vector<16xf32>
        %add3A_629 = arith.addf %add3A_622, %add3A_623 : vector<16xf32>
        %add3A_630 = arith.addf %add3A_624, %add3A_625 : vector<16xf32>
        %add3A_631 = arith.addf %add3A_626, %add3A_627 : vector<16xf32>
        %add3A_632 = arith.addf %add3A_628, %add3A_629 : vector<16xf32>
        %add3A_633 = arith.addf %add3A_630, %add3A_631 : vector<16xf32>
        %add3A_634 = arith.addf %add3A_632, %add3A_633 : vector<16xf32>
        %add3A_635 = arith.addf %while3A_529, %add3A_634 : vector<16xf32>
        %sub3A_636 = arith.subf %gather3A_421, %get3A_544 : vector<16xf32>
        %max3A_637 = arith.constant 0.000000e+00 : f32
        %max3A_638 = vector.broadcast %max3A_637 : f32 to vector<16xf32>
        %max3A_639 = arith.maximumf %sub3A_636, %max3A_638 : vector<16xf32>
        %sub3A_640 = arith.subf %gather3A_425, %get3A_544 : vector<16xf32>
        %max3A_641 = arith.constant 0.000000e+00 : f32
        %max3A_642 = vector.broadcast %max3A_641 : f32 to vector<16xf32>
        %max3A_643 = arith.maximumf %sub3A_640, %max3A_642 : vector<16xf32>
        %sub3A_644 = arith.subf %gather3A_429, %get3A_544 : vector<16xf32>
        %max3A_645 = arith.constant 0.000000e+00 : f32
        %max3A_646 = vector.broadcast %max3A_645 : f32 to vector<16xf32>
        %max3A_647 = arith.maximumf %sub3A_644, %max3A_646 : vector<16xf32>
        %sub3A_648 = arith.subf %gather3A_433, %get3A_544 : vector<16xf32>
        %max3A_649 = arith.constant 0.000000e+00 : f32
        %max3A_650 = vector.broadcast %max3A_649 : f32 to vector<16xf32>
        %max3A_651 = arith.maximumf %sub3A_648, %max3A_650 : vector<16xf32>
        %sub3A_652 = arith.subf %gather3A_437, %get3A_544 : vector<16xf32>
        %max3A_653 = arith.constant 0.000000e+00 : f32
        %max3A_654 = vector.broadcast %max3A_653 : f32 to vector<16xf32>
        %max3A_655 = arith.maximumf %sub3A_652, %max3A_654 : vector<16xf32>
        %sub3A_656 = arith.subf %gather3A_441, %get3A_544 : vector<16xf32>
        %max3A_657 = arith.constant 0.000000e+00 : f32
        %max3A_658 = vector.broadcast %max3A_657 : f32 to vector<16xf32>
        %max3A_659 = arith.maximumf %sub3A_656, %max3A_658 : vector<16xf32>
        %sub3A_660 = arith.subf %gather3A_445, %get3A_544 : vector<16xf32>
        %max3A_661 = arith.constant 0.000000e+00 : f32
        %max3A_662 = vector.broadcast %max3A_661 : f32 to vector<16xf32>
        %max3A_663 = arith.maximumf %sub3A_660, %max3A_662 : vector<16xf32>
        %sub3A_664 = arith.subf %gather3A_449, %get3A_544 : vector<16xf32>
        %max3A_665 = arith.constant 0.000000e+00 : f32
        %max3A_666 = vector.broadcast %max3A_665 : f32 to vector<16xf32>
        %max3A_667 = arith.maximumf %sub3A_664, %max3A_666 : vector<16xf32>
        %sub3A_668 = arith.subf %gather3A_453, %get3A_544 : vector<16xf32>
        %max3A_669 = arith.constant 0.000000e+00 : f32
        %max3A_670 = vector.broadcast %max3A_669 : f32 to vector<16xf32>
        %max3A_671 = arith.maximumf %sub3A_668, %max3A_670 : vector<16xf32>
        %sub3A_672 = arith.subf %gather3A_457, %get3A_544 : vector<16xf32>
        %max3A_673 = arith.constant 0.000000e+00 : f32
        %max3A_674 = vector.broadcast %max3A_673 : f32 to vector<16xf32>
        %max3A_675 = arith.maximumf %sub3A_672, %max3A_674 : vector<16xf32>
        %sub3A_676 = arith.subf %gather3A_461, %get3A_544 : vector<16xf32>
        %max3A_677 = arith.constant 0.000000e+00 : f32
        %max3A_678 = vector.broadcast %max3A_677 : f32 to vector<16xf32>
        %max3A_679 = arith.maximumf %sub3A_676, %max3A_678 : vector<16xf32>
        %sub3A_680 = arith.subf %gather3A_465, %get3A_544 : vector<16xf32>
        %max3A_681 = arith.constant 0.000000e+00 : f32
        %max3A_682 = vector.broadcast %max3A_681 : f32 to vector<16xf32>
        %max3A_683 = arith.maximumf %sub3A_680, %max3A_682 : vector<16xf32>
        %sub3A_684 = arith.subf %gather3A_469, %get3A_544 : vector<16xf32>
        %max3A_685 = arith.constant 0.000000e+00 : f32
        %max3A_686 = vector.broadcast %max3A_685 : f32 to vector<16xf32>
        %max3A_687 = arith.maximumf %sub3A_684, %max3A_686 : vector<16xf32>
        %sub3A_688 = arith.subf %gather3A_473, %get3A_544 : vector<16xf32>
        %max3A_689 = arith.constant 0.000000e+00 : f32
        %max3A_690 = vector.broadcast %max3A_689 : f32 to vector<16xf32>
        %max3A_691 = arith.maximumf %sub3A_688, %max3A_690 : vector<16xf32>
        %sub3A_692 = arith.subf %gather3A_477, %get3A_544 : vector<16xf32>
        %max3A_693 = arith.constant 0.000000e+00 : f32
        %max3A_694 = vector.broadcast %max3A_693 : f32 to vector<16xf32>
        %max3A_695 = arith.maximumf %sub3A_692, %max3A_694 : vector<16xf32>
        %sub3A_696 = arith.subf %gather3A_481, %get3A_544 : vector<16xf32>
        %max3A_697 = arith.constant 0.000000e+00 : f32
        %max3A_698 = vector.broadcast %max3A_697 : f32 to vector<16xf32>
        %max3A_699 = arith.maximumf %sub3A_696, %max3A_698 : vector<16xf32>
        %add3A_700 = arith.addf %max3A_639, %max3A_643 : vector<16xf32>
        %add3A_701 = arith.addf %max3A_647, %max3A_651 : vector<16xf32>
        %add3A_702 = arith.addf %max3A_655, %max3A_659 : vector<16xf32>
        %add3A_703 = arith.addf %max3A_663, %max3A_667 : vector<16xf32>
        %add3A_704 = arith.addf %max3A_671, %max3A_675 : vector<16xf32>
        %add3A_705 = arith.addf %max3A_679, %max3A_683 : vector<16xf32>
        %add3A_706 = arith.addf %max3A_687, %max3A_691 : vector<16xf32>
        %add3A_707 = arith.addf %max3A_695, %max3A_699 : vector<16xf32>
        %add3A_708 = arith.addf %add3A_700, %add3A_701 : vector<16xf32>
        %add3A_709 = arith.addf %add3A_702, %add3A_703 : vector<16xf32>
        %add3A_710 = arith.addf %add3A_704, %add3A_705 : vector<16xf32>
        %add3A_711 = arith.addf %add3A_706, %add3A_707 : vector<16xf32>
        %add3A_712 = arith.addf %add3A_708, %add3A_709 : vector<16xf32>
        %add3A_713 = arith.addf %add3A_710, %add3A_711 : vector<16xf32>
        %add3A_714 = arith.addf %add3A_712, %add3A_713 : vector<16xf32>
        %add3A_715 = arith.addf %while3A_530, %add3A_714 : vector<16xf32>
        %sub3A_716 = arith.subf %gather3A_421, %get3A_550 : vector<16xf32>
        %max3A_717 = arith.constant 0.000000e+00 : f32
        %max3A_718 = vector.broadcast %max3A_717 : f32 to vector<16xf32>
        %max3A_719 = arith.maximumf %sub3A_716, %max3A_718 : vector<16xf32>
        %sub3A_720 = arith.subf %gather3A_425, %get3A_550 : vector<16xf32>
        %max3A_721 = arith.constant 0.000000e+00 : f32
        %max3A_722 = vector.broadcast %max3A_721 : f32 to vector<16xf32>
        %max3A_723 = arith.maximumf %sub3A_720, %max3A_722 : vector<16xf32>
        %sub3A_724 = arith.subf %gather3A_429, %get3A_550 : vector<16xf32>
        %max3A_725 = arith.constant 0.000000e+00 : f32
        %max3A_726 = vector.broadcast %max3A_725 : f32 to vector<16xf32>
        %max3A_727 = arith.maximumf %sub3A_724, %max3A_726 : vector<16xf32>
        %sub3A_728 = arith.subf %gather3A_433, %get3A_550 : vector<16xf32>
        %max3A_729 = arith.constant 0.000000e+00 : f32
        %max3A_730 = vector.broadcast %max3A_729 : f32 to vector<16xf32>
        %max3A_731 = arith.maximumf %sub3A_728, %max3A_730 : vector<16xf32>
        %sub3A_732 = arith.subf %gather3A_437, %get3A_550 : vector<16xf32>
        %max3A_733 = arith.constant 0.000000e+00 : f32
        %max3A_734 = vector.broadcast %max3A_733 : f32 to vector<16xf32>
        %max3A_735 = arith.maximumf %sub3A_732, %max3A_734 : vector<16xf32>
        %sub3A_736 = arith.subf %gather3A_441, %get3A_550 : vector<16xf32>
        %max3A_737 = arith.constant 0.000000e+00 : f32
        %max3A_738 = vector.broadcast %max3A_737 : f32 to vector<16xf32>
        %max3A_739 = arith.maximumf %sub3A_736, %max3A_738 : vector<16xf32>
        %sub3A_740 = arith.subf %gather3A_445, %get3A_550 : vector<16xf32>
        %max3A_741 = arith.constant 0.000000e+00 : f32
        %max3A_742 = vector.broadcast %max3A_741 : f32 to vector<16xf32>
        %max3A_743 = arith.maximumf %sub3A_740, %max3A_742 : vector<16xf32>
        %sub3A_744 = arith.subf %gather3A_449, %get3A_550 : vector<16xf32>
        %max3A_745 = arith.constant 0.000000e+00 : f32
        %max3A_746 = vector.broadcast %max3A_745 : f32 to vector<16xf32>
        %max3A_747 = arith.maximumf %sub3A_744, %max3A_746 : vector<16xf32>
        %sub3A_748 = arith.subf %gather3A_453, %get3A_550 : vector<16xf32>
        %max3A_749 = arith.constant 0.000000e+00 : f32
        %max3A_750 = vector.broadcast %max3A_749 : f32 to vector<16xf32>
        %max3A_751 = arith.maximumf %sub3A_748, %max3A_750 : vector<16xf32>
        %sub3A_752 = arith.subf %gather3A_457, %get3A_550 : vector<16xf32>
        %max3A_753 = arith.constant 0.000000e+00 : f32
        %max3A_754 = vector.broadcast %max3A_753 : f32 to vector<16xf32>
        %max3A_755 = arith.maximumf %sub3A_752, %max3A_754 : vector<16xf32>
        %sub3A_756 = arith.subf %gather3A_461, %get3A_550 : vector<16xf32>
        %max3A_757 = arith.constant 0.000000e+00 : f32
        %max3A_758 = vector.broadcast %max3A_757 : f32 to vector<16xf32>
        %max3A_759 = arith.maximumf %sub3A_756, %max3A_758 : vector<16xf32>
        %sub3A_760 = arith.subf %gather3A_465, %get3A_550 : vector<16xf32>
        %max3A_761 = arith.constant 0.000000e+00 : f32
        %max3A_762 = vector.broadcast %max3A_761 : f32 to vector<16xf32>
        %max3A_763 = arith.maximumf %sub3A_760, %max3A_762 : vector<16xf32>
        %sub3A_764 = arith.subf %gather3A_469, %get3A_550 : vector<16xf32>
        %max3A_765 = arith.constant 0.000000e+00 : f32
        %max3A_766 = vector.broadcast %max3A_765 : f32 to vector<16xf32>
        %max3A_767 = arith.maximumf %sub3A_764, %max3A_766 : vector<16xf32>
        %sub3A_768 = arith.subf %gather3A_473, %get3A_550 : vector<16xf32>
        %max3A_769 = arith.constant 0.000000e+00 : f32
        %max3A_770 = vector.broadcast %max3A_769 : f32 to vector<16xf32>
        %max3A_771 = arith.maximumf %sub3A_768, %max3A_770 : vector<16xf32>
        %sub3A_772 = arith.subf %gather3A_477, %get3A_550 : vector<16xf32>
        %max3A_773 = arith.constant 0.000000e+00 : f32
        %max3A_774 = vector.broadcast %max3A_773 : f32 to vector<16xf32>
        %max3A_775 = arith.maximumf %sub3A_772, %max3A_774 : vector<16xf32>
        %sub3A_776 = arith.subf %gather3A_481, %get3A_550 : vector<16xf32>
        %max3A_777 = arith.constant 0.000000e+00 : f32
        %max3A_778 = vector.broadcast %max3A_777 : f32 to vector<16xf32>
        %max3A_779 = arith.maximumf %sub3A_776, %max3A_778 : vector<16xf32>
        %add3A_780 = arith.addf %max3A_719, %max3A_723 : vector<16xf32>
        %add3A_781 = arith.addf %max3A_727, %max3A_731 : vector<16xf32>
        %add3A_782 = arith.addf %max3A_735, %max3A_739 : vector<16xf32>
        %add3A_783 = arith.addf %max3A_743, %max3A_747 : vector<16xf32>
        %add3A_784 = arith.addf %max3A_751, %max3A_755 : vector<16xf32>
        %add3A_785 = arith.addf %max3A_759, %max3A_763 : vector<16xf32>
        %add3A_786 = arith.addf %max3A_767, %max3A_771 : vector<16xf32>
        %add3A_787 = arith.addf %max3A_775, %max3A_779 : vector<16xf32>
        %add3A_788 = arith.addf %add3A_780, %add3A_781 : vector<16xf32>
        %add3A_789 = arith.addf %add3A_782, %add3A_783 : vector<16xf32>
        %add3A_790 = arith.addf %add3A_784, %add3A_785 : vector<16xf32>
        %add3A_791 = arith.addf %add3A_786, %add3A_787 : vector<16xf32>
        %add3A_792 = arith.addf %add3A_788, %add3A_789 : vector<16xf32>
        %add3A_793 = arith.addf %add3A_790, %add3A_791 : vector<16xf32>
        %add3A_794 = arith.addf %add3A_792, %add3A_793 : vector<16xf32>
        %add3A_795 = arith.addf %while3A_531, %add3A_794 : vector<16xf32>
        %sub3A_796 = arith.subf %gather3A_421, %get3A_556 : vector<16xf32>
        %max3A_797 = arith.constant 0.000000e+00 : f32
        %max3A_798 = vector.broadcast %max3A_797 : f32 to vector<16xf32>
        %max3A_799 = arith.maximumf %sub3A_796, %max3A_798 : vector<16xf32>
        %sub3A_800 = arith.subf %gather3A_425, %get3A_556 : vector<16xf32>
        %max3A_801 = arith.constant 0.000000e+00 : f32
        %max3A_802 = vector.broadcast %max3A_801 : f32 to vector<16xf32>
        %max3A_803 = arith.maximumf %sub3A_800, %max3A_802 : vector<16xf32>
        %sub3A_804 = arith.subf %gather3A_429, %get3A_556 : vector<16xf32>
        %max3A_805 = arith.constant 0.000000e+00 : f32
        %max3A_806 = vector.broadcast %max3A_805 : f32 to vector<16xf32>
        %max3A_807 = arith.maximumf %sub3A_804, %max3A_806 : vector<16xf32>
        %sub3A_808 = arith.subf %gather3A_433, %get3A_556 : vector<16xf32>
        %max3A_809 = arith.constant 0.000000e+00 : f32
        %max3A_810 = vector.broadcast %max3A_809 : f32 to vector<16xf32>
        %max3A_811 = arith.maximumf %sub3A_808, %max3A_810 : vector<16xf32>
        %sub3A_812 = arith.subf %gather3A_437, %get3A_556 : vector<16xf32>
        %max3A_813 = arith.constant 0.000000e+00 : f32
        %max3A_814 = vector.broadcast %max3A_813 : f32 to vector<16xf32>
        %max3A_815 = arith.maximumf %sub3A_812, %max3A_814 : vector<16xf32>
        %sub3A_816 = arith.subf %gather3A_441, %get3A_556 : vector<16xf32>
        %max3A_817 = arith.constant 0.000000e+00 : f32
        %max3A_818 = vector.broadcast %max3A_817 : f32 to vector<16xf32>
        %max3A_819 = arith.maximumf %sub3A_816, %max3A_818 : vector<16xf32>
        %sub3A_820 = arith.subf %gather3A_445, %get3A_556 : vector<16xf32>
        %max3A_821 = arith.constant 0.000000e+00 : f32
        %max3A_822 = vector.broadcast %max3A_821 : f32 to vector<16xf32>
        %max3A_823 = arith.maximumf %sub3A_820, %max3A_822 : vector<16xf32>
        %sub3A_824 = arith.subf %gather3A_449, %get3A_556 : vector<16xf32>
        %max3A_825 = arith.constant 0.000000e+00 : f32
        %max3A_826 = vector.broadcast %max3A_825 : f32 to vector<16xf32>
        %max3A_827 = arith.maximumf %sub3A_824, %max3A_826 : vector<16xf32>
        %sub3A_828 = arith.subf %gather3A_453, %get3A_556 : vector<16xf32>
        %max3A_829 = arith.constant 0.000000e+00 : f32
        %max3A_830 = vector.broadcast %max3A_829 : f32 to vector<16xf32>
        %max3A_831 = arith.maximumf %sub3A_828, %max3A_830 : vector<16xf32>
        %sub3A_832 = arith.subf %gather3A_457, %get3A_556 : vector<16xf32>
        %max3A_833 = arith.constant 0.000000e+00 : f32
        %max3A_834 = vector.broadcast %max3A_833 : f32 to vector<16xf32>
        %max3A_835 = arith.maximumf %sub3A_832, %max3A_834 : vector<16xf32>
        %sub3A_836 = arith.subf %gather3A_461, %get3A_556 : vector<16xf32>
        %max3A_837 = arith.constant 0.000000e+00 : f32
        %max3A_838 = vector.broadcast %max3A_837 : f32 to vector<16xf32>
        %max3A_839 = arith.maximumf %sub3A_836, %max3A_838 : vector<16xf32>
        %sub3A_840 = arith.subf %gather3A_465, %get3A_556 : vector<16xf32>
        %max3A_841 = arith.constant 0.000000e+00 : f32
        %max3A_842 = vector.broadcast %max3A_841 : f32 to vector<16xf32>
        %max3A_843 = arith.maximumf %sub3A_840, %max3A_842 : vector<16xf32>
        %sub3A_844 = arith.subf %gather3A_469, %get3A_556 : vector<16xf32>
        %max3A_845 = arith.constant 0.000000e+00 : f32
        %max3A_846 = vector.broadcast %max3A_845 : f32 to vector<16xf32>
        %max3A_847 = arith.maximumf %sub3A_844, %max3A_846 : vector<16xf32>
        %sub3A_848 = arith.subf %gather3A_473, %get3A_556 : vector<16xf32>
        %max3A_849 = arith.constant 0.000000e+00 : f32
        %max3A_850 = vector.broadcast %max3A_849 : f32 to vector<16xf32>
        %max3A_851 = arith.maximumf %sub3A_848, %max3A_850 : vector<16xf32>
        %sub3A_852 = arith.subf %gather3A_477, %get3A_556 : vector<16xf32>
        %max3A_853 = arith.constant 0.000000e+00 : f32
        %max3A_854 = vector.broadcast %max3A_853 : f32 to vector<16xf32>
        %max3A_855 = arith.maximumf %sub3A_852, %max3A_854 : vector<16xf32>
        %sub3A_856 = arith.subf %gather3A_481, %get3A_556 : vector<16xf32>
        %max3A_857 = arith.constant 0.000000e+00 : f32
        %max3A_858 = vector.broadcast %max3A_857 : f32 to vector<16xf32>
        %max3A_859 = arith.maximumf %sub3A_856, %max3A_858 : vector<16xf32>
        %add3A_860 = arith.addf %max3A_799, %max3A_803 : vector<16xf32>
        %add3A_861 = arith.addf %max3A_807, %max3A_811 : vector<16xf32>
        %add3A_862 = arith.addf %max3A_815, %max3A_819 : vector<16xf32>
        %add3A_863 = arith.addf %max3A_823, %max3A_827 : vector<16xf32>
        %add3A_864 = arith.addf %max3A_831, %max3A_835 : vector<16xf32>
        %add3A_865 = arith.addf %max3A_839, %max3A_843 : vector<16xf32>
        %add3A_866 = arith.addf %max3A_847, %max3A_851 : vector<16xf32>
        %add3A_867 = arith.addf %max3A_855, %max3A_859 : vector<16xf32>
        %add3A_868 = arith.addf %add3A_860, %add3A_861 : vector<16xf32>
        %add3A_869 = arith.addf %add3A_862, %add3A_863 : vector<16xf32>
        %add3A_870 = arith.addf %add3A_864, %add3A_865 : vector<16xf32>
        %add3A_871 = arith.addf %add3A_866, %add3A_867 : vector<16xf32>
        %add3A_872 = arith.addf %add3A_868, %add3A_869 : vector<16xf32>
        %add3A_873 = arith.addf %add3A_870, %add3A_871 : vector<16xf32>
        %add3A_874 = arith.addf %add3A_872, %add3A_873 : vector<16xf32>
        %add3A_875 = arith.addf %while3A_532, %add3A_874 : vector<16xf32>
        scf.yield %add3A_635, %add3A_715, %add3A_795, %add3A_875 : vector<16xf32>, vector<16xf32>, vector<16xf32>, vector<16xf32>
      }
      %add3A_524 = arith.addf %while3A_523#0, %while3A_523#1 : vector<16xf32>
      %add3A_525 = arith.addf %while3A_523#2, %while3A_523#3 : vector<16xf32>
      %add3A_526 = arith.addf %add3A_524, %add3A_525 : vector<16xf32>
      %add3A_527 = arith.addf %while3A_375, %add3A_526 : vector<16xf32>
      scf.yield %add3A_527 : vector<16xf32>
    }
    %broadcast_in_dim3A_345 = arith.constant 0.000000e+00 : f32
    %broadcast_in_dim3A_346 = vector.broadcast %broadcast_in_dim3A_345 : f32 to vector<16xf32>
    %eq3A = arith.constant 0 : i32
    %eq3A_347 = vector.broadcast %eq3A : i32 to vector<16xi32>
    %eq3A_348 = arith.cmpi eq, %iota3A, %eq3A_347 : vector<16xi32>
    %convert_element_type3A = arith.sitofp %scan3A_15#0 : vector<16xi32> to vector<16xf32>
    %select_n3A_349 = arith.select %eq3A_348, %convert_element_type3A, %broadcast_in_dim3A_346 : vector<16xi1>, vector<16xf32>
    %eq3A_350 = arith.constant 1 : i32
    %eq3A_351 = vector.broadcast %eq3A_350 : i32 to vector<16xi32>
    %eq3A_352 = arith.cmpi eq, %iota3A, %eq3A_351 : vector<16xi32>
    %convert_element_type3A_353 = arith.sitofp %scan3A_15#1 : vector<16xi32> to vector<16xf32>
    %select_n3A_354 = arith.select %eq3A_352, %convert_element_type3A_353, %select_n3A_349 : vector<16xi1>, vector<16xf32>
    %eq3A_355 = arith.constant 2 : i32
    %eq3A_356 = vector.broadcast %eq3A_355 : i32 to vector<16xi32>
    %eq3A_357 = arith.cmpi eq, %iota3A, %eq3A_356 : vector<16xi32>
    %convert_element_type3A_358 = arith.sitofp %scan3A_15#2 : vector<16xi32> to vector<16xf32>
    %select_n3A_359 = arith.select %eq3A_357, %convert_element_type3A_358, %select_n3A_354 : vector<16xi1>, vector<16xf32>
    %eq3A_360 = arith.constant 3 : i32
    %eq3A_361 = vector.broadcast %eq3A_360 : i32 to vector<16xi32>
    %eq3A_362 = arith.cmpi eq, %iota3A, %eq3A_361 : vector<16xi32>
    %convert_element_type3A_363 = arith.sitofp %scan3A_15#3 : vector<16xi32> to vector<16xf32>
    %select_n3A_364 = arith.select %eq3A_362, %convert_element_type3A_363, %select_n3A_359 : vector<16xi1>, vector<16xf32>
    %eq3A_365 = arith.constant 4 : i32
    %eq3A_366 = vector.broadcast %eq3A_365 : i32 to vector<16xi32>
    %eq3A_367 = arith.cmpi eq, %iota3A, %eq3A_366 : vector<16xi32>
    %convert_element_type3A_368 = arith.sitofp %scan3A_15#4 : vector<16xi32> to vector<16xf32>
    %select_n3A_369 = arith.select %eq3A_367, %convert_element_type3A_368, %select_n3A_364 : vector<16xi1>, vector<16xf32>
    %swap3A_370 = arith.constant 0 : index
    %swap3A_371 = tpu.vector_load %arg6[%swap3A_370] {strides = array<i32>} : memref<32xf32, #tpu.memory_space<vmem>>, vector<16xf32>,
    tpu.vector_store %arg6[%swap3A_370], %while3A_344 {strides = array<i32>} : memref<32xf32, #tpu.memory_space<vmem>>, vector<16xf32>,
    %swap3A_372 = arith.constant 16 : index
    %swap3A_373 = tpu.vector_load %arg6[%swap3A_372] {strides = array<i32>} : memref<32xf32, #tpu.memory_space<vmem>>, vector<16xf32>,
    tpu.vector_store %arg6[%swap3A_372], %select_n3A_369 {strides = array<i32>} : memref<32xf32, #tpu.memory_space<vmem>>, vector<16xf32>,
    "tpu.region"() ({
      %run_scoped3A = tpu.sem_alloc : memref<!tpu.dma_semaphore, #tpu.memory_space<semaphore_mem>>
      %dma_start3A = arith.constant 0 : i32
      %dma_start3A_374 = tpu.memref_slice %arg3[%add3A, %dma_start3A] : memref<32x32xf32, #tpu.memory_space<hbm>> -> memref<1x32xf32, #tpu.memory_space<hbm>>
      %dma_start3A_375 = tpu.memref_squeeze %dma_start3A_374 : memref<1x32xf32, #tpu.memory_space<hbm>> -> memref<32xf32, #tpu.memory_space<hbm>>
      %dma_start3A_376 = arith.constant 0 : i32
      %dma_start3A_377 = tpu.memref_slice %arg3[%add3A, %dma_start3A_376] : memref<32x32xf32, #tpu.memory_space<hbm>> -> memref<1x32xf32, #tpu.memory_space<hbm>>
      %dma_start3A_378 = tpu.memref_squeeze %dma_start3A_377 : memref<1x32xf32, #tpu.memory_space<hbm>> -> memref<32xf32, #tpu.memory_space<hbm>>
      tpu.enqueue_dma source(%arg6 : memref<32xf32, #tpu.memory_space<vmem>>) target(%dma_start3A_378 : memref<32xf32, #tpu.memory_space<hbm>>) target_semaphore(%run_scoped3A : memref<!tpu.dma_semaphore, #tpu.memory_space<semaphore_mem>>)
      %dma_wait3A = arith.constant 0 : i32
      %dma_wait3A_379 = tpu.memref_slice %arg3[%add3A, %dma_wait3A] : memref<32x32xf32, #tpu.memory_space<hbm>> -> memref<1x32xf32, #tpu.memory_space<hbm>>
      %dma_wait3A_380 = tpu.memref_squeeze %dma_wait3A_379 : memref<1x32xf32, #tpu.memory_space<hbm>> -> memref<32xf32, #tpu.memory_space<hbm>>
      %dma_wait3A_381 = arith.constant 0 : i32
      %dma_wait3A_382 = tpu.memref_slice %arg3[%add3A, %dma_wait3A_381] : memref<32x32xf32, #tpu.memory_space<hbm>> -> memref<1x32xf32, #tpu.memory_space<hbm>>
      %dma_wait3A_383 = tpu.memref_squeeze %dma_wait3A_382 : memref<1x32xf32, #tpu.memory_space<hbm>> -> memref<32xf32, #tpu.memory_space<hbm>>
      tpu.wait_dma2 semaphore(%run_scoped3A : memref<!tpu.dma_semaphore, #tpu.memory_space<semaphore_mem>>) src(%arg6 : memref<32xf32, #tpu.memory_space<vmem>>) dst(%dma_wait3A_383 : memref<32xf32, #tpu.memory_space<hbm>>)
      tpu.yield
    }) : () -> ()
    return
  }
}

</mosaic_0001>

<sc_bundles>
// kernel: kernel.3.cloned.1.call-start
scs
__scs_entry_jumppad:
0x0: {  	(pc) =	sbr.rel $0x88, $3  }
0x1: {  	(tag) =	ssettag $0x0;
	lr =	simm.s32 $0x1  }
0x2: {  	[smem:$0x3F9F] =	sst lr;
	_ =	strace $0xD0000000  }
0x3: {  	_ = 	snop  }
0x4: {  	_ = 	snop  }
0x5: {  	_ = 	snop  }
0x6: {  	_ = 	snop  }
0x7: {  	_ = 	snop  }
__scs_overlays_trampoline_lowered:
0x8: {  	[smem:$0x3FAE] =	sst s0  }
0x9: {  	[smem:$0x3FAF] =	sst s1  }
0xa: {  	[smem:$0x3FB0] =	sst s2  }
0xb: {  	[smem:$0x3FB1] =	sst s3  }
0xc: {  	[smem:$0x3FB2] =	sst s4  }
0xd: {  	[smem:$0x3FB3] =	sst s5  }
0xe: {  	[smem:$0x3FB4] =	sst s6  }
0xf: {  	[smem:$0x3FB5] =	sst s7  }
0x10: {  	[smem:$0x3FB6] =	sst s8  }
0x11: {  	[smem:$0x3FB7] =	sst s9;
	s0 =	simm.s32 @!p0 $0x0  }
0x12: {  	s1 =	sld [smem:$0x3F9D];
	s0 =	simm.s32 @p0 $0x1  }
0x13: {  	[smem:$0x3FB8] =	sst s0;
	s0 =	simm.s32 @!p1 $0x0  }
0x14: {  	s2 =	sld [smem:$0x3F9C];
	s0 =	simm.s32 @p1 $0x1  }
0x15: {  	[smem:$0x3FB9] =	sst s0;
	s0 =	simm.s32 @!p2 $0x0  }
0x16: {  	s3 =	sld [smem:$0x3FDB];
	s0 =	simm.s32 @p2 $0x1  }
0x17: {  	s4 =	simm.s32 $0x1BF5;
	[smem:$0x3FBB] =	sst s0  }
0x18: {  	s0 =	sld [smem:$0x3F9E];
	_ =	swait.ge [sflag:s4], $0x0  }
0x19: {  	s7 =	sld [smem:$0x3F9F]  }
0x1a: {  	s8 =	sadd.s32 $0xFFFFE003, lr  }
0x1b: {  	s9 =	sadd.s32 $0xFFFFFEF7, lr;
	s5 =	simm.s32 $0xFFFFFFFF;
	p2 =	slt.u32 s8, $0xFFFFF086  }
0x1c: {  	p1 =	slt.u32 s9, $0xF7A;
	s5 =	simm.s32 @!p2 $0x0  }
0x1d: {  	s5 =	simm.s32 @p1 $0x1;
	p0 =	seq.s32 s7, s2  }
0x1e: {  	s7 =	smul.u32 @!p0 $0xF7A, s2;
	p2 =	seq.s32 @!p0 s5, $0x0  }
0x1f: {  	s9 =	smul.u32 $0xF7A, s1;
	s8 =	simm.s32 @!p0 $0x1BF5;
	p2 =	por !p2, p0  }
0x20: {  	[sflag:s8] =	ssyncset.s32 @!p0 $0xFFFFF086;
	s6 =	sadd.s32 @!p0 s3, s7;
	s7 =	simm.s32 @!p0 $0x108  }
0x21: {  	s3 =	sadd.s32 s3, s9;
	s6 =	sadd.s32 @!p0 $0x88, s6;
	s7 =	simm.s32 @p2 $0x1082  }
0x22: {  	[simem:s7], [sflag:s8] =	dma.local @!p0 [hbm:s6], $0xF7A  }
0x23: {  	s9 =	sor.u32 $0xD0000000, s2;
	s6 =	simm.s32 $0x108;
	_ =	swait.ge @!p0 [sflag:s8], $0x0  }
0x24: {  	s3 =	sadd.s32 $0x88, s3;
	s6 =	simm.s32 @!p1 $0x1082;
	[sflag:s4] =	ssyncset.s32 $0xFFFFF086  }
0x25: {  	[simem:s6], [sflag:s4] =	dma.local [hbm:s3], $0xF7A  }
0x26: {  	[smem:$0x3F9F] =	sst s1;
	(tag) =	ssettag s2;
	_ =	strace s9  }
0x27: {  	s1 =	sld [smem:$0x3FAF]  }
0x28: {  	s2 =	sld [smem:$0x3FB0]  }
0x29: {  	s4 =	sld [smem:$0x3FB2]  }
0x2a: {  	p0 =	seq.s32 s5, $0x0;
	s5 =	sld [smem:$0x3FB3]  }
0x2b: {  	s6 =	sld [smem:$0x3FB4]  }
0x2c: {  	s7 =	sld [smem:$0x3FB5]  }
0x2d: {  	s3 =	simm.s32 $0x108;
	s8 =	sld [smem:$0x3FB6]  }
0x2e: {  	s3 =	simm.s32 @!p0 $0x1082;
	s9 =	sld [smem:$0x3FB7]  }
0x2f: {  	lr =	sadd.s32 s0, s3;
	s0 =	sld [smem:$0x3FAE]  }
0x30: {  	s3 =	sld [smem:$0x3FB1]  }
0x31: {  	[smem:$0x3FBA] =	sst s10  }
0x32: {  	s10 =	sld [smem:$0x3FB8];
	_ =	sdelay $0x3  }
0x33: {  	p0 =	seq.s32 s10, $0x1;
	s10 =	sld [smem:$0x3FBA];
	_ =	sdelay $0x3  }
0x34: {  	[smem:$0x3FBA] =	sst s10  }
0x35: {  	s10 =	sld [smem:$0x3FB9];
	_ =	sdelay $0x3  }
0x36: {  	p1 =	seq.s32 s10, $0x1;
	s10 =	sld [smem:$0x3FBA];
	_ =	sdelay $0x3  }
0x37: {  	[smem:$0x3FBA] =	sst s10  }
0x38: {  	s10 =	sld [smem:$0x3FBB]  }
0x39: {  	_ = 	snop;
	(pc) =	sbr.ind lr, $3  }
0x3a: {  	_ = 	snop  }
0x3b: {  	_ = 	snop  }
0x3c: {  	p2 =	seq.s32 s10, $0x1;
	s10 =	sld [smem:$0x3FBA]  }
0x3d: {  	_ =	shalt  }
0x3e: {  	_ =	shalt  }
0x3f: {  	_ =	shalt  }
0x40: {  	_ =	shalt  }
0x41: {  	_ =	shalt  }
0x42: {  	_ =	shalt  }
0x43: {  	_ =	shalt  }
0x44: {  	_ =	shalt  }
0x45: {  	_ =	shalt  }
0x46: {  	_ =	shalt  }
0x47: {  	_ =	shalt  }
0x48: {  	_ =	shalt  }
0x49: {  	_ =	shalt  }
0x4a: {  	_ =	shalt  }
0x4b: {  	_ =	shalt  }
0x4c: {  	_ =	shalt  }
0x4d: {  	_ =	shalt  }
0x4e: {  	_ =	shalt  }
0x4f: {  	_ =	shalt  }
0x50: {  	_ =	shalt  }
0x51: {  	_ =	shalt  }
0x52: {  	_ =	shalt  }
0x53: {  	_ =	shalt  }
0x54: {  	_ =	shalt  }
0x55: {  	_ =	shalt  }
0x56: {  	_ =	shalt  }
0x57: {  	_ =	shalt  }
0x58: {  	_ =	shalt  }
0x59: {  	_ =	shalt  }
0x5a: {  	_ =	shalt  }
0x5b: {  	_ =	shalt  }
0x5c: {  	_ =	shalt  }
0x5d: {  	_ =	shalt  }
0x5e: {  	_ =	shalt  }
0x5f: {  	_ =	shalt  }
0x60: {  	_ =	shalt  }
0x61: {  	_ =	shalt  }
0x62: {  	_ =	shalt  }
0x63: {  	_ =	shalt  }
0x64: {  	_ =	shalt  }
0x65: {  	_ =	shalt  }
0x66: {  	_ =	shalt  }
0x67: {  	_ =	shalt  }
0x68: {  	_ =	shalt  }
0x69: {  	_ =	shalt  }
0x6a: {  	_ =	shalt  }
0x6b: {  	_ =	shalt  }
0x6c: {  	_ =	shalt  }
0x6d: {  	_ =	shalt  }
0x6e: {  	_ =	shalt  }
0x6f: {  	_ =	shalt  }
0x70: {  	_ =	shalt  }
0x71: {  	_ =	shalt  }
0x72: {  	_ =	shalt  }
0x73: {  	_ =	shalt  }
0x74: {  	_ =	shalt  }
0x75: {  	_ =	shalt  }
0x76: {  	_ =	shalt  }
0x77: {  	_ =	shalt  }
0x78: {  	_ =	shalt  }
0x79: {  	_ =	shalt  }
0x7a: {  	_ =	shalt  }
0x7b: {  	_ =	shalt  }
0x7c: {  	_ =	shalt  }
0x7d: {  	_ =	shalt  }
0x7e: {  	_ =	shalt  }
0x7f: {  	_ =	shalt  }
0x80: {  	_ =	shalt  }
0x81: {  	_ =	shalt  }
0x82: {  	_ =	shalt  }
0x83: {  	_ =	shalt  }
0x84: {  	_ =	shalt  }
0x85: {  	_ =	shalt  }
0x86: {  	_ =	shalt  }
0x87: {  	_ =	shalt  }
.Lfunc_end0:
.L_simem_size_0:
called_computation_lowered:
.L_overlay_start_0:
0x88: {  	s2 =	sld [smem:$0x3FD9]  }
0x89: {  	s3 =	sld [smem:$0x3FFE];
	_ =	sdelay $0x1  }
0x8a: {  	s1 =	srdreg.scid  }
0x8b: {  	s0 =	sand.u32 $0x1, s1  }
0x8c: {  	s16 =	sshll.u32 s0, $0xA;
	s2 =	sadd.s32 s3, s2  }
0x8d: {  	s2 =	sadd.s32 s2, s16  }
0x8e: {  	[smem:$0x3FC6] =	sst s2  }
0x8f: {  	_ = 	snop  }
0x90: {  	(tm) =	ssettm $0x1  }
0x91: {  	s17 =	sld [smem:$0x3FFB];
	_ =	sdelay $0x3  }
0x92: {  	_ =	strace s17  }
0x93: {  	s2 =	sld [smem:$0x3FFC];
	_ =	sdelay $0x3  }
0x94: {  	_ =	strace s2  }
0x95: {  	s2 =	sld [smem:$0x3FFD];
	_ =	sdelay $0x3  }
0x96: {  	_ =	strace s2  }
0x97: {  	_ =	strace $0x8FFFFFFF  }
0x98: {  	s18 =	sld [smem:$0x3FDB];
	_ =	sdelay $0x1  }
0x99: {  	s19 =	simm.s32 $_scs_section_size  }
0x9a: {  	s4 =	simm.s32 $_size__tile_overlayer_lowered;
	s5 =	simm.s32 $_tile_overlayer_lowered  }
0x9b: {  	s22 =	simm.s32 $0x1BFF;
	s21 =	sshll.u32 s5, $0x1;
	s2 =	sadd.s32 s19, s18  }
0x9c: {  	s6 =	simm.s32 $0x0;
	s20 =	sshll.u32 s4, $0x1;
	s4 =	sadd.s32 s21, s2  }
0x9d: {  	[timem:s6], [sflag:s22] =	dma.local [hbm:s4], s20  }
0x9e: {  	_ =	swait.ge [sflag:s22], s20  }
0x9f: {  	s3 =	ssub.s32 $0x0, s20;
	[sflag:s22] =	ssyncset.done $0x0  }
0xa0: {  	[sflag:s22] =	ssyncadd.s32 s3;
	_ =	sdelay $0x1  }
0xa1: {  	s23 =	simm.s32 $0x1B8B  }
0xa2: {  	_ =	swait.ge [sflag:s23], $0x1  }
0xa3: {  	[sflag:s23] =	ssyncset.done $0x0  }
0xa4: {  	s25 =	simm.s32 $0x1B8E;
	s24 =	sld [smem:$0x3FFE];
	[sflag:s23] =	ssyncadd.s32 $0xFFFFFFFF  }
0xa5: {  	s26 =	simm.s32 $execute0_lowered;
	[smem:$0x3FD2] =	sst s25  }
0xa6: {  	s4 =	sshll.u32 s26, $0x1;
	_ =	strace $0x80000046;
	[dreg:$0x1] =	wrdreg $0xFFFFFFFF  }
0xa7: {  	s28 =	simm.s32 $_size_execute0_lowered;
	s2 =	sadd.s32 s2, s4;
	[dreg:$0x0] =	wrdreg $0x0  }
0xa8: {  	s4 =	sshll.u32 s28, $0x1;
	[dreg:$0x2] =	wrdreg s2  }
0xa9: {  	[dreg:$0x3] =	wrdreg s4  }
0xaa: {  	[dreg:$0x4] =	wrdreg $0xC0  }
0xab: {  	_ =	task [dreg:s6], $0x5FFFF  }
0xac: {  	[dreg:$0x1] =	wrdreg $0xFFFFFFFF  }
0xad: {  	[dreg:$0x0] =	wrdreg $0x60  }
0xae: {  	[dreg:$0x2] =	wrdreg s24  }
0xaf: {  	[dreg:$0x3] =	wrdreg $0x9  }
0xb0: {  	_ =	task.clear_ibuf [dreg:s6], $0x4FFFF;
	_ =	strace $0x90000046  }
0xb1: {  	s29 =	simm.s32 $0x9;
	_ =	strace $0x80000048  }
0xb2: {  	_ =	swait.ge [sflag:s29], $0x1  }
0xb3: {  	[sflag:s29] =	ssyncadd.s32 $0xFFFFFFFF  }
0xb4: {  	_ =	strace $0x90000048  }
0xb5: {  	_ =	sfence  }
0xb6: {  	s30 =	sld [smem:$0x0];
	_ =	sdelay $0x2  }
0xb7: {  	s31 =	sshll.u32 s1, $0xD;
	s1 =	sshrl.u32 s1, $0x2  }
0xb8: {  	s3 =	sand.u32 $0x4000, s31;
	s1 =	sadd.s32 s1, s30  }
0xb9: {  	s0 =	sor.u32 s3, s0;
	s1 =	sshll.u32 s1, $0x11  }
0xba: {  	s0 =	sor.u32 s1, s0  }
0xbb: {  	s0 =	sadd.s32 $0x8F2B, s0  }
0xbc: {  	[sflag:s0] =	ssyncadd.remote.s32 $0x1  }
0xbd: {  	_ =	sfence.sel $0xFFFF  }
0xbe: {  	[dreg:$0x0] =	wrdreg $0xFFFFFFFF;
	(pc) =	sbr.abs _section_cstart, $3  }
0xbf: {  	[dreg:$0x1] =	wrdreg $0xFFFFFFFF  }
0xc0: {  	_ =	task.clear_ibuf [dreg:s6], $0x2FFFF;
	_ =	strace $0x9FFFFFFF  }
0xc1: {  	(tm) =	ssettm $0x7FFFFFFF  }
tec
execute0_lowered:
.L_overlay_start_1:
0x0: {  	(tag) =	ssettag $0x1  }
0x1: {  	s1 =	srdreg.scid  }
0x2: {  	s0 =	stileid.u32;
	s2 =	rddreg [dreg:$0x0]  }
0x3: {  	s3 =	simm.s32 $0x0;
	s6 =	sand.u32 $0x1, s1;
	s4 =	sshll.u32 s0, $0x1  }
0x4: {  	s10 =	simm.s32 $0x2;
	s1 =	rddreg [dreg:$0x1];
	s4 =	sor.u32 s6, s4  }
.Ltmp0:
0x5: {  	s6 =	ssub.s32 $0x2, s6;
	s5 =	sshll.u32 s4, $0x4;
	(pc) =	sbr.rel .LBB2_1-.Ltmp0, $4  }
0x6: {  	[smem:$0x7FF] =	sst s3;
	s7 =	sshrl.u32 s6, $0x1;
	s8 =	sand.u32 $0x70, s5  }
0x7: {  	v0 =	vimm.f32 $1.000000020e+30;
	s9 =	sadd.s32 s5, s2;
	s7 =	ssub.s32 s6, s7;
	s11 =	sor.u32 $0x2000, s8  }
0x8: {  	vm0 =	vmmov $0x1;
	vm1 =	vcmask $0x314;
	_ =	strace $0x80000047;
	s6 =	sadd.s32 $0x400, s9;
	s7 =	smax.u32 s7, $0x1;
	v1 =	vmov s11  }
0x9: {  	vm2 =	vcmask $0x714;
	vm3 =	vcmask $0xB14;
	vm4 =	vcmask $0xF14;
	s8 =	simm.s32 $0x1;
	s9 =	simm.s32 $0x3180;
	s11 =	simm.s32 $0x0;
	[tilespmem:$0x1FFF0] =	vst v1  }
.LBB2_6:
0xa: {  	v6 =	vimm.f32 $0.0e+00  }
.LBB2_17:
0xb: {  	v0 =	vld [tilespmem:$0x1FFD0]  }
0xc: {  	v1 =	vld [tilespmem:$0x1FFE0]  }
0xd: {  	v2 =	vld [tilespmem:$0x1FFA0];
	_ =	sdelay $0x2  }
0xe: {  	v0 =	vcvt.s32.f32 v0  }
0xf: {  	v1 =	vcvt.s32.f32 v1  }
0x10: {  	v2 =	vcvt.s32.f32 v2;
	v0 =	vnsel vm0, $0x0, v0  }
0x11: {  	v0 =	vsel vm1, v0, v1;
	v1 =	vld [tilespmem:$0x1FFB0]  }
0x12: {  	v0 =	vsel vm2, v0, v2;
	v2 =	vld [tilespmem:$0x1FFC0];
	_ =	sdelay $0x3  }
0x13: {  	v1 =	vcvt.s32.f32 v1  }
0x14: {  	v2 =	vcvt.s32.f32 v2  }
0x15: {  	s11 =	sadd.s32 $0x1, s11;
	v0 =	vsel vm3, v0, v1  }
0x16: {  	[tilespmem:$0x3180] =	vst v6;
	p0 =	sne.s32 s11, s7;
	v0 =	vsel vm4, v0, v2  }
.Ltmp1:
0x17: {  	[tilespmem:$0x3190] =	vst v0;
	(pc) =	sbr.rel @!p0 .LBB2_18-.Ltmp1, $4  }
0x18: {  	[hbm4b:s6+s3] =	stream.linear.scatter [tilespmem:s9], [sflag:$0x2], $0x80, $0x38;
	[tilespmem:$0x3200] =	vst v63  }
0x19: {  	_ =	swait.ge [sflag:s10], $0x80  }
0x1a: {  	[sflag:s10] =	ssyncset.done $0x0  }
0x1b: {  	v0 =	vimm.f32 $1.000000020e+30;
	[sflag:s10] =	ssyncadd.s32 $0xFFFFFF80  }
.LBB2_1:
0x1c: {  	[tilespmem:s3], [sflag:$0x1] =	stream.linear.gather [hbm4b:s2+s3], $0x2000, $0x38;
	[tilespmem:$0x3200] =	vst v63  }
0x1d: {  	_ =	swait.ge [sflag:s8], $0x2000  }
0x1e: {  	[sflag:s8] =	ssyncset.done $0x0  }
0x1f: {  	s12 =	sand.u32 $0xFF0, s3;
	[sflag:s8] =	ssyncadd.s32 $0xFFFFE000  }
0x20: {  	v18 =	vld [tilespmem:s12+$0x1000];
	_ =	sdelay $0x2  }
0x21: {  	v1 =	vimm.s32 $0x0  }
0x22: {  	s31 =	simm.s32 $0x2000;
	s13 =	simm.s32 $0x10;
	v20 =	vimm.s32 $0x0;
	v21 =	vimm.s32 $0x0;
	v23 =	vimm.s32 $0x0  }
0x23: {  	s13 =	sand.u32 $0xFF0, s13;
	[tilespmem:s31+$0x0] =	vst v0;
	vm5 =	veq.s32 v18, $0x0;
	vm6 =	veq.s32 v18, $0x1;
	vm7 =	veq.s32 v18, $0x3  }
0x24: {  	v22 =	vld [tilespmem:s13+$0x1000];
	v19 =	vmpcnt.ones.xlane vm5;
	vm5 =	veq.s32 v18, $0x2;
	v28 =	vmpcnt.ones.xlane vm6  }
0x25: {  	s12 =	simm.s32 $0x2010;
	vm8 =	veq.s32 v18, $0x4;
	v26 =	vmpcnt.ones.xlane vm7;
	v27 =	vmpcnt.ones.xlane vm5  }
0x26: {  	s14 =	simm.s32 $0x20;
	s13 =	simm.s32 $0x30;
	[tilespmem:s12+$0x0] =	vst v0;
	v24 =	vmpcnt.ones.xlane vm8;
	v18 =	vadd.s32 v1, v19;
	v19 =	vimm.s32 $0x0  }
.LBB2_2:
0x27: {  	p0 =	sne.s32 s13, $0xFF0;
	v19 =	vadd.s32 v19, v28;
	v20 =	vadd.s32 v20, v27;
	s15 =	smov.u32 s13;
	s13 =	sadd.s32 $0x10, s13  }
.Ltmp2:
0x28: {  	v21 =	vadd.s32 v21, v26;
	v23 =	vadd.s32 v23, v24;
	(pc) =	sbr.rel @p0 .LBB2_2-.Ltmp2, $4  }
0x29: {  	s16 =	sand.u32 $0xFF0, s14;
	s12 =	sadd.s32 $0x10, s12;
	s14 =	smov.u32 s15;
	vm5 =	veq.s32 v22, $0x0;
	vm6 =	veq.s32 v22, $0x1;
	vm7 =	veq.s32 v22, $0x2  }
0x2a: {  	vm8 =	veq.s32 v22, $0x4;
	[tilespmem:s12+$0x0] =	vst v0;
	v24 =	vmpcnt.ones.xlane vm5;
	vm5 =	veq.s32 v22, $0x3;
	v22 =	vld [tilespmem:s16+$0x1000]  }
0x2b: {  	v28 =	vmpcnt.ones.xlane vm6;
	v27 =	vmpcnt.ones.xlane vm7  }
0x2c: {  	v26 =	vmpcnt.ones.xlane vm5;
	v18 =	vadd.s32 v18, v24;
	v24 =	vmpcnt.ones.xlane vm8  }
0x2d: {  	s13 =	sand.u32 $0xFF0, s14  }
0x2e: {  	v25 =	vld [tilespmem:s13+$0x1000];
	_ =	sdelay $0x3  }
0x2f: {  	vm5 =	veq.s32 v22, $0x0  }
0x30: {  	v29 =	vmpcnt.ones.xlane vm5;
	vm5 =	veq.s32 v25, $0x0  }
0x31: {  	v30 =	vmpcnt.ones.xlane vm5  }
0x32: {  	v18 =	vadd.s32 v18, v29  }
0x33: {  	v1 =	vadd.s32 v18, v30  }
0x34: {  	v19 =	vadd.s32 v19, v28;
	v29 =	vadd.s32 $0x3F, v1  }
0x35: {  	vm6 =	veq.s32 v25, $0x1;
	vm5 =	veq.s32 v22, $0x1;
	v28 =	vand.u32 $0x3F, v29  }
0x36: {  	v62 =	vmpcnt.ones.xlane vm5;
	vm5 =	vne.s32 v28, $0x0;
	v28 =	vshra.s32 v29, $0x1F  }
0x37: {  	[tilespmem:$0x1FFD0] =	vst v1;
	v1 =	vimm.s32 $0x0;
	vm7 =	vlt.s32 v29, $0x1;
	v28 =	vshrl.u32 v28, $0x1A  }
0x38: {  	vm5 =	vmand vm7, vm5;
	v28 =	vadd.s32 v28, v29;
	v29 =	vmpcnt.ones.xlane vm6  }
0x39: {  	v19 =	vadd.s32 v19, v62;
	v63 =	vsel vm5, $0xFFFFFFFF, v1;
	v28 =	vshra.s32 v28, $0x6  }
0x3a: {  	s12 =	sadd.s32 $0x10, s12;
	v1 =	vadd.s32 v19, v29;
	v28 =	vadd.s32 v63, v28  }
0x3b: {  	[tilespmem:s12+$0x0] =	vst v0;
	vm5 =	veq.s32 v22, $0x2;
	(v2sf) =	vpush v28, $0x0;
	v28 =	vadd.s32 $0x3F, v1  }
0x3c: {  	[tilespmem:$0x3000] =	vst v0;
	(v2sf) =	vpush v28, $0x0;
	v28 =	vmpcnt.ones.xlane vm5;
	vm5 =	veq.s32 v25, $0x2  }
0x3d: {  	v20 =	vadd.s32 v20, v27;
	[tilespmem:$0x3010] =	vst v0;
	v27 =	vmpcnt.ones.xlane vm5  }
0x3e: {  	[tilespmem:$0x3020] =	vst v0;
	v20 =	vadd.s32 v20, v28  }
0x3f: {  	[tilespmem:$0x1FFE0] =	vst v1;
	vm5 =	veq.s32 v22, $0x3;
	v1 =	vadd.s32 v20, v27  }
0x40: {  	[tilespmem:$0x3030] =	vst v0;
	v27 =	vmpcnt.ones.xlane vm5;
	vm5 =	veq.s32 v25, $0x3;
	(v2sf) =	vpush v1, $0x0  }
0x41: {  	v21 =	vadd.s32 v21, v26;
	[tilespmem:$0x3040] =	vst v0;
	v26 =	vmpcnt.ones.xlane vm5  }
0x42: {  	[tilespmem:$0x3050] =	vst v0;
	v21 =	vadd.s32 v21, v27  }
0x43: {  	[tilespmem:$0x3060] =	vst v0;
	v2 =	vadd.s32 v21, v26  }
0x44: {  	[tilespmem:$0x3070] =	vst v0;
	(v2sf) =	vpush v2, $0x0  }
0x45: {  	[tilespmem:$0x3080] =	vst v0  }
0x46: {  	[tilespmem:$0x3090] =	vst v0  }
0x47: {  	[tilespmem:$0x30A0] =	vst v0  }
0x48: {  	[tilespmem:$0x30B0] =	vst v0  }
0x49: {  	[tilespmem:$0x30C0] =	vst v0  }
0x4a: {  	[tilespmem:$0x30D0] =	vst v0;
	s20 =	spop (v2sf)  }
0x4b: {  	s17 =	simm.s32 $0x0;
	[tilespmem:$0x30E0] =	vst v0;
	s21 =	spop (v2sf)  }
0x4c: {  	s18 =	simm.s32 $0x1;
	[tilespmem:$0x30F0] =	vst v0;
	s22 =	sshra.s32 s21, $0x1F;
	s15 =	sand.u32 $0x3F, s21  }
0x4d: {  	[tilespmem:$0x3100] =	vst v0;
	p0 =	slt.s32 s21, $0x1;
	p1 =	sne.s32 s15, $0x0;
	s14 =	sshrl.u32 s22, $0x1A  }
0x4e: {  	s23 =	sand.u32 $0xFF0, s17;
	[tilespmem:$0x3110] =	vst v0;
	p0 =	por !p0, !p1;
	s12 =	sadd.s32 s14, s21  }
0x4f: {  	[tilespmem:$0x3120] =	vst v0;
	s14 =	simm.s32 $0x1;
	p0 =	por !p0, !p0;
	s24 =	spop (v2sf)  }
0x50: {  	[tilespmem:$0x3130] =	vst v0;
	s12 =	sshra.s32 s12, $0x6;
	s14 =	simm.s32 @!p0 $0x0;
	s15 =	sadd.s32 $0x3F, s24  }
0x51: {  	[tilespmem:$0x3140] =	vst v0;
	s14 =	ssub.s32 s12, s14;
	s12 =	sshll.u32 s20, $0x6;
	s25 =	sand.u32 $0x3F, s15  }
0x52: {  	v26 =	vld [tilespmem:s23+$0x1000];
	s16 =	sshra.s32 s15, $0x1F;
	p3 =	slt.s32 s15, $0x1;
	s14 =	sadd.s32 s20, s14  }
0x53: {  	p4 =	sne.s32 s25, $0x0;
	s26 =	sshrl.u32 s16, $0x1A;
	s28 =	spop (v2sf)  }
0x54: {  	v27 =	vld [tilespmem:s17+$0x0];
	p0 =	por !p3, !p4;
	s16 =	sadd.s32 $0x3F, s28;
	s13 =	sadd.s32 s26, s15  }
0x55: {  	p0 =	por !p0, !p0;
	s29 =	sand.u32 $0x3F, s16;
	s19 =	sshra.s32 s16, $0x1F  }
0x56: {  	p5 =	slt.s32 s16, $0x1;
	s13 =	sshra.s32 s13, $0x6;
	p6 =	sne.s32 s29, $0x0  }
0x57: {  	vm5 =	veq.s32 v26, $0x0;
	s18 =	simm.s32 @!p0 $0x0;
	s30 =	sshrl.u32 s19, $0x1A;
	p0 =	por !p5, !p6  }
0x58: {  	v28 =	vmpcnt.ones.xlane vm5;
	s15 =	sadd.s32 s30, s16;
	s16 =	simm.s32 $0x1;
	p0 =	por !p0, !p0  }
0x59: {  	vm9 =	veq.s32 v22, $0x4;
	vm6 =	veq.s32 v26, $0x1;
	vm7 =	veq.s32 v26, $0x3;
	[tilespmem:s17+$0x2000] =	vst.msk vm5, v27;
	s18 =	ssub.s32 s13, s18;
	s15 =	sshra.s32 s15, $0x6;
	s16 =	simm.s32 @!p0 $0x0  }
0x5a: {  	vm5 =	veq.s32 v26, $0x2;
	v22 =	vmpcnt.ones.xlane vm6;
	(v2sf) =	vpush v28, $0x0;
	[tilespmem:s12+$0x2000] =	vst.msk vm6, v27;
	s13 =	sshll.u32 s14, $0x6;
	s18 =	sadd.s32 s14, s18;
	s15 =	ssub.s32 s15, s16  }
0x5b: {  	vm8 =	veq.s32 v26, $0x4;
	v26 =	vmpcnt.ones.xlane vm7;
	[tilespmem:s13+$0x2000] =	vst.msk vm5, v27;
	s14 =	sshll.u32 s18, $0x6;
	s16 =	sadd.s32 s18, s15  }
0x5c: {  	(v2sf) =	vpush v22, $0x0;
	vm6 =	veq.s32 v25, $0x4;
	v25 =	vmpcnt.ones.xlane vm5;
	[tilespmem:s14+$0x2000] =	vst.msk vm7, v27;
	s15 =	sshll.u32 s16, $0x6  }
0x5d: {  	(v2sf) =	vpush v26, $0x0;
	[tilespmem:s15+$0x2000] =	vst.msk vm8, v27;
	v27 =	vmpcnt.ones.xlane vm8  }
0x5e: {  	(v2sf) =	vpush v25, $0x0  }
0x5f: {  	(v2sf) =	vpush v27, $0x0  }
0x60: {  	s22 =	simm.s32 $0x10  }
0x61: {  	s31 =	sand.u32 $0xFF0, s22  }
0x62: {  	v28 =	vld [tilespmem:s31+$0x1000]  }
0x63: {  	v23 =	vadd.s32 v23, v24;
	v24 =	vmpcnt.ones.xlane vm9  }
0x64: {  	v22 =	vmpcnt.ones.xlane vm6  }
0x65: {  	v23 =	vadd.s32 v23, v24  }
0x66: {  	v0 =	vadd.s32 v23, v22  }
0x67: {  	v23 =	vld [tilespmem:s22+$0x0];
	vm9 =	veq.s32 v28, $0x0;
	vm8 =	veq.s32 v28, $0x1;
	vm5 =	veq.s32 v28, $0x4  }
0x68: {  	s24 =	simm.s32 $0x20;
	s21 =	smov.u32 s12;
	s20 =	smov.u32 s13;
	vm6 =	veq.s32 v28, $0x3;
	v27 =	vmpcnt.ones.xlane vm9;
	v25 =	vmpcnt.ones.xlane vm8  }
0x69: {  	s23 =	spop (v2sf);
	s19 =	smov.u32 s14;
	s18 =	smov.u32 s15;
	vm7 =	veq.s32 v28, $0x2;
	v26 =	vmpcnt.ones.xlane vm6;
	v24 =	vmpcnt.ones.xlane vm5  }
.LBB2_4:
0x6a: {  	s17 =	sadd.s32 s17, s23  }
0x6b: {  	v28 =	vmpcnt.ones.xlane vm7;
	(v2sf) =	vpush v27, $0x0;
	s23 =	spop (v2sf);
	s25 =	smov.u32 s24;
	s26 =	sadd.s32 $0x10, s24  }
0x6c: {  	p0 =	sne.s32 s24, $0xFF0;
	[tilespmem:s17+$0x2000] =	vst.msk vm9, v23;
	(v2sf) =	vpush v25, $0x0;
	s21 =	sadd.s32 s21, s23;
	s23 =	spop (v2sf)  }
0x6d: {  	[tilespmem:s21+$0x2000] =	vst.msk vm8, v23;
	(v2sf) =	vpush v26, $0x0;
	s19 =	sadd.s32 s19, s23;
	s23 =	spop (v2sf)  }
0x6e: {  	(v2sf) =	vpush v28, $0x0;
	s20 =	sadd.s32 s20, s23;
	s23 =	spop (v2sf)  }
0x6f: {  	[tilespmem:s20+$0x2000] =	vst.msk vm7, v23;
	(v2sf) =	vpush v24, $0x0;
	s18 =	sadd.s32 s18, s23  }
0x70: {  	[tilespmem:s19+$0x2000] =	vst.msk vm6, v23  }
0x71: {  	[tilespmem:s18+$0x2000] =	vst.msk vm5, v23  }
0x72: {  	s23 =	sand.u32 $0xFF0, s25  }
0x73: {  	v24 =	vld [tilespmem:s23+$0x1000];
	_ =	sdelay $0x2  }
.Ltmp3:
0x74: {  	s22 =	sadd.s32 $0x10, s22;
	(pc) =	sbr.rel @p0 .LBB2_4-.Ltmp3, $4  }
0x75: {  	v23 =	vld [tilespmem:s22+$0x0]  }
0x76: {  	vm9 =	veq.s32 v24, $0x0;
	vm8 =	veq.s32 v24, $0x1;
	vm5 =	veq.s32 v24, $0x4  }
0x77: {  	vm6 =	veq.s32 v24, $0x3;
	v27 =	vmpcnt.ones.xlane vm9;
	v25 =	vmpcnt.ones.xlane vm8  }
0x78: {  	s24 =	smov.u32 s26;
	vm7 =	veq.s32 v24, $0x2;
	v26 =	vmpcnt.ones.xlane vm6;
	v24 =	vmpcnt.ones.xlane vm5;
	s23 =	spop (v2sf)  }
0x79: {  	(v2sf) =	vpush v27, $0x0  }
0x7a: {  	v63 =	vmpcnt.ones.xlane vm7;
	(v2sf) =	vpush v25, $0x0  }
0x7b: {  	(v2sf) =	vpush v26, $0x0  }
0x7c: {  	(v2sf) =	vpush v63, $0x0  }
0x7d: {  	(v2sf) =	vpush v24, $0x0  }
0x7e: {  	(v2sf) =	vpush v0, $0x0;
	_ =	sdelay $0x5  }
0x7f: {  	s22 =	spop (v2sf)  }
0x80: {  	s24 =	spop (v2sf)  }
0x81: {  	s25 =	spop (v2sf)  }
0x82: {  	s26 =	spop (v2sf)  }
0x83: {  	s28 =	spop (v2sf)  }
0x84: {  	s28 =	spop (v2sf)  }
0x85: {  	s28 =	spop (v2sf)  }
0x86: {  	s28 =	spop (v2sf)  }
0x87: {  	s28 =	spop (v2sf)  }
0x88: {  	s28 =	spop (v2sf)  }
0x89: {  	s28 =	sadd.s32 $0x3F, s28  }
0x8a: {  	s29 =	sand.u32 $0x3F, s28  }
0x8b: {  	s31 =	sshra.s32 s28, $0x1F;
	p1 =	slt.s32 s28, $0x1;
	p0 =	sne.s32 s29, $0x0  }
0x8c: {  	s29 =	sshrl.u32 s31, $0x1A;
	p0 =	por !p1, !p0  }
0x8d: {  	s28 =	sadd.s32 s29, s28;
	s29 =	simm.s32 $0x1;
	p0 =	por !p0, !p0  }
0x8e: {  	s28 =	sshrl.u32 s28, $0x6;
	s29 =	simm.s32 @!p0 $0x0  }
0x8f: {  	s28 =	ssub.s32 s28, s29  }
0x90: {  	s16 =	sadd.s32 s16, s28  }
0x91: {  	s16 =	sshll.u32 s16, $0x6  }
0x92: {  	s30 =	sshra.s32 s16, $0x4  }
0x93: {  	s28 =	ssub.s32 s30, s4  }
0x94: {  	s29 =	sadd.s32 $0x1F, s28  }
0x95: {  	s17 =	sadd.s32 s17, s23;
	s31 =	sand.u32 $0x1F, s29  }
0x96: {  	p5 =	slt.s32 s28, $0xFFFFFFE2;
	s28 =	sshra.s32 s29, $0x1F;
	p6 =	sne.s32 s31, $0x0  }
0x97: {  	s21 =	sadd.s32 s21, s22;
	s30 =	sshrl.u32 s28, $0x1B;
	p0 =	por !p5, !p6  }
0x98: {  	s22 =	simm.s32 $0x1;
	s31 =	sadd.s32 s30, s29;
	p0 =	por !p0, !p0  }
0x99: {  	[tilespmem:s17+$0x2000] =	vst.msk vm9, v23;
	s17 =	sshra.s32 s31, $0x5;
	s22 =	simm.s32 @!p0 $0x0  }
0x9a: {  	[tilespmem:$0x1FFA0] =	vst v1;
	s17 =	ssub.s32 s17, s22  }
0x9b: {  	[tilespmem:$0x1FFB0] =	vst v2;
	p0 =	slt.s32 s17, $0x1  }
.Ltmp4:
0x9c: {  	[tilespmem:$0x1FFC0] =	vst v0;
	(pc) =	sbr.rel @p0 .LBB2_6-.Ltmp4, $4  }
0x9d: {  	[tilespmem:s21+$0x2000] =	vst.msk vm8, v23;
	s20 =	sadd.s32 s20, s25  }
0x9e: {  	s19 =	sadd.s32 s19, s24;
	[tilespmem:s20+$0x2000] =	vst.msk vm7, v23  }
0x9f: {  	s18 =	sadd.s32 s18, s26;
	[tilespmem:s19+$0x2000] =	vst.msk vm6, v23  }
0xa0: {  	[tilespmem:s18+$0x2000] =	vst.msk vm5, v23  }
.Ltmp5:
0xa1: {  	(pc) =	sbr.rel .LBB2_8-.Ltmp5, $3  }
0xa2: {  	_ =	sdelay $0x1  }
0xa3: {  	s18 =	sshra.s32 s16, $0x6  }
0xa4: {  	s20 =	simm.s32 $0x0;
	v6 =	vimm.f32 $0.0e+00;
	s19 =	ssub.s32 $0x0, s18  }
.LBB2_10:
0xa5: {  	v45 =	vimm.f32 $0.0e+00;
	v43 =	vimm.f32 $0.0e+00;
	v44 =	vimm.f32 $0.0e+00  }
.LBB2_15:
0xa6: {  	v0 =	vadd.f32 v47, v46;
	v1 =	vadd.f32 v50, v48  }
0xa7: {  	v2 =	vadd.f32 v51, v49;
	v3 =	vadd.f32 v53, v52  }
0xa8: {  	v4 =	vadd.f32 v55, v54;
	v5 =	vadd.f32 @p0 v42, v45  }
0xa9: {  	v0 =	vadd.f32 v1, v0;
	v61 =	vadd.f32 v3, v2  }
0xaa: {  	v62 =	vadd.f32 v4, v43;
	v63 =	vpsel p0, v5, v9  }
0xab: {  	v0 =	vadd.f32 v0, v44;
	v1 =	vadd.f32 v61, v63;
	_ =	sdelay $0x1  }
0xac: {  	v0 =	vadd.f32 v0, v62;
	v1 =	vadd.f32 v40, v1;
	_ =	sdelay $0x1  }
0xad: {  	v24 =	vadd.f32 v1, v0  }
.LBB2_16:
0xae: {  	s20 =	sadd.s32 $0x1, s20  }
0xaf: {  	p0 =	sne.s32 s20, s17  }
.Ltmp6:
0xb0: {  	_ = 	snop;
	(pc) =	sbr.rel @!p0 .LBB2_17-.Ltmp6, $2  }
0xb1: {  	_ =	sdelay $0x2  }
0xb2: {  	v6 =	vadd.f32 v24, v6  }
.LBB2_8:
0xb3: {  	s21 =	sshll.u32 s20, $0x9  }
0xb4: {  	s23 =	simm.s32 $0x1;
	s22 =	sor.u32 s5, s21  }
0xb5: {  	s21 =	simm.s32 $0x1;
	p0 =	sge.s32 s22, s12;
	p1 =	sge.s32 s22, s13  }
0xb6: {  	s21 =	simm.s32 @!p0 $0x0;
	s23 =	simm.s32 @!p1 $0x0  }
0xb7: {  	p0 =	sge.s32 s22, s14;
	s21 =	sadd.s32 s23, s21;
	s23 =	simm.s32 $0x1  }
0xb8: {  	s24 =	simm.s32 $0x1;
	s23 =	simm.s32 @!p0 $0x0;
	p0 =	sge.s32 s22, s15  }
0xb9: {  	s21 =	sadd.s32 s23, s21;
	s24 =	simm.s32 @!p0 $0x0  }
0xba: {  	s21 =	sadd.s32 s24, s21  }
0xbb: {  	s23 =	smov.u32 s16;
	p0 =	seq.s32 s21, $0x3  }
0xbc: {  	s23 =	smov.u32 @p0 s15;
	p0 =	seq.s32 s21, $0x2  }
0xbd: {  	s23 =	smov.u32 @p0 s14;
	p0 =	seq.s32 s21, $0x1  }
0xbe: {  	s23 =	smov.u32 @p0 s13;
	p0 =	seq.s32 s21, $0x0  }
0xbf: {  	s23 =	smov.u32 @p0 s12  }
0xc0: {  	s21 =	sshra.s32 s23, $0x6  }
0xc1: {  	p0 =	sge.s32 s21, s18  }
.Ltmp7:
0xc2: {  	_ = 	snop;
	(pc) =	sbr.rel @p0 .LBB2_16-.Ltmp7, $2  }
0xc3: {  	_ =	sdelay $0x2  }
0xc4: {  	v24 =	vimm.f32 $0.0e+00  }
0xc5: {  	v0 =	vld [tilespmem:$0x1FFF0];
	_ =	sdelay $0x6  }
0xc6: {  	s22 =	sand.u32 $0xFFFFFF80, s22  }
0xc7: {  	v24 =	vld.idx.msk [tilespmem:v0+s22+$0x0 ss:$0x1], $0xffff;
	_ =	sdelay $0x1  }
0xc8: {  	v58 =	vimm.s32 $0x0;
	v59 =	vimm.s32 $0x1  }
0xc9: {  	s30 =	sshll.u32 s21, $0x8;
	v60 =	vimm.s32 $0x2;
	v61 =	vimm.s32 $0x3;
	v62 =	vimm.s32 $0x4  }
0xca: {  	v63 =	vimm.s32 $0x5;
	v12 =	vimm.s32 $0x6;
	v13 =	vimm.s32 $0x7;
	s22 =	sshra.s32 s30, $0x2  }
0xcb: {  	v14 =	vimm.s32 $0x8;
	v15 =	vimm.s32 $0x9;
	s22 =	sadd.s32 $0x2020, s22;
	vm5 =	vlt.f32 v24, $5.000000080e+29  }
0xcc: {  	v16 =	vimm.s32 $0xA;
	v17 =	vimm.s32 $0xB;
	v40 =	vld [tilespmem:s22+$0x10];
	v39 =	vnsel vm5, $0xF149F2CA, v24  }
0xcd: {  	v18 =	vimm.s32 $0xC;
	v1 =	vperm.xlane v39, v58;
	v2 =	vperm.xlane v39, v59  }
0xce: {  	v19 =	vimm.s32 $0xD;
	v3 =	vperm.xlane v39, v60;
	v4 =	vperm.xlane v39, v61  }
0xcf: {  	v20 =	vimm.s32 $0xE;
	v5 =	vperm.xlane v39, v62;
	v29 =	vperm.xlane v39, v63  }
0xd0: {  	v21 =	vimm.s32 $0xF;
	v30 =	vperm.xlane v39, v12;
	v31 =	vperm.xlane v39, v13  }
0xd1: {  	v32 =	vperm.xlane v39, v14;
	v33 =	vperm.xlane v39, v15;
	v41 =	vsub.f32 v1, v40  }
0xd2: {  	v34 =	vperm.xlane v39, v16;
	v42 =	vsub.f32 v2, v40;
	v43 =	vsub.f32 v3, v40  }
0xd3: {  	v35 =	vperm.xlane v39, v17;
	v44 =	vsub.f32 v4, v40;
	v45 =	vsub.f32 v5, v40  }
0xd4: {  	v22 =	vld [tilespmem:s22+$0xFFFFFFE0];
	v36 =	vperm.xlane v39, v18;
	v46 =	vsub.f32 v29, v40;
	v47 =	vsub.f32 v30, v40  }
0xd5: {  	v37 =	vperm.xlane v39, v19;
	v48 =	vsub.f32 v31, v40;
	v49 =	vsub.f32 v32, v40  }
0xd6: {  	v38 =	vperm.xlane v39, v20;
	v50 =	vsub.f32 v33, v40;
	v51 =	vsub.f32 v34, v40  }
0xd7: {  	v39 =	vperm.xlane v39, v21;
	v52 =	vsub.f32 v35, v40;
	v53 =	vsub.f32 v36, v40  }
0xd8: {  	v54 =	vsub.f32 v37, v40;
	v55 =	vsub.f32 v38, v40  }
0xd9: {  	v40 =	vsub.f32 v39, v40;
	v57 =	vsub.f32 v1, v22  }
0xda: {  	v58 =	vsub.f32 v2, v22;
	v59 =	vsub.f32 v3, v22  }
0xdb: {  	v60 =	vsub.f32 v4, v22;
	v61 =	vsub.f32 v5, v22  }
0xdc: {  	v62 =	vsub.f32 v29, v22;
	v63 =	vsub.f32 v30, v22  }
0xdd: {  	v0 =	vsub.f32 v31, v22;
	v12 =	vsub.f32 v32, v22  }
0xde: {  	v13 =	vsub.f32 v33, v22;
	v14 =	vsub.f32 v34, v22  }
0xdf: {  	v15 =	vsub.f32 v35, v22;
	v41 =	vmax.f32 v41, $0.0e+00;
	v42 =	vmax.f32 v42, $0.0e+00  }
0xe0: {  	v43 =	vmax.f32 v43, $0.0e+00;
	v44 =	vmax.f32 v44, $0.0e+00;
	v45 =	vmax.f32 v45, $0.0e+00  }
0xe1: {  	v46 =	vmax.f32 v46, $0.0e+00;
	v47 =	vmax.f32 v47, $0.0e+00;
	v48 =	vmax.f32 v48, $0.0e+00  }
0xe2: {  	v49 =	vmax.f32 v49, $0.0e+00;
	v50 =	vmax.f32 v50, $0.0e+00;
	v51 =	vmax.f32 v51, $0.0e+00  }
0xe3: {  	v52 =	vmax.f32 v52, $0.0e+00;
	v53 =	vmax.f32 v53, $0.0e+00;
	v41 =	vadd.f32 v42, v41  }
0xe4: {  	v54 =	vmax.f32 v54, $0.0e+00;
	v43 =	vadd.f32 v44, v43;
	v23 =	vadd.f32 v46, v45  }
0xe5: {  	v24 =	vmax.f32 v55, $0.0e+00;
	v25 =	vadd.f32 v48, v47;
	v26 =	vadd.f32 v50, v49  }
0xe6: {  	v40 =	vmax.f32 v40, $0.0e+00;
	v52 =	vadd.f32 v52, v51;
	v54 =	vadd.f32 v54, v53  }
0xe7: {  	v40 =	vadd.f32 v40, v24;
	v45 =	vmax.f32 v57, $0.0e+00;
	v46 =	vmax.f32 v58, $0.0e+00  }
0xe8: {  	v44 =	vmax.f32 v60, $0.0e+00;
	v24 =	vsub.f32 v36, v22;
	v57 =	vsub.f32 v38, v22  }
0xe9: {  	v42 =	vsub.f32 v39, v22;
	v49 =	vmax.f32 v63, $0.0e+00;
	v50 =	vmax.f32 v0, $0.0e+00  }
0xea: {  	v51 =	vmax.f32 v12, $0.0e+00;
	v45 =	vadd.f32 v46, v45;
	v49 =	vadd.f32 v50, v49  }
0xeb: {  	v53 =	vmax.f32 v14, $0.0e+00;
	v41 =	vadd.f32 v43, v41;
	v55 =	vadd.f32 v25, v23  }
0xec: {  	v48 =	vld [tilespmem:s22+$0xFFFFFFF0];
	v56 =	vadd.f32 v52, v26;
	v40 =	vadd.f32 v40, v54;
	v43 =	vmax.f32 v59, $0.0e+00  }
0xed: {  	v52 =	vmax.f32 v13, $0.0e+00;
	v25 =	vmax.f32 v15, $0.0e+00;
	v12 =	vmax.f32 v57, $0.0e+00  }
0xee: {  	v42 =	vmax.f32 v42, $0.0e+00;
	v43 =	vadd.f32 v44, v43;
	v51 =	vadd.f32 v52, v51  }
0xef: {  	v46 =	vadd.f32 v25, v53;
	v42 =	vadd.f32 v42, v12  }
0xf0: {  	v41 =	vadd.f32 v55, v41;
	v40 =	vadd.f32 v40, v56  }
0xf1: {  	v56 =	vsub.f32 v37, v22;
	v58 =	vsub.f32 v1, v48  }
0xf2: {  	v59 =	vsub.f32 v2, v48;
	v60 =	vsub.f32 v3, v48  }
0xf3: {  	v47 =	vmax.f32 v61, $0.0e+00;
	v61 =	vsub.f32 v4, v48;
	v63 =	vsub.f32 v29, v48  }
0xf4: {  	v18 =	vsub.f32 v30, v48;
	v19 =	vsub.f32 v31, v48  }
0xf5: {  	v20 =	vsub.f32 v32, v48;
	v21 =	vsub.f32 v33, v48  }
0xf6: {  	v9 =	vimm.f32 $0.0e+00;
	v54 =	vsub.f32 v34, v48;
	v55 =	vsub.f32 v35, v48  }
0xf7: {  	v26 =	vmax.f32 v24, $0.0e+00;
	v13 =	vsub.f32 v37, v48;
	v14 =	vsub.f32 v38, v48  }
0xf8: {  	v44 =	vld [tilespmem:s22+$0x0];
	v43 =	vadd.f32 v43, v45;
	v40 =	vadd.f32 v40, v41;
	v41 =	vmax.f32 v62, $0.0e+00  }
0xf9: {  	v62 =	vsub.f32 v5, v48;
	v0 =	vmax.f32 v56, $0.0e+00;
	v56 =	vsub.f32 v36, v48  }
0xfa: {  	v48 =	vsub.f32 v39, v48;
	v41 =	vadd.f32 v41, v47;
	v58 =	vmax.f32 v58, $0.0e+00  }
0xfb: {  	v47 =	vadd.f32 v0, v26;
	v59 =	vmax.f32 v59, $0.0e+00;
	v60 =	vmax.f32 v60, $0.0e+00  }
0xfc: {  	v61 =	vmax.f32 v61, $0.0e+00;
	v63 =	vmax.f32 v63, $0.0e+00;
	v18 =	vmax.f32 v18, $0.0e+00  }
0xfd: {  	v19 =	vmax.f32 v19, $0.0e+00;
	v15 =	vsub.f32 v1, v44;
	v24 =	vsub.f32 v2, v44  }
0xfe: {  	v20 =	vmax.f32 v20, $0.0e+00;
	v58 =	vadd.f32 v59, v58;
	v25 =	vsub.f32 v3, v44  }
0xff: {  	v21 =	vmax.f32 v21, $0.0e+00;
	v60 =	vadd.f32 v61, v60;
	v26 =	vsub.f32 v4, v44  }
0x100: {  	v54 =	vmax.f32 v54, $0.0e+00;
	v0 =	vsub.f32 v5, v44;
	v18 =	vadd.f32 v19, v18  }
0x101: {  	[tilespmem:$0x1FF50] =	vst v1;
	v55 =	vmax.f32 v55, $0.0e+00;
	v1 =	vsub.f32 v29, v44;
	v20 =	vadd.f32 v21, v20  }
0x102: {  	[tilespmem:$0x1FF60] =	vst v2;
	v57 =	vmax.f32 v13, $0.0e+00;
	v2 =	vsub.f32 v30, v44;
	v54 =	vadd.f32 v55, v54  }
0x103: {  	[tilespmem:$0x1FF70] =	vst v3;
	v53 =	vmax.f32 v14, $0.0e+00;
	v3 =	vsub.f32 v31, v44;
	v12 =	vsub.f32 v32, v44  }
0x104: {  	v62 =	vmax.f32 v62, $0.0e+00;
	v13 =	vsub.f32 v33, v44;
	v14 =	vsub.f32 v34, v44  }
0x105: {  	v56 =	vmax.f32 v56, $0.0e+00;
	v17 =	vsub.f32 v36, v44;
	v40 =	vadd.f32 v40, v9  }
0x106: {  	v48 =	vmax.f32 v48, $0.0e+00;
	v62 =	vadd.f32 v63, v62;
	v56 =	vadd.f32 v57, v56  }
0x107: {  	v53 =	vadd.f32 v48, v53;
	v41 =	vadd.f32 v49, v41  }
0x108: {  	v42 =	vadd.f32 v42, v47;
	v50 =	vmax.f32 v15, $0.0e+00;
	v52 =	vmax.f32 v24, $0.0e+00  }
0x109: {  	v59 =	vmax.f32 v25, $0.0e+00;
	v61 =	vmax.f32 v26, $0.0e+00;
	v15 =	vsub.f32 v35, v44  }
0x10a: {  	v63 =	vmax.f32 v0, $0.0e+00;
	v19 =	vmax.f32 v1, $0.0e+00;
	v21 =	vmax.f32 v2, $0.0e+00  }
0x10b: {  	v55 =	vmax.f32 v3, $0.0e+00;
	v24 =	vsub.f32 v37, v44;
	v25 =	vsub.f32 v38, v44  }
0x10c: {  	v57 =	vmax.f32 v12, $0.0e+00;
	v44 =	vsub.f32 v39, v44;
	v52 =	vadd.f32 v52, v50  }
0x10d: {  	v48 =	vmax.f32 v13, $0.0e+00;
	v59 =	vadd.f32 v61, v59;
	v19 =	vadd.f32 v19, v63  }
0x10e: {  	v26 =	vmax.f32 v17, $0.0e+00;
	v21 =	vadd.f32 v55, v21;
	v57 =	vadd.f32 v48, v57  }
0x10f: {  	s31 =	sadd.s32 s21, s19;
	v50 =	vmax.f32 v14, $0.0e+00;
	v63 =	vadd.f32 v46, v51;
	v46 =	vadd.f32 v60, v58  }
0x110: {  	s21 =	sadd.s32 $0x1, s31;
	v47 =	vadd.f32 v18, v62;
	v61 =	vmax.f32 v15, $0.0e+00;
	v55 =	vmax.f32 v24, $0.0e+00  }
0x111: {  	p1 =	seq.s32 s21, $0x0;
	v48 =	vmax.f32 v25, $0.0e+00;
	v44 =	vmax.f32 v44, $0.0e+00;
	v61 =	vadd.f32 v61, v50  }
.Ltmp8:
0x112: {  	v55 =	vadd.f32 v55, v26;
	v44 =	vadd.f32 v44, v48;
	(pc) =	sbr.rel @p1 .LBB2_10-.Ltmp8, $4  }
0x113: {  	v48 =	vadd.f32 v54, v20;
	v50 =	vadd.f32 v53, v56  }
0x114: {  	v49 =	vadd.f32 v59, v52;
	v51 =	vadd.f32 v21, v19  }
0x115: {  	[tilespmem:$0x1FF80] =	vst v4;
	v54 =	vadd.f32 v41, v43;
	v52 =	vadd.f32 v61, v57  }
0x116: {  	p0 =	por $0x0, $0x0;
	[tilespmem:$0x1FF90] =	vst v5;
	s22 =	sadd.s32 $0x40, s22;
	v53 =	vadd.f32 v44, v55;
	v55 =	vadd.f32 v42, v63  }
0x117: {  	v18 =	vld [tilespmem:s22+$0x10]  }
0x118: {  	v0 =	vld [tilespmem:$0x1FF50]  }
0x119: {  	v1 =	vld [tilespmem:$0x1FF60]  }
0x11a: {  	[tilespmem:$0x1FF40] =	vst v6;
	v6 =	vld [tilespmem:$0x1FF70]  }
0x11b: {  	v19 =	vadd.f32 v47, v46;
	v20 =	vadd.f32 v50, v48;
	v7 =	vld [tilespmem:$0x1FF80]  }
0x11c: {  	v21 =	vadd.f32 v51, v49;
	v8 =	vld [tilespmem:$0x1FF90];
	v42 =	vadd.f32 v53, v52  }
0x11d: {  	v43 =	vadd.f32 v55, v54  }
0x11e: {  	v44 =	vadd.f32 v20, v19;
	v42 =	vadd.f32 v42, v21  }
0x11f: {  	v63 =	vsub.f32 v0, v18;
	v2 =	vsub.f32 v1, v18  }
0x120: {  	v3 =	vsub.f32 v6, v18;
	v45 =	vsub.f32 v7, v18  }
0x121: {  	v10 =	vsub.f32 v8, v18;
	v11 =	vsub.f32 v29, v18  }
0x122: {  	v12 =	vsub.f32 v30, v18;
	v13 =	vsub.f32 v31, v18  }
0x123: {  	v14 =	vsub.f32 v32, v18;
	v15 =	vsub.f32 v33, v18  }
0x124: {  	v24 =	vsub.f32 v34, v18;
	v25 =	vsub.f32 v35, v18  }
0x125: {  	v26 =	vsub.f32 v36, v18;
	v41 =	vsub.f32 v37, v18  }
0x126: {  	v56 =	vsub.f32 v38, v18;
	v18 =	vsub.f32 v39, v18;
	v19 =	vmax.f32 v63, $0.0e+00  }
0x127: {  	v20 =	vmax.f32 v2, $0.0e+00;
	v21 =	vmax.f32 v3, $0.0e+00;
	v45 =	vmax.f32 v45, $0.0e+00  }
0x128: {  	v46 =	vmax.f32 v10, $0.0e+00;
	v47 =	vmax.f32 v11, $0.0e+00;
	v48 =	vmax.f32 v12, $0.0e+00  }
0x129: {  	v49 =	vmax.f32 v13, $0.0e+00;
	v50 =	vmax.f32 v14, $0.0e+00;
	v51 =	vmax.f32 v15, $0.0e+00  }
0x12a: {  	v52 =	vmax.f32 v24, $0.0e+00;
	v53 =	vmax.f32 v25, $0.0e+00;
	v54 =	vmax.f32 v26, $0.0e+00  }
0x12b: {  	v55 =	vmax.f32 v41, $0.0e+00;
	v19 =	vadd.f32 v20, v19;
	v21 =	vadd.f32 v45, v21  }
0x12c: {  	v59 =	vmax.f32 v56, $0.0e+00;
	v58 =	vadd.f32 v47, v46;
	v60 =	vadd.f32 v49, v48  }
0x12d: {  	v18 =	vmax.f32 v18, $0.0e+00;
	v61 =	vadd.f32 v51, v50;
	v62 =	vadd.f32 v53, v52  }
0x12e: {  	v20 =	vld [tilespmem:s22+$0xFFFFFFE0];
	v63 =	vadd.f32 v55, v54;
	v18 =	vadd.f32 v18, v59  }
0x12f: {  	v19 =	vadd.f32 v21, v19;
	v2 =	vadd.f32 v60, v58  }
0x130: {  	v3 =	vadd.f32 v62, v61;
	v18 =	vadd.f32 v18, v63  }
0x131: {  	v43 =	vadd.f32 v43, v9;
	v44 =	vadd.f32 v44, v9  }
0x132: {  	v19 =	vadd.f32 v2, v19;
	v18 =	vadd.f32 v18, v3  }
0x133: {  	v4 =	vsub.f32 v0, v20;
	v5 =	vsub.f32 v1, v20  }
0x134: {  	v49 =	vld [tilespmem:s22+$0xFFFFFFF0];
	v10 =	vsub.f32 v6, v20;
	v11 =	vsub.f32 v7, v20  }
0x135: {  	v12 =	vsub.f32 v8, v20;
	v13 =	vsub.f32 v29, v20  }
0x136: {  	v14 =	vsub.f32 v30, v20;
	v15 =	vsub.f32 v31, v20  }
0x137: {  	v24 =	vsub.f32 v32, v20;
	v25 =	vsub.f32 v33, v20  }
0x138: {  	v26 =	vsub.f32 v34, v20;
	v41 =	vsub.f32 v35, v20  }
0x139: {  	v57 =	vsub.f32 v38, v20;
	v58 =	vsub.f32 v0, v49  }
0x13a: {  	v59 =	vsub.f32 v1, v49;
	v60 =	vsub.f32 v6, v49  }
0x13b: {  	v61 =	vsub.f32 v7, v49;
	v62 =	vsub.f32 v8, v49  }
0x13c: {  	v63 =	vsub.f32 v29, v49;
	v22 =	vsub.f32 v30, v49  }
0x13d: {  	v2 =	vsub.f32 v31, v49;
	v3 =	vsub.f32 v32, v49  }
0x13e: {  	v54 =	vsub.f32 v35, v49;
	v55 =	vsub.f32 v36, v49  }
0x13f: {  	v17 =	vsub.f32 v38, v49;
	v18 =	vadd.f32 v18, v19;
	v46 =	vmax.f32 v4, $0.0e+00  }
0x140: {  	v47 =	vmax.f32 v5, $0.0e+00;
	v21 =	vmax.f32 v10, $0.0e+00;
	v10 =	vsub.f32 v36, v20  }
0x141: {  	v45 =	vmax.f32 v11, $0.0e+00;
	v11 =	vsub.f32 v37, v20;
	v48 =	vmax.f32 v12, $0.0e+00  }
0x142: {  	v20 =	vsub.f32 v39, v20;
	v19 =	vmax.f32 v13, $0.0e+00;
	v50 =	vmax.f32 v14, $0.0e+00  }
0x143: {  	v51 =	vmax.f32 v15, $0.0e+00;
	v52 =	vmax.f32 v25, $0.0e+00;
	v4 =	vsub.f32 v33, v49  }
0x144: {  	v53 =	vmax.f32 v26, $0.0e+00;
	v5 =	vsub.f32 v34, v49;
	v12 =	vmax.f32 v41, $0.0e+00  }
0x145: {  	v15 =	vsub.f32 v37, v49;
	v16 =	vmax.f32 v57, $0.0e+00;
	v49 =	vsub.f32 v39, v49  }
0x146: {  	v58 =	vmax.f32 v58, $0.0e+00;
	v59 =	vmax.f32 v59, $0.0e+00;
	v60 =	vmax.f32 v60, $0.0e+00  }
0x147: {  	v61 =	vmax.f32 v61, $0.0e+00;
	v62 =	vmax.f32 v62, $0.0e+00;
	v63 =	vmax.f32 v63, $0.0e+00  }
0x148: {  	v22 =	vmax.f32 v22, $0.0e+00;
	v2 =	vmax.f32 v2, $0.0e+00;
	v3 =	vmax.f32 v3, $0.0e+00  }
0x149: {  	v54 =	vmax.f32 v54, $0.0e+00;
	v40 =	vadd.f32 v18, v40;
	v46 =	vadd.f32 v47, v46  }
0x14a: {  	v55 =	vmax.f32 v55, $0.0e+00;
	v21 =	vadd.f32 v45, v21;
	v19 =	vadd.f32 v19, v48  }
0x14b: {  	v57 =	vmax.f32 v17, $0.0e+00;
	v50 =	vadd.f32 v51, v50;
	v45 =	vadd.f32 v12, v53  }
0x14c: {  	v18 =	vmax.f32 v24, $0.0e+00;
	v58 =	vadd.f32 v59, v58;
	v60 =	vadd.f32 v61, v60  }
0x14d: {  	v62 =	vadd.f32 v63, v62;
	v2 =	vadd.f32 v2, v22;
	v13 =	vmax.f32 v10, $0.0e+00  }
0x14e: {  	v14 =	vmax.f32 v11, $0.0e+00;
	v18 =	vadd.f32 v52, v18;
	v20 =	vmax.f32 v20, $0.0e+00  }
0x14f: {  	v4 =	vmax.f32 v4, $0.0e+00;
	v5 =	vmax.f32 v5, $0.0e+00;
	v48 =	vadd.f32 v14, v13  }
0x150: {  	v56 =	vmax.f32 v15, $0.0e+00;
	v20 =	vadd.f32 v20, v16;
	v3 =	vadd.f32 v4, v3  }
0x151: {  	v47 =	vld [tilespmem:s22+$0x0];
	v49 =	vmax.f32 v49, $0.0e+00;
	v5 =	vadd.f32 v54, v5;
	v55 =	vadd.f32 v56, v55  }
0x152: {  	v49 =	vadd.f32 v49, v57;
	v21 =	vadd.f32 v21, v46  }
0x153: {  	v19 =	vadd.f32 v50, v19;
	v46 =	vadd.f32 v60, v58  }
0x154: {  	v18 =	vadd.f32 v45, v18;
	v20 =	vadd.f32 v20, v48  }
0x155: {  	v48 =	vadd.f32 v5, v3;
	v50 =	vadd.f32 v49, v55  }
0x156: {  	v24 =	vsub.f32 v0, v47;
	v25 =	vsub.f32 v1, v47  }
0x157: {  	v26 =	vsub.f32 v6, v47;
	v41 =	vsub.f32 v7, v47  }
0x158: {  	v10 =	vsub.f32 v8, v47;
	v11 =	vsub.f32 v29, v47  }
0x159: {  	v12 =	vsub.f32 v30, v47;
	v13 =	vsub.f32 v31, v47  }
0x15a: {  	v14 =	vsub.f32 v32, v47;
	v15 =	vsub.f32 v33, v47  }
0x15b: {  	v16 =	vsub.f32 v34, v47;
	v17 =	vsub.f32 v35, v47  }
0x15c: {  	v55 =	vadd.f32 v20, v18;
	v53 =	vmax.f32 v24, $0.0e+00;
	v51 =	vmax.f32 v25, $0.0e+00  }
0x15d: {  	v52 =	vmax.f32 v26, $0.0e+00;
	v59 =	vmax.f32 v41, $0.0e+00;
	v24 =	vsub.f32 v36, v47  }
0x15e: {  	v61 =	vmax.f32 v10, $0.0e+00;
	v63 =	vmax.f32 v11, $0.0e+00;
	v22 =	vmax.f32 v12, $0.0e+00  }
0x15f: {  	v4 =	vmax.f32 v13, $0.0e+00;
	v25 =	vsub.f32 v37, v47;
	v26 =	vsub.f32 v38, v47  }
0x160: {  	v47 =	vsub.f32 v39, v47;
	v54 =	vmax.f32 v14, $0.0e+00;
	v56 =	vmax.f32 v15, $0.0e+00  }
0x161: {  	v57 =	vmax.f32 v16, $0.0e+00;
	v51 =	vadd.f32 v51, v53;
	v52 =	vadd.f32 v59, v52  }
0x162: {  	s21 =	sadd.s32 $0x1, s21;
	v61 =	vadd.f32 v63, v61;
	v4 =	vadd.f32 v4, v22;
	v53 =	vmax.f32 v17, $0.0e+00  }
0x163: {  	p1 =	seq.s32 s21, $0x0;
	v54 =	vadd.f32 v56, v54;
	v53 =	vadd.f32 v53, v57;
	v41 =	vmax.f32 v24, $0.0e+00  }
.Ltmp9:
0x164: {  	v63 =	vmax.f32 v25, $0.0e+00;
	v22 =	vmax.f32 v26, $0.0e+00;
	v47 =	vmax.f32 v47, $0.0e+00;
	(pc) =	sbr.rel @p1 .LBB2_12-.Ltmp9, $4  }
0x165: {  	v56 =	vadd.f32 v63, v41;
	v22 =	vadd.f32 v47, v22  }
0x166: {  	v47 =	vadd.f32 v2, v62;
	v49 =	vadd.f32 v52, v51  }
0x167: {  	v51 =	vadd.f32 v4, v61;
	v52 =	vadd.f32 v53, v54  }
0x168: {  	p0 =	por $0x1, $0x1;
	s22 =	sadd.s32 $0x40, s22;
	v45 =	vimm.f32 $0.0e+00;
	v54 =	vadd.f32 v19, v21;
	v53 =	vadd.f32 v22, v56  }
.LBB2_13:
0x169: {  	v2 =	vld [tilespmem:s22+$0x10]  }
0x16a: {  	v0 =	vld [tilespmem:$0x1FF50]  }
0x16b: {  	v1 =	vld [tilespmem:$0x1FF60]  }
0x16c: {  	v14 =	vld [tilespmem:$0x1FF70];
	v3 =	vadd.f32 v47, v46  }
0x16d: {  	v15 =	vld [tilespmem:$0x1FF80];
	v4 =	vadd.f32 v50, v48;
	v5 =	vadd.f32 v51, v49  }
0x16e: {  	v16 =	vld [tilespmem:$0x1FF90];
	v18 =	vadd.f32 v53, v52;
	v19 =	vadd.f32 v55, v54  }
0x16f: {  	v45 =	vadd.f32 v42, v45;
	v3 =	vadd.f32 v4, v3  }
0x170: {  	v42 =	vadd.f32 v18, v5;
	v43 =	vadd.f32 v19, v43  }
0x171: {  	v44 =	vadd.f32 v3, v44;
	v59 =	vsub.f32 v0, v2  }
0x172: {  	v60 =	vsub.f32 v1, v2;
	v61 =	vsub.f32 v14, v2  }
0x173: {  	v62 =	vsub.f32 v15, v2;
	v20 =	vsub.f32 v16, v2  }
0x174: {  	v46 =	vld [tilespmem:s22+$0x0];
	v21 =	vsub.f32 v29, v2;
	v22 =	vsub.f32 v30, v2  }
0x175: {  	v63 =	vsub.f32 v31, v2;
	v8 =	vsub.f32 v32, v2  }
0x176: {  	v9 =	vsub.f32 v33, v2;
	v10 =	vsub.f32 v34, v2  }
0x177: {  	v11 =	vsub.f32 v35, v2;
	v12 =	vsub.f32 v36, v2  }
0x178: {  	v13 =	vsub.f32 v37, v2;
	v24 =	vsub.f32 v38, v2  }
0x179: {  	v2 =	vsub.f32 v39, v2;
	v23 =	vsub.f32 v32, v46  }
0x17a: {  	v27 =	vsub.f32 v37, v46;
	v28 =	vsub.f32 v38, v46;
	v3 =	vmax.f32 v59, $0.0e+00  }
0x17b: {  	v5 =	vmax.f32 v60, $0.0e+00;
	v18 =	vmax.f32 v61, $0.0e+00;
	v19 =	vmax.f32 v62, $0.0e+00  }
0x17c: {  	v20 =	vmax.f32 v20, $0.0e+00;
	v21 =	vmax.f32 v21, $0.0e+00;
	v22 =	vmax.f32 v22, $0.0e+00  }
0x17d: {  	v48 =	vmax.f32 v63, $0.0e+00;
	v49 =	vmax.f32 v8, $0.0e+00;
	v50 =	vmax.f32 v9, $0.0e+00  }
0x17e: {  	v4 =	vld [tilespmem:s22+$0xFFFFFFE0];
	v51 =	vmax.f32 v10, $0.0e+00;
	v52 =	vmax.f32 v11, $0.0e+00;
	v53 =	vmax.f32 v12, $0.0e+00  }
0x17f: {  	v54 =	vmax.f32 v13, $0.0e+00;
	v3 =	vadd.f32 v5, v3;
	v25 =	vadd.f32 v19, v18  }
0x180: {  	v26 =	vmax.f32 v24, $0.0e+00;
	v41 =	vadd.f32 v21, v20;
	v55 =	vadd.f32 v48, v22  }
0x181: {  	v2 =	vmax.f32 v2, $0.0e+00;
	v56 =	vadd.f32 v50, v49;
	v57 =	vadd.f32 v52, v51  }
0x182: {  	v58 =	vadd.f32 v54, v53;
	v2 =	vadd.f32 v2, v26  }
0x183: {  	v61 =	vsub.f32 v0, v4;
	v62 =	vsub.f32 v1, v4  }
0x184: {  	v63 =	vsub.f32 v14, v4;
	v6 =	vsub.f32 v15, v4  }
0x185: {  	v7 =	vsub.f32 v16, v4;
	v8 =	vsub.f32 v29, v4  }
0x186: {  	v9 =	vsub.f32 v30, v4;
	v10 =	vsub.f32 v31, v4  }
0x187: {  	v11 =	vsub.f32 v32, v4;
	v12 =	vsub.f32 v33, v4  }
0x188: {  	v47 =	vld [tilespmem:s22+$0xFFFFFFF0];
	v13 =	vsub.f32 v34, v4;
	v17 =	vsub.f32 v35, v4  }
0x189: {  	v24 =	vsub.f32 v36, v4;
	v26 =	vsub.f32 v38, v4  }
0x18a: {  	v3 =	vadd.f32 v25, v3;
	v59 =	vadd.f32 v55, v41  }
0x18b: {  	v60 =	vadd.f32 v57, v56;
	v2 =	vadd.f32 v2, v58  }
0x18c: {  	v5 =	vmax.f32 v61, $0.0e+00;
	v20 =	vmax.f32 v62, $0.0e+00;
	v25 =	vsub.f32 v37, v4  }
0x18d: {  	v19 =	vmax.f32 v6, $0.0e+00;
	v4 =	vsub.f32 v39, v4;
	v41 =	vsub.f32 v0, v47  }
0x18e: {  	v18 =	vmax.f32 v8, $0.0e+00;
	v56 =	vsub.f32 v1, v47;
	v57 =	vsub.f32 v14, v47  }
0x18f: {  	v22 =	vmax.f32 v9, $0.0e+00;
	v58 =	vsub.f32 v15, v47;
	v61 =	vsub.f32 v30, v47  }
0x190: {  	v48 =	vmax.f32 v10, $0.0e+00;
	v62 =	vsub.f32 v31, v47;
	v6 =	vsub.f32 v33, v47  }
0x191: {  	v21 =	vmax.f32 v11, $0.0e+00;
	v8 =	vsub.f32 v35, v47;
	v9 =	vsub.f32 v36, v47  }
0x192: {  	v49 =	vmax.f32 v12, $0.0e+00;
	v10 =	vsub.f32 v37, v47;
	v11 =	vsub.f32 v38, v47  }
0x193: {  	v50 =	vmax.f32 v13, $0.0e+00;
	v12 =	vsub.f32 v0, v46;
	v13 =	vsub.f32 v1, v46  }
0x194: {  	v23 =	vmax.f32 v23, $0.0e+00;
	v14 =	vsub.f32 v14, v46;
	v15 =	vsub.f32 v15, v46  }
0x195: {  	v51 =	vmax.f32 v17, $0.0e+00;
	v1 =	vsub.f32 v29, v46;
	v17 =	vsub.f32 v30, v46  }
0x196: {  	v52 =	vmax.f32 v24, $0.0e+00;
	v0 =	vsub.f32 v33, v46;
	v24 =	vsub.f32 v34, v46  }
0x197: {  	v54 =	vmax.f32 v26, $0.0e+00;
	v26 =	vsub.f32 v36, v46;
	v5 =	vadd.f32 v20, v5  }
0x198: {  	v27 =	vmax.f32 v27, $0.0e+00;
	v20 =	vadd.f32 v51, v50;
	v3 =	vadd.f32 v59, v3  }
0x199: {  	v28 =	vmax.f32 v28, $0.0e+00;
	v2 =	vadd.f32 v2, v60;
	v59 =	vsub.f32 v16, v47  }
0x19a: {  	v60 =	vsub.f32 v29, v47;
	v53 =	vmax.f32 v25, $0.0e+00;
	v4 =	vmax.f32 v4, $0.0e+00  }
0x19b: {  	v55 =	vmax.f32 v41, $0.0e+00;
	v56 =	vmax.f32 v56, $0.0e+00;
	v57 =	vmax.f32 v57, $0.0e+00  }
0x19c: {  	v16 =	vsub.f32 v16, v46;
	v58 =	vmax.f32 v58, $0.0e+00;
	v41 =	vsub.f32 v31, v46  }
0x19d: {  	v25 =	vsub.f32 v35, v46;
	v61 =	vmax.f32 v61, $0.0e+00;
	v62 =	vmax.f32 v62, $0.0e+00  }
0x19e: {  	v46 =	vsub.f32 v39, v46;
	v6 =	vmax.f32 v6, $0.0e+00;
	v12 =	vmax.f32 v12, $0.0e+00  }
0x19f: {  	v13 =	vmax.f32 v13, $0.0e+00;
	v14 =	vmax.f32 v14, $0.0e+00;
	v15 =	vmax.f32 v15, $0.0e+00  }
0x1a0: {  	v1 =	vmax.f32 v1, $0.0e+00;
	v17 =	vmax.f32 v17, $0.0e+00;
	v0 =	vmax.f32 v0, $0.0e+00  }
0x1a1: {  	v26 =	vmax.f32 v26, $0.0e+00;
	v4 =	vadd.f32 v4, v54;
	v54 =	vadd.f32 v62, v61  }
0x1a2: {  	v24 =	vmax.f32 v24, $0.0e+00;
	v0 =	vadd.f32 v0, v23;
	v61 =	vadd.f32 v27, v26  }
0x1a3: {  	v2 =	vadd.f32 v2, v3;
	v3 =	vmax.f32 v63, $0.0e+00;
	v63 =	vsub.f32 v32, v47  }
0x1a4: {  	v59 =	vmax.f32 v59, $0.0e+00;
	v60 =	vmax.f32 v60, $0.0e+00;
	v3 =	vadd.f32 v19, v3  }
0x1a5: {  	v16 =	vmax.f32 v16, $0.0e+00;
	v19 =	vadd.f32 v49, v21;
	v21 =	vadd.f32 v53, v52  }
0x1a6: {  	v41 =	vmax.f32 v41, $0.0e+00;
	v52 =	vadd.f32 v58, v57;
	v53 =	vadd.f32 v60, v59  }
0x1a7: {  	v25 =	vmax.f32 v25, $0.0e+00;
	v57 =	vadd.f32 v13, v12;
	v58 =	vadd.f32 v15, v14  }
0x1a8: {  	v46 =	vmax.f32 v46, $0.0e+00;
	v1 =	vadd.f32 v1, v16;
	v59 =	vadd.f32 v41, v17  }
0x1a9: {  	v9 =	vmax.f32 v9, $0.0e+00;
	v60 =	vadd.f32 v25, v24;
	v62 =	vadd.f32 v46, v28  }
0x1aa: {  	v40 =	vadd.f32 v2, v40;
	v2 =	vmax.f32 v7, $0.0e+00;
	v7 =	vsub.f32 v34, v47  }
0x1ab: {  	v10 =	vmax.f32 v10, $0.0e+00;
	v47 =	vsub.f32 v39, v47;
	v2 =	vadd.f32 v18, v2  }
0x1ac: {  	v63 =	vmax.f32 v63, $0.0e+00;
	v18 =	vadd.f32 v48, v22;
	v22 =	vadd.f32 v56, v55  }
0x1ad: {  	v8 =	vmax.f32 v8, $0.0e+00;
	v6 =	vadd.f32 v6, v63;
	v55 =	vadd.f32 v10, v9  }
0x1ae: {  	v11 =	vmax.f32 v11, $0.0e+00;
	v3 =	vadd.f32 v3, v5;
	v63 =	vadd.f32 v20, v19  }
0x1af: {  	s21 =	sadd.s32 $0x1, s21;
	v4 =	vadd.f32 v4, v21;
	v49 =	vadd.f32 v58, v57;
	v7 =	vmax.f32 v7, $0.0e+00  }
0x1b0: {  	p1 =	seq.s32 s21, $0x0;
	v51 =	vadd.f32 v59, v1;
	v47 =	vmax.f32 v47, $0.0e+00;
	v7 =	vadd.f32 v8, v7  }
.Ltmp10:
0x1b1: {  	v56 =	vadd.f32 v47, v11;
	v2 =	vadd.f32 v18, v2;
	(pc) =	sbr.rel @!p1 .LBB2_13-.Ltmp10, $4  }
0x1b2: {  	v46 =	vadd.f32 v52, v22;
	v47 =	vadd.f32 v54, v53  }
0x1b3: {  	v52 =	vadd.f32 v60, v0;
	v53 =	vadd.f32 v62, v61  }
0x1b4: {  	v48 =	vadd.f32 v7, v6;
	v50 =	vadd.f32 v56, v55  }
0x1b5: {  	s22 =	sadd.s32 $0x40, s22;
	v54 =	vadd.f32 v2, v3;
	v55 =	vadd.f32 v4, v63  }
.Ltmp11:
0x1b6: {  	(pc) =	sbr.rel .LBB2_15-.Ltmp11, $2  }
0x1b7: {  	_ =	sdelay $0x2  }
0x1b8: {  	v6 =	vld [tilespmem:$0x1FF40];
	v9 =	vimm.f32 $0.0e+00  }
.LBB2_12:
.Ltmp12:
0x1b9: {  	(pc) =	sbr.rel .LBB2_15-.Ltmp12, $2  }
0x1ba: {  	_ =	sdelay $0x2  }
0x1bb: {  	v45 =	vimm.f32 $0.0e+00;
	v6 =	vld [tilespmem:$0x1FF40];
	v9 =	vimm.f32 $0.0e+00  }
.LBB2_18:
0x1bc: {  	_ =	sfence.sel $0x180000  }
0x1bd: {  	[bflag:$0x0] =	sbarrier.arrive $0xFFFF  }
0x1be: {  	p0 =	sne.s32 s0, $0x0;
	_ =	strace $0x90000047  }
0x1bf: {  	s0 =	sadd.s32 @!p0 $0x100000, s1;
	[bflag:$0x2] =	sbarrier.arrive $0xFFFF  }
0x1c0: {  	[sflag:s0] =	ssyncadd.tile.s32 @!p0 $0x1;
	_ =	shalt  }
.Lfunc_end2:
_tile_overlayer_lowered:
.L_overlay_start_2:
0x1c1: {  	(tag) =	ssettag $0x2  }
0x1c2: {  	s0 =	rddreg [dreg:$0x0];
	s2 =	stileid.u32  }
0x1c3: {  	s1 =	rddreg [dreg:$0x1];
	p0 =	sne.s32 s2, $0x0  }
0x1c4: {  	s3 =	rddreg [dreg:$0x2];
	[bflag:$0x3] =	sbarrier.arrive $0xFFFF;
	s2 =	simm.s32 @!p0 $0x1C02  }
0x1c5: {  	[timem:s3], [sflag:s2] =	dma.local @!p0 [hbm:s0], s1  }
0x1c6: {  	s0 =	simm.s32 @!p0 $0x2  }
0x1c7: {  	_ =	swait.ge @!p0 [sflag:s0], s1  }
0x1c8: {  	s1 =	ssub.s32 @!p0 $0x0, s1;
	[sflag:s0] =	ssyncset.done @!p0 $0x0  }
0x1c9: {  	[sflag:s0] =	ssyncadd.s32 @!p0 s1  }
0x1ca: {  	[bflag:$0x3] =	sbarrier.arrive $0xFFFF  }
0x1cb: {  	_ =	shalt  }

</sc_bundles>
